<compile_context>
chip_gen: v7x
topology: tpu7x:2x2x1
jax: 0.10.2.dev20260603
libtpu: 0.0.44.dev20260713+nightly
codegen_flags: <defaults>
</compile_context>

<pallas_src>
import jax
import jax.numpy as jnp
from jax import lax
from jax.experimental import pallas as pl
from jax.experimental.pallas import tpu as pltpu
from jax.experimental.pallas import tpu_sc as plsc

_N = 10000
_E = 320000
_D = 128
_NC = 2
_NS = 16
_NW = _NC * _NS
_EPW = _E // _NW
_K = 128
_NF = 78
_TAIL = _EPW - _NF * _K
_R632 = 632
_RLAST = _N - 15 * _R632
_NP = 10112
_C640 = 640
_CLAST = _NP - 15 * _C640


def _sc_body(x_hbm, edge_hbm, z2_hbm, z1_hbm, psum_hbm, pcnt_hbm,
             src_all, dst0, dst1, dst2, rows0, rows1, dstT, ones_v, zcnt,
             acc, cntacc,
             si0, si1, si2, sg0, sg1, ss0, ss1):
    c = lax.axis_index("c")
    s = lax.axis_index("s")
    wid = s * _NC + c
    base0 = wid * _EPW

    pltpu.async_copy(edge_hbm.at[pl.ds(base0, _EPW)], src_all, si2)

    pltpu.sync_copy(z2_hbm.at[pl.ds(0, _K)], rows0)
    pltpu.sync_copy(z1_hbm.at[pl.ds(0, _C640)], zcnt)

    @pl.when(s < 15)
    def _():
        for j in range(4):
            pltpu.sync_copy(rows0, acc.at[pl.ds(s * _R632 + j * _K, _K)])
        pltpu.sync_copy(rows0.at[pl.ds(0, 120)],
                        acc.at[pl.ds(s * _R632 + 4 * _K, 120)])
        pltpu.sync_copy(zcnt, cntacc.at[pl.ds(s * _C640, _C640)])

    @pl.when(s == 15)
    def _():
        for j in range(4):
            pltpu.sync_copy(rows0, acc.at[pl.ds(15 * _R632 + j * _K, _K)])
        pltpu.sync_copy(rows0.at[pl.ds(0, 8)],
                        acc.at[pl.ds(15 * _R632 + 4 * _K, 8)])
        pltpu.sync_copy(zcnt.at[pl.ds(0, _CLAST)],
                        cntacc.at[pl.ds(15 * _C640, _CLAST)])

    for i in range(_K // 16):
        ones_v[pl.ds(i * 16, 16)] = jnp.ones((16,), jnp.float32)

    pltpu.make_async_copy(edge_hbm.at[pl.ds(base0, _EPW)], src_all, si2).wait()

    plsc.subcore_barrier()

    dsts = (dst0, dst1, dst2)
    isems = (si0, si1, si2)
    rows = (rows0, rows1)
    gsems = (sg0, sg1)
    ssems = (ss0, ss1)

    def start_idx(t, d):
        pltpu.async_copy(edge_hbm.at[pl.ds(_E + base0 + t * _K, _K)],
                         dsts[d], isems[d])

    def wait_idx(t, d):
        pltpu.make_async_copy(edge_hbm.at[pl.ds(_E + base0 + t * _K, _K)],
                              dsts[d], isems[d]).wait()

    def start_gather(t, r):
        pltpu.async_copy(x_hbm.at[src_all.at[pl.ds(t * _K, _K)]],
                         rows[r], gsems[r])

    def wait_gather(t, r):
        pltpu.make_async_copy(x_hbm.at[src_all.at[pl.ds(t * _K, _K)]],
                              rows[r], gsems[r]).wait()

    def start_scatter(r, d):
        pltpu.async_copy(rows[r], acc.at[dsts[d]], ssems[r], add=True)
        pltpu.async_copy(ones_v, cntacc.at[dsts[d]], ssems[r], add=True)

    def wait_scatter(r, d):
        pltpu.make_async_copy(rows[r], acc.at[dsts[d]], ssems[r]).wait()
        pltpu.make_async_copy(ones_v, cntacc.at[dsts[d]], ssems[r]).wait()

    def step(t, k):
        r = k % 2
        d = k % 3
        if k == 0:
            @pl.when(t > 0)
            def _():
                wait_scatter(1, 2)
        else:
            wait_scatter((k - 1) % 2, (k - 1) % 3)

        if k == 5:
            @pl.when(t + 1 < _NF)
            def _():
                wait_idx(t + 1, (k + 1) % 3)
                start_gather(t + 1, (k + 1) % 2)
        else:
            wait_idx(t + 1, (k + 1) % 3)
            start_gather(t + 1, (k + 1) % 2)

        wait_gather(t, r)
        start_scatter(r, d)

        if k >= 4:
            @pl.when(t + 2 < _NF)
            def _():
                start_idx(t + 2, (k + 2) % 3)
        else:
            start_idx(t + 2, (k + 2) % 3)

    start_idx(0, 0)
    start_idx(1, 1)
    wait_idx(0, 0)
    start_gather(0, 0)

    def six(i, carry):
        t0 = 6 * i
        for k in range(6):
            step(t0 + k, k)
        return carry

    lax.fori_loop(0, _NF // 6, six, 0)
    wait_scatter(1, 2)

    tb = base0 + _NF * _K
    pltpu.sync_copy(edge_hbm.at[pl.ds(_E + tb, _TAIL)], dstT)
    pltpu.async_copy(x_hbm.at[src_all.at[pl.ds(_NF * _K, _TAIL)]],
                     rows0.at[pl.ds(0, _TAIL)], sg0).wait()
    pltpu.sync_copy(rows0.at[pl.ds(0, _TAIL)], acc.at[dstT], add=True)
    pltpu.sync_copy(ones_v.at[pl.ds(0, _TAIL)], cntacc.at[dstT], add=True)

    plsc.subcore_barrier()

    @pl.when(s < 15)
    def _():
        for j in range(4):
            pltpu.sync_copy(acc.at[pl.ds(s * _R632 + j * _K, _K)], rows0)
            pltpu.sync_copy(rows0, psum_hbm.at[c, pl.ds(s * _R632 + j * _K, _K)])
        pltpu.sync_copy(acc.at[pl.ds(s * _R632 + 4 * _K, 120)],
                        rows0.at[pl.ds(0, 120)])
        pltpu.sync_copy(rows0.at[pl.ds(0, 120)],
                        psum_hbm.at[c, pl.ds(s * _R632 + 4 * _K, 120)])
        pltpu.sync_copy(cntacc.at[pl.ds(s * _C640, _C640)], zcnt)
        pltpu.sync_copy(zcnt, pcnt_hbm.at[c, pl.ds(s * _C640, _C640)])

    @pl.when(s == 15)
    def _():
        for j in range(4):
            pltpu.sync_copy(acc.at[pl.ds(15 * _R632 + j * _K, _K)], rows0)
            pltpu.sync_copy(rows0, psum_hbm.at[c, pl.ds(15 * _R632 + j * _K, _K)])
        pltpu.sync_copy(acc.at[pl.ds(15 * _R632 + 4 * _K, 8)],
                        rows0.at[pl.ds(0, 8)])
        pltpu.sync_copy(rows0.at[pl.ds(0, 8)],
                        psum_hbm.at[c, pl.ds(15 * _R632 + 4 * _K, 8)])
        pltpu.sync_copy(cntacc.at[pl.ds(15 * _C640, _CLAST)],
                        zcnt.at[pl.ds(0, _CLAST)])
        pltpu.sync_copy(zcnt.at[pl.ds(0, _CLAST)],
                        pcnt_hbm.at[c, pl.ds(15 * _C640, _CLAST)])


def _sc_segment_sum(x, edge_index):
    mesh = plsc.VectorSubcoreMesh(core_axis_name="c", subcore_axis_name="s")
    z2 = jnp.zeros((_N, _D), jnp.float32)
    z1 = jnp.zeros((_NP,), jnp.float32)
    run = pl.kernel(
        _sc_body,
        out_type=(
            jax.ShapeDtypeStruct((_NC, _N, _D), jnp.float32),
            jax.ShapeDtypeStruct((_NC, _NP), jnp.float32),
        ),
        mesh=mesh,
        scratch_types=[
            pltpu.VMEM((_EPW,), jnp.int32),
            pltpu.VMEM((_K,), jnp.int32),
            pltpu.VMEM((_K,), jnp.int32),
            pltpu.VMEM((_K,), jnp.int32),
            pltpu.VMEM((_K, _D), jnp.float32),
            pltpu.VMEM((_K, _D), jnp.float32),
            pltpu.VMEM((_TAIL,), jnp.int32),
            pltpu.VMEM((_K,), jnp.float32),
            pltpu.VMEM((_C640,), jnp.float32),
            pltpu.VMEM_SHARED((_N, _D), jnp.float32),
            pltpu.VMEM_SHARED((_NP,), jnp.float32),
            pltpu.SemaphoreType.DMA,
            pltpu.SemaphoreType.DMA,
            pltpu.SemaphoreType.DMA,
            pltpu.SemaphoreType.DMA,
            pltpu.SemaphoreType.DMA,
            pltpu.SemaphoreType.DMA,
            pltpu.SemaphoreType.DMA,
        ],
    )
    return run(x, edge_index.reshape(-1), z2, z1)


_R = 2000


def _tc_pre_body(x_ref, wr_ref, bl_ref, w1_ref, w2_ref,
                 y_ref, w1n_ref, w2n_ref):
    y_ref[...] = (jnp.dot(x_ref[...], wr_ref[...].T,
                          preferred_element_type=jnp.float32,
                          precision=lax.Precision.HIGHEST)
                  + bl_ref[...])
    w1 = w1_ref[...]
    w1n_ref[...] = w1 / jnp.maximum(
        jnp.sqrt(jnp.sum(w1 * w1, axis=0, keepdims=True)), 1e-12)
    w2 = w2_ref[...]
    w2n_ref[...] = w2 / jnp.maximum(
        jnp.sqrt(jnp.sum(w2 * w2, axis=0, keepdims=True)), 1e-12)


def _tc_pre(x, W_r, b_l, W1, W2):
    c1 = W1.shape[1]
    c2 = W2.shape[1]
    return pl.pallas_call(
        _tc_pre_body,
        grid=(_N // _R,),
        in_specs=[
            pl.BlockSpec((_R, _D), lambda i: (i, 0)),
            pl.BlockSpec((_D, _D), lambda i: (0, 0)),
            pl.BlockSpec((1, _D), lambda i: (0, 0)),
            pl.BlockSpec((_D, c1), lambda i: (0, 0)),
            pl.BlockSpec((_D, c2), lambda i: (0, 0)),
        ],
        out_specs=[
            pl.BlockSpec((_R, _D), lambda i: (i, 0)),
            pl.BlockSpec((_D, c1), lambda i: (0, 0)),
            pl.BlockSpec((_D, c2), lambda i: (0, 0)),
        ],
        out_shape=[
            jax.ShapeDtypeStruct((_N, _D), jnp.float32),
            jax.ShapeDtypeStruct((_D, c1), jnp.float32),
            jax.ShapeDtypeStruct((_D, c2), jnp.float32),
        ],
    )(x, W_r, b_l, W1, W2)


def _tc_post_body(psum_ref, pcnt_ref, y_ref, wl_ref, w1n_ref, w2n_ref,
                  out1_ref, out2_ref, x1_ref):
    summed = psum_ref[0] + psum_ref[1]
    cnt = pcnt_ref[:, 0:1] + pcnt_ref[:, 1:2]
    mean = summed / jnp.maximum(cnt, 1.0)
    x1 = (jnp.dot(mean, wl_ref[...].T, preferred_element_type=jnp.float32,
                  precision=lax.Precision.HIGHEST)
          + y_ref[...])
    x1_ref[...] = x1
    norm = jnp.sqrt(jnp.sum(x1 * x1, axis=1, keepdims=True))
    xn = x1 / jnp.maximum(norm, 1e-12)
    out1_ref[...] = 10.0 * jnp.dot(xn, w1n_ref[...],
                                   preferred_element_type=jnp.float32,
                                   precision=lax.Precision.HIGHEST)
    out2_ref[...] = 10.0 * jnp.dot(xn, w2n_ref[...],
                                   preferred_element_type=jnp.float32,
                                   precision=lax.Precision.HIGHEST)


def _tc_post(psum, pcnt_t, y, W_l, W1n, W2n):
    c1 = W1n.shape[1]
    c2 = W2n.shape[1]
    return pl.pallas_call(
        _tc_post_body,
        grid=(_N // _R,),
        in_specs=[
            pl.BlockSpec((_NC, _R, _D), lambda i: (0, i, 0)),
            pl.BlockSpec((_R, _NC), lambda i: (i, 0)),
            pl.BlockSpec((_R, _D), lambda i: (i, 0)),
            pl.BlockSpec((_D, _D), lambda i: (0, 0)),
            pl.BlockSpec((_D, c1), lambda i: (0, 0)),
            pl.BlockSpec((_D, c2), lambda i: (0, 0)),
        ],
        out_specs=[
            pl.BlockSpec((_R, c1), lambda i: (i, 0)),
            pl.BlockSpec((_R, c2), lambda i: (i, 0)),
            pl.BlockSpec((_R, _D), lambda i: (i, 0)),
        ],
        out_shape=[
            jax.ShapeDtypeStruct((_N, c1), jnp.float32),
            jax.ShapeDtypeStruct((_N, c2), jnp.float32),
            jax.ShapeDtypeStruct((_N, _D), jnp.float32),
        ],
    )(psum, pcnt_t, y, W_l, W1n, W2n)


@jax.jit
def kernel(x, edge_index, W_l, b_l, W_r, W1, W2):
    psum, pcnt = _sc_segment_sum(x, edge_index)
    y, W1n, W2n = _tc_pre(x, W_r, b_l[None, :], W1, W2)
    out1, out2, x1 = _tc_post(psum, pcnt[:, :_N].T, y, W_l, W1n, W2n)
    return (out1, out2, x1)

# --- scband reference (transcript-rebuilt; emitter-appended) ---
"""Pipeline reference for scband-encoder-modified-1176821039648 (READ-ONLY COPY).

The authoritative reference and input builder live on the scoring server;
editing this copy changes nothing except your own understanding.
"""

import jax, jax.numpy as jnp
import numpy as np

N = 10000
E = 320000
D = 128
C1 = 50
C2 = 100


def _normalize(v, axis):
    n = jnp.linalg.norm(v, axis=axis, keepdims=True)
    return v / jnp.maximum(n, 1e-12)


def setup_inputs(seed: int = 0) -> dict:
    key = jax.random.key(seed)
    ks = jax.random.split(key, 8)
    x = jax.random.normal(ks[0], (N, D), dtype=jnp.float32)
    edge_index = jax.random.randint(ks[1], (2, E), 0, N, dtype=jnp.int32)
    # SAGEConv params (PyG default: lin_l has bias, lin_r has no bias)
    W_l = jax.random.normal(ks[2], (D, D), dtype=jnp.float32) * 0.05
    b_l = jnp.zeros((D,), dtype=jnp.float32)
    W_r = jax.random.normal(ks[3], (D, D), dtype=jnp.float32) * 0.05
    # NormedLinear weights: (in_features, out_features)
    W1 = jax.random.uniform(ks[4], (D, C1), dtype=jnp.float32, minval=-1.0, maxval=1.0)
    W2 = jax.random.uniform(ks[5], (D, C2), dtype=jnp.float32, minval=-1.0, maxval=1.0)
    return {"x": x, "edge_index": edge_index, "W_l": W_l, "b_l": b_l, "W_r": W_r, "W1": W1, "W2": W2}


def reference(x, edge_index, W_l, b_l, W_r, W1, W2):
    src = edge_index[0]
    dst = edge_index[1]
    # SAGEConv with mean aggregation: gather messages from src, mean-reduce at dst
    msg = jnp.take(x, src, axis=0)
    summed = jax.ops.segment_sum(msg, dst, num_segments=N)
    cnt = jax.ops.segment_sum(jnp.ones((E,), dtype=x.dtype), dst, num_segments=N)
    mean = summed / jnp.maximum(cnt, 1.0)[:, None]
    x1 = mean @ W_l.T + b_l + x @ W_r.T
    # NormedLinear heads: 10 * normalize(x, dim=1) @ normalize(W, dim=0)
    xn = _normalize(x1, 1)
    out1 = 10.0 * (xn @ _normalize(W1, 0))
    out2 = 10.0 * (xn @ _normalize(W2, 0))
    return (out1, out2, x1)

if __name__ == "__main__":
    import jax
    _d = setup_inputs()
    print(jax.jit(kernel)(*tuple(_d.values())))

</pallas_src>

<mosaic_0001>
#map = affine_map<(d0, d1) -> (0, 0)>
#map1 = affine_map<(d0, d1) -> (0)>
#map2 = affine_map<(d0, d1) -> (0, 0, 0)>
module attributes {stable_mosaic.version = 14 : i64} {
  func.func @_sc_body(%arg0: i32, %arg1: i32, %arg2: memref<10000x128xf32, #tpu.memory_space<hbm>>, %arg3: memref<640000xi32, #tpu.memory_space<hbm>>, %arg4: memref<10000x128xf32, #tpu.memory_space<hbm>>, %arg5: memref<10112xf32, #tpu.memory_space<hbm>>, %arg6: memref<2x10000x128xf32, #tpu.memory_space<hbm>>, %arg7: memref<2x10112xf32, #tpu.memory_space<hbm>>, %arg8: memref<10000xi32, #tpu.memory_space<vmem>>, %arg9: memref<128xi32, #tpu.memory_space<vmem>>, %arg10: memref<128xi32, #tpu.memory_space<vmem>>, %arg11: memref<128xi32, #tpu.memory_space<vmem>>, %arg12: memref<128x128xf32, #tpu.memory_space<vmem>>, %arg13: memref<128x128xf32, #tpu.memory_space<vmem>>, %arg14: memref<16xi32, #tpu.memory_space<vmem>>, %arg15: memref<128xf32, #tpu.memory_space<vmem>>, %arg16: memref<640xf32, #tpu.memory_space<vmem>>, %arg17: memref<10000x128xf32, #tpu.memory_space<vmem_shared>>, %arg18: memref<10112xf32, #tpu.memory_space<vmem_shared>>, %arg19: memref<!tpu.dma_semaphore, #tpu.memory_space<semaphore_mem>>, %arg20: memref<!tpu.dma_semaphore, #tpu.memory_space<semaphore_mem>>, %arg21: memref<!tpu.dma_semaphore, #tpu.memory_space<semaphore_mem>>, %arg22: memref<!tpu.dma_semaphore, #tpu.memory_space<semaphore_mem>>, %arg23: memref<!tpu.dma_semaphore, #tpu.memory_space<semaphore_mem>>, %arg24: memref<!tpu.dma_semaphore, #tpu.memory_space<semaphore_mem>>, %arg25: memref<!tpu.dma_semaphore, #tpu.memory_space<semaphore_mem>>) attributes {dimension_semantics = [#tpu.dimension_semantics<core_parallel>, #tpu.dimension_semantics<subcore_parallel>], iteration_bounds = array<i64: 2, 16>, scalar_prefetch = 0 : i64, scratch_operands = 18 : i64, tpu.core_type = #tpu.core_type<sc_vector_subcore>, window_params = [{transform_indices = #map}, {transform_indices = #map1}, {transform_indices = #map}, {transform_indices = #map1}, {transform_indices = #map2}, {transform_indices = #map}]} {
    %mul3A = arith.constant 2 : i32
    %mul3A_0 = arith.muli %arg1, %mul3A : i32
    %add3A = arith.addi %mul3A_0, %arg0 : i32
    %mul3A_1 = arith.constant 10000 : i32
    %mul3A_2 = arith.muli %add3A, %mul3A_1 : i32
    %dma_start3A = tpu.memref_slice %arg3[%mul3A_2] : memref<640000xi32, #tpu.memory_space<hbm>> -> memref<10000xi32, #tpu.memory_space<hbm>>
    %dma_start3A_3 = tpu.memref_slice %arg3[%mul3A_2] : memref<640000xi32, #tpu.memory_space<hbm>> -> memref<10000xi32, #tpu.memory_space<hbm>>
    tpu.enqueue_dma source(%dma_start3A_3 : memref<10000xi32, #tpu.memory_space<hbm>>) target(%arg8 : memref<10000xi32, #tpu.memory_space<vmem>>) target_semaphore(%arg21 : memref<!tpu.dma_semaphore, #tpu.memory_space<semaphore_mem>>)
    "tpu.region"() ({
      %run_scoped3A = tpu.sem_alloc : memref<!tpu.dma_semaphore, #tpu.memory_space<semaphore_mem>>
      %dma_start3A_121 = arith.constant 0 : i32
      %dma_start3A_122 = arith.constant 0 : i32
      %dma_start3A_123 = tpu.memref_slice %arg4[%dma_start3A_121, %dma_start3A_122] : memref<10000x128xf32, #tpu.memory_space<hbm>> -> memref<128x128xf32, #tpu.memory_space<hbm>>
      %dma_start3A_124 = arith.constant 0 : i32
      %dma_start3A_125 = arith.constant 0 : i32
      %dma_start3A_126 = tpu.memref_slice %arg4[%dma_start3A_124, %dma_start3A_125] : memref<10000x128xf32, #tpu.memory_space<hbm>> -> memref<128x128xf32, #tpu.memory_space<hbm>>
      tpu.enqueue_dma source(%dma_start3A_126 : memref<128x128xf32, #tpu.memory_space<hbm>>) target(%arg12 : memref<128x128xf32, #tpu.memory_space<vmem>>) target_semaphore(%run_scoped3A : memref<!tpu.dma_semaphore, #tpu.memory_space<semaphore_mem>>)
      %dma_wait3A_127 = arith.constant 0 : i32
      %dma_wait3A_128 = arith.constant 0 : i32
      %dma_wait3A_129 = tpu.memref_slice %arg4[%dma_wait3A_127, %dma_wait3A_128] : memref<10000x128xf32, #tpu.memory_space<hbm>> -> memref<128x128xf32, #tpu.memory_space<hbm>>
      %dma_wait3A_130 = arith.constant 0 : i32
      %dma_wait3A_131 = arith.constant 0 : i32
      %dma_wait3A_132 = tpu.memref_slice %arg4[%dma_wait3A_130, %dma_wait3A_131] : memref<10000x128xf32, #tpu.memory_space<hbm>> -> memref<128x128xf32, #tpu.memory_space<hbm>>
      tpu.wait_dma2 semaphore(%run_scoped3A : memref<!tpu.dma_semaphore, #tpu.memory_space<semaphore_mem>>) src(%dma_wait3A_132 : memref<128x128xf32, #tpu.memory_space<hbm>>) dst(%arg12 : memref<128x128xf32, #tpu.memory_space<vmem>>)
      tpu.yield
    }) : () -> ()
    "tpu.region"() ({
      %run_scoped3A = tpu.sem_alloc : memref<!tpu.dma_semaphore, #tpu.memory_space<semaphore_mem>>
      %dma_start3A_121 = arith.constant 0 : i32
      %dma_start3A_122 = tpu.memref_slice %arg5[%dma_start3A_121] : memref<10112xf32, #tpu.memory_space<hbm>> -> memref<640xf32, #tpu.memory_space<hbm>>
      %dma_start3A_123 = arith.constant 0 : i32
      %dma_start3A_124 = tpu.memref_slice %arg5[%dma_start3A_123] : memref<10112xf32, #tpu.memory_space<hbm>> -> memref<640xf32, #tpu.memory_space<hbm>>
      tpu.enqueue_dma source(%dma_start3A_124 : memref<640xf32, #tpu.memory_space<hbm>>) target(%arg16 : memref<640xf32, #tpu.memory_space<vmem>>) target_semaphore(%run_scoped3A : memref<!tpu.dma_semaphore, #tpu.memory_space<semaphore_mem>>)
      %dma_wait3A_125 = arith.constant 0 : i32
      %dma_wait3A_126 = tpu.memref_slice %arg5[%dma_wait3A_125] : memref<10112xf32, #tpu.memory_space<hbm>> -> memref<640xf32, #tpu.memory_space<hbm>>
      %dma_wait3A_127 = arith.constant 0 : i32
      %dma_wait3A_128 = tpu.memref_slice %arg5[%dma_wait3A_127] : memref<10112xf32, #tpu.memory_space<hbm>> -> memref<640xf32, #tpu.memory_space<hbm>>
      tpu.wait_dma2 semaphore(%run_scoped3A : memref<!tpu.dma_semaphore, #tpu.memory_space<semaphore_mem>>) src(%dma_wait3A_128 : memref<640xf32, #tpu.memory_space<hbm>>) dst(%arg16 : memref<640xf32, #tpu.memory_space<vmem>>)
      tpu.yield
    }) : () -> ()
    %lt3A = arith.constant 15 : i32
    %lt3A_4 = arith.cmpi slt, %arg1, %lt3A : i32
    %convert_element_type3A = arith.extui %lt3A_4 : i1 to i32
    %cond3A = arith.constant 0 : i32
    %cond3A_5 = arith.cmpi ne, %convert_element_type3A, %cond3A : i32
    scf.if %cond3A_5 {
      %mul3A_121 = arith.constant 632 : i32
      %mul3A_122 = arith.muli %arg1, %mul3A_121 : i32
      %add3A_123 = arith.constant 0 : i32
      %add3A_124 = arith.addi %mul3A_122, %add3A_123 : i32
      "tpu.region"() ({
        %run_scoped3A = tpu.sem_alloc : memref<!tpu.dma_semaphore, #tpu.memory_space<semaphore_mem>>
        %dma_start3A_143 = arith.constant 0 : i32
        %dma_start3A_144 = tpu.memref_slice %arg17[%add3A_124, %dma_start3A_143] : memref<10000x128xf32, #tpu.memory_space<vmem_shared>> -> memref<128x128xf32, #tpu.memory_space<vmem_shared>>
        %dma_start3A_145 = arith.constant 0 : i32
        %dma_start3A_146 = tpu.memref_slice %arg17[%add3A_124, %dma_start3A_145] : memref<10000x128xf32, #tpu.memory_space<vmem_shared>> -> memref<128x128xf32, #tpu.memory_space<vmem_shared>>
        tpu.enqueue_dma source(%arg12 : memref<128x128xf32, #tpu.memory_space<vmem>>) target(%dma_start3A_146 : memref<128x128xf32, #tpu.memory_space<vmem_shared>>) target_semaphore(%run_scoped3A : memref<!tpu.dma_semaphore, #tpu.memory_space<semaphore_mem>>)
        %dma_wait3A_147 = arith.constant 0 : i32
        %dma_wait3A_148 = tpu.memref_slice %arg17[%add3A_124, %dma_wait3A_147] : memref<10000x128xf32, #tpu.memory_space<vmem_shared>> -> memref<128x128xf32, #tpu.memory_space<vmem_shared>>
        %dma_wait3A_149 = arith.constant 0 : i32
        %dma_wait3A_150 = tpu.memref_slice %arg17[%add3A_124, %dma_wait3A_149] : memref<10000x128xf32, #tpu.memory_space<vmem_shared>> -> memref<128x128xf32, #tpu.memory_space<vmem_shared>>
        tpu.wait_dma2 semaphore(%run_scoped3A : memref<!tpu.dma_semaphore, #tpu.memory_space<semaphore_mem>>) src(%arg12 : memref<128x128xf32, #tpu.memory_space<vmem>>) dst(%dma_wait3A_150 : memref<128x128xf32, #tpu.memory_space<vmem_shared>>)
        tpu.yield
      }) : () -> ()
      %mul3A_125 = arith.constant 632 : i32
      %mul3A_126 = arith.muli %arg1, %mul3A_125 : i32
      %add3A_127 = arith.constant 128 : i32
      %add3A_128 = arith.addi %mul3A_126, %add3A_127 : i32
      "tpu.region"() ({
        %run_scoped3A = tpu.sem_alloc : memref<!tpu.dma_semaphore, #tpu.memory_space<semaphore_mem>>
        %dma_start3A_143 = arith.constant 0 : i32
        %dma_start3A_144 = tpu.memref_slice %arg17[%add3A_128, %dma_start3A_143] : memref<10000x128xf32, #tpu.memory_space<vmem_shared>> -> memref<128x128xf32, #tpu.memory_space<vmem_shared>>
        %dma_start3A_145 = arith.constant 0 : i32
        %dma_start3A_146 = tpu.memref_slice %arg17[%add3A_128, %dma_start3A_145] : memref<10000x128xf32, #tpu.memory_space<vmem_shared>> -> memref<128x128xf32, #tpu.memory_space<vmem_shared>>
        tpu.enqueue_dma source(%arg12 : memref<128x128xf32, #tpu.memory_space<vmem>>) target(%dma_start3A_146 : memref<128x128xf32, #tpu.memory_space<vmem_shared>>) target_semaphore(%run_scoped3A : memref<!tpu.dma_semaphore, #tpu.memory_space<semaphore_mem>>)
        %dma_wait3A_147 = arith.constant 0 : i32
        %dma_wait3A_148 = tpu.memref_slice %arg17[%add3A_128, %dma_wait3A_147] : memref<10000x128xf32, #tpu.memory_space<vmem_shared>> -> memref<128x128xf32, #tpu.memory_space<vmem_shared>>
        %dma_wait3A_149 = arith.constant 0 : i32
        %dma_wait3A_150 = tpu.memref_slice %arg17[%add3A_128, %dma_wait3A_149] : memref<10000x128xf32, #tpu.memory_space<vmem_shared>> -> memref<128x128xf32, #tpu.memory_space<vmem_shared>>
        tpu.wait_dma2 semaphore(%run_scoped3A : memref<!tpu.dma_semaphore, #tpu.memory_space<semaphore_mem>>) src(%arg12 : memref<128x128xf32, #tpu.memory_space<vmem>>) dst(%dma_wait3A_150 : memref<128x128xf32, #tpu.memory_space<vmem_shared>>)
        tpu.yield
      }) : () -> ()
      %mul3A_129 = arith.constant 632 : i32
      %mul3A_130 = arith.muli %arg1, %mul3A_129 : i32
      %add3A_131 = arith.constant 256 : i32
      %add3A_132 = arith.addi %mul3A_130, %add3A_131 : i32
      "tpu.region"() ({
        %run_scoped3A = tpu.sem_alloc : memref<!tpu.dma_semaphore, #tpu.memory_space<semaphore_mem>>
        %dma_start3A_143 = arith.constant 0 : i32
        %dma_start3A_144 = tpu.memref_slice %arg17[%add3A_132, %dma_start3A_143] : memref<10000x128xf32, #tpu.memory_space<vmem_shared>> -> memref<128x128xf32, #tpu.memory_space<vmem_shared>>
        %dma_start3A_145 = arith.constant 0 : i32
        %dma_start3A_146 = tpu.memref_slice %arg17[%add3A_132, %dma_start3A_145] : memref<10000x128xf32, #tpu.memory_space<vmem_shared>> -> memref<128x128xf32, #tpu.memory_space<vmem_shared>>
        tpu.enqueue_dma source(%arg12 : memref<128x128xf32, #tpu.memory_space<vmem>>) target(%dma_start3A_146 : memref<128x128xf32, #tpu.memory_space<vmem_shared>>) target_semaphore(%run_scoped3A : memref<!tpu.dma_semaphore, #tpu.memory_space<semaphore_mem>>)
        %dma_wait3A_147 = arith.constant 0 : i32
        %dma_wait3A_148 = tpu.memref_slice %arg17[%add3A_132, %dma_wait3A_147] : memref<10000x128xf32, #tpu.memory_space<vmem_shared>> -> memref<128x128xf32, #tpu.memory_space<vmem_shared>>
        %dma_wait3A_149 = arith.constant 0 : i32
        %dma_wait3A_150 = tpu.memref_slice %arg17[%add3A_132, %dma_wait3A_149] : memref<10000x128xf32, #tpu.memory_space<vmem_shared>> -> memref<128x128xf32, #tpu.memory_space<vmem_shared>>
        tpu.wait_dma2 semaphore(%run_scoped3A : memref<!tpu.dma_semaphore, #tpu.memory_space<semaphore_mem>>) src(%arg12 : memref<128x128xf32, #tpu.memory_space<vmem>>) dst(%dma_wait3A_150 : memref<128x128xf32, #tpu.memory_space<vmem_shared>>)
        tpu.yield
      }) : () -> ()
      %mul3A_133 = arith.constant 632 : i32
      %mul3A_134 = arith.muli %arg1, %mul3A_133 : i32
      %add3A_135 = arith.constant 384 : i32
      %add3A_136 = arith.addi %mul3A_134, %add3A_135 : i32
      "tpu.region"() ({
        %run_scoped3A = tpu.sem_alloc : memref<!tpu.dma_semaphore, #tpu.memory_space<semaphore_mem>>
        %dma_start3A_143 = arith.constant 0 : i32
        %dma_start3A_144 = tpu.memref_slice %arg17[%add3A_136, %dma_start3A_143] : memref<10000x128xf32, #tpu.memory_space<vmem_shared>> -> memref<128x128xf32, #tpu.memory_space<vmem_shared>>
        %dma_start3A_145 = arith.constant 0 : i32
        %dma_start3A_146 = tpu.memref_slice %arg17[%add3A_136, %dma_start3A_145] : memref<10000x128xf32, #tpu.memory_space<vmem_shared>> -> memref<128x128xf32, #tpu.memory_space<vmem_shared>>
        tpu.enqueue_dma source(%arg12 : memref<128x128xf32, #tpu.memory_space<vmem>>) target(%dma_start3A_146 : memref<128x128xf32, #tpu.memory_space<vmem_shared>>) target_semaphore(%run_scoped3A : memref<!tpu.dma_semaphore, #tpu.memory_space<semaphore_mem>>)
        %dma_wait3A_147 = arith.constant 0 : i32
        %dma_wait3A_148 = tpu.memref_slice %arg17[%add3A_136, %dma_wait3A_147] : memref<10000x128xf32, #tpu.memory_space<vmem_shared>> -> memref<128x128xf32, #tpu.memory_space<vmem_shared>>
        %dma_wait3A_149 = arith.constant 0 : i32
        %dma_wait3A_150 = tpu.memref_slice %arg17[%add3A_136, %dma_wait3A_149] : memref<10000x128xf32, #tpu.memory_space<vmem_shared>> -> memref<128x128xf32, #tpu.memory_space<vmem_shared>>
        tpu.wait_dma2 semaphore(%run_scoped3A : memref<!tpu.dma_semaphore, #tpu.memory_space<semaphore_mem>>) src(%arg12 : memref<128x128xf32, #tpu.memory_space<vmem>>) dst(%dma_wait3A_150 : memref<128x128xf32, #tpu.memory_space<vmem_shared>>)
        tpu.yield
      }) : () -> ()
      %mul3A_137 = arith.constant 632 : i32
      %mul3A_138 = arith.muli %arg1, %mul3A_137 : i32
      %add3A_139 = arith.constant 512 : i32
      %add3A_140 = arith.addi %mul3A_138, %add3A_139 : i32
      "tpu.region"() ({
        %run_scoped3A = tpu.sem_alloc : memref<!tpu.dma_semaphore, #tpu.memory_space<semaphore_mem>>
        %dma_start3A_143 = arith.constant 0 : i32
        %dma_start3A_144 = arith.constant 0 : i32
        %dma_start3A_145 = tpu.memref_slice %arg12[%dma_start3A_143, %dma_start3A_144] : memref<128x128xf32, #tpu.memory_space<vmem>> -> memref<120x128xf32, #tpu.memory_space<vmem>>
        %dma_start3A_146 = arith.constant 0 : i32
        %dma_start3A_147 = tpu.memref_slice %arg17[%add3A_140, %dma_start3A_146] : memref<10000x128xf32, #tpu.memory_space<vmem_shared>> -> memref<120x128xf32, #tpu.memory_space<vmem_shared>>
        %dma_start3A_148 = arith.constant 0 : i32
        %dma_start3A_149 = tpu.memref_slice %arg17[%add3A_140, %dma_start3A_148] : memref<10000x128xf32, #tpu.memory_space<vmem_shared>> -> memref<120x128xf32, #tpu.memory_space<vmem_shared>>
        %dma_start3A_150 = arith.constant 0 : i32
        %dma_start3A_151 = arith.constant 0 : i32
        %dma_start3A_152 = tpu.memref_slice %arg12[%dma_start3A_150, %dma_start3A_151] : memref<128x128xf32, #tpu.memory_space<vmem>> -> memref<120x128xf32, #tpu.memory_space<vmem>>
        tpu.enqueue_dma source(%dma_start3A_152 : memref<120x128xf32, #tpu.memory_space<vmem>>) target(%dma_start3A_149 : memref<120x128xf32, #tpu.memory_space<vmem_shared>>) target_semaphore(%run_scoped3A : memref<!tpu.dma_semaphore, #tpu.memory_space<semaphore_mem>>)
        %dma_wait3A_153 = arith.constant 0 : i32
        %dma_wait3A_154 = arith.constant 0 : i32
        %dma_wait3A_155 = tpu.memref_slice %arg12[%dma_wait3A_153, %dma_wait3A_154] : memref<128x128xf32, #tpu.memory_space<vmem>> -> memref<120x128xf32, #tpu.memory_space<vmem>>
        %dma_wait3A_156 = arith.constant 0 : i32
        %dma_wait3A_157 = tpu.memref_slice %arg17[%add3A_140, %dma_wait3A_156] : memref<10000x128xf32, #tpu.memory_space<vmem_shared>> -> memref<120x128xf32, #tpu.memory_space<vmem_shared>>
        %dma_wait3A_158 = arith.constant 0 : i32
        %dma_wait3A_159 = tpu.memref_slice %arg17[%add3A_140, %dma_wait3A_158] : memref<10000x128xf32, #tpu.memory_space<vmem_shared>> -> memref<120x128xf32, #tpu.memory_space<vmem_shared>>
        %dma_wait3A_160 = arith.constant 0 : i32
        %dma_wait3A_161 = arith.constant 0 : i32
        %dma_wait3A_162 = tpu.memref_slice %arg12[%dma_wait3A_160, %dma_wait3A_161] : memref<128x128xf32, #tpu.memory_space<vmem>> -> memref<120x128xf32, #tpu.memory_space<vmem>>
        tpu.wait_dma2 semaphore(%run_scoped3A : memref<!tpu.dma_semaphore, #tpu.memory_space<semaphore_mem>>) src(%dma_wait3A_162 : memref<120x128xf32, #tpu.memory_space<vmem>>) dst(%dma_wait3A_159 : memref<120x128xf32, #tpu.memory_space<vmem_shared>>)
        tpu.yield
      }) : () -> ()
      %mul3A_141 = arith.constant 640 : i32
      %mul3A_142 = arith.muli %arg1, %mul3A_141 : i32
      "tpu.region"() ({
        %run_scoped3A = tpu.sem_alloc : memref<!tpu.dma_semaphore, #tpu.memory_space<semaphore_mem>>
        %dma_start3A_143 = tpu.memref_slice %arg18[%mul3A_142] : memref<10112xf32, #tpu.memory_space<vmem_shared>> -> memref<640xf32, #tpu.memory_space<vmem_shared>>
        %dma_start3A_144 = tpu.memref_slice %arg18[%mul3A_142] : memref<10112xf32, #tpu.memory_space<vmem_shared>> -> memref<640xf32, #tpu.memory_space<vmem_shared>>
        tpu.enqueue_dma source(%arg16 : memref<640xf32, #tpu.memory_space<vmem>>) target(%dma_start3A_144 : memref<640xf32, #tpu.memory_space<vmem_shared>>) target_semaphore(%run_scoped3A : memref<!tpu.dma_semaphore, #tpu.memory_space<semaphore_mem>>)
        %dma_wait3A_145 = tpu.memref_slice %arg18[%mul3A_142] : memref<10112xf32, #tpu.memory_space<vmem_shared>> -> memref<640xf32, #tpu.memory_space<vmem_shared>>
        %dma_wait3A_146 = tpu.memref_slice %arg18[%mul3A_142] : memref<10112xf32, #tpu.memory_space<vmem_shared>> -> memref<640xf32, #tpu.memory_space<vmem_shared>>
        tpu.wait_dma2 semaphore(%run_scoped3A : memref<!tpu.dma_semaphore, #tpu.memory_space<semaphore_mem>>) src(%arg16 : memref<640xf32, #tpu.memory_space<vmem>>) dst(%dma_wait3A_146 : memref<640xf32, #tpu.memory_space<vmem_shared>>)
        tpu.yield
      }) : () -> ()
    } else {
    }
    %eq3A = arith.constant 15 : i32
    %eq3A_6 = arith.cmpi eq, %arg1, %eq3A : i32
    %convert_element_type3A_7 = arith.extui %eq3A_6 : i1 to i32
    %cond3A_8 = arith.constant 0 : i32
    %cond3A_9 = arith.cmpi ne, %convert_element_type3A_7, %cond3A_8 : i32
    scf.if %cond3A_9 {
      "tpu.region"() ({
        %run_scoped3A = tpu.sem_alloc : memref<!tpu.dma_semaphore, #tpu.memory_space<semaphore_mem>>
        %dma_start3A_121 = arith.constant 9480 : i32
        %dma_start3A_122 = arith.constant 0 : i32
        %dma_start3A_123 = tpu.memref_slice %arg17[%dma_start3A_121, %dma_start3A_122] : memref<10000x128xf32, #tpu.memory_space<vmem_shared>> -> memref<128x128xf32, #tpu.memory_space<vmem_shared>>
        %dma_start3A_124 = arith.constant 9480 : i32
        %dma_start3A_125 = arith.constant 0 : i32
        %dma_start3A_126 = tpu.memref_slice %arg17[%dma_start3A_124, %dma_start3A_125] : memref<10000x128xf32, #tpu.memory_space<vmem_shared>> -> memref<128x128xf32, #tpu.memory_space<vmem_shared>>
        tpu.enqueue_dma source(%arg12 : memref<128x128xf32, #tpu.memory_space<vmem>>) target(%dma_start3A_126 : memref<128x128xf32, #tpu.memory_space<vmem_shared>>) target_semaphore(%run_scoped3A : memref<!tpu.dma_semaphore, #tpu.memory_space<semaphore_mem>>)
        %dma_wait3A_127 = arith.constant 9480 : i32
        %dma_wait3A_128 = arith.constant 0 : i32
        %dma_wait3A_129 = tpu.memref_slice %arg17[%dma_wait3A_127, %dma_wait3A_128] : memref<10000x128xf32, #tpu.memory_space<vmem_shared>> -> memref<128x128xf32, #tpu.memory_space<vmem_shared>>
        %dma_wait3A_130 = arith.constant 9480 : i32
        %dma_wait3A_131 = arith.constant 0 : i32
        %dma_wait3A_132 = tpu.memref_slice %arg17[%dma_wait3A_130, %dma_wait3A_131] : memref<10000x128xf32, #tpu.memory_space<vmem_shared>> -> memref<128x128xf32, #tpu.memory_space<vmem_shared>>
        tpu.wait_dma2 semaphore(%run_scoped3A : memref<!tpu.dma_semaphore, #tpu.memory_space<semaphore_mem>>) src(%arg12 : memref<128x128xf32, #tpu.memory_space<vmem>>) dst(%dma_wait3A_132 : memref<128x128xf32, #tpu.memory_space<vmem_shared>>)
        tpu.yield
      }) : () -> ()
      "tpu.region"() ({
        %run_scoped3A = tpu.sem_alloc : memref<!tpu.dma_semaphore, #tpu.memory_space<semaphore_mem>>
        %dma_start3A_121 = arith.constant 9608 : i32
        %dma_start3A_122 = arith.constant 0 : i32
        %dma_start3A_123 = tpu.memref_slice %arg17[%dma_start3A_121, %dma_start3A_122] : memref<10000x128xf32, #tpu.memory_space<vmem_shared>> -> memref<128x128xf32, #tpu.memory_space<vmem_shared>>
        %dma_start3A_124 = arith.constant 9608 : i32
        %dma_start3A_125 = arith.constant 0 : i32
        %dma_start3A_126 = tpu.memref_slice %arg17[%dma_start3A_124, %dma_start3A_125] : memref<10000x128xf32, #tpu.memory_space<vmem_shared>> -> memref<128x128xf32, #tpu.memory_space<vmem_shared>>
        tpu.enqueue_dma source(%arg12 : memref<128x128xf32, #tpu.memory_space<vmem>>) target(%dma_start3A_126 : memref<128x128xf32, #tpu.memory_space<vmem_shared>>) target_semaphore(%run_scoped3A : memref<!tpu.dma_semaphore, #tpu.memory_space<semaphore_mem>>)
        %dma_wait3A_127 = arith.constant 9608 : i32
        %dma_wait3A_128 = arith.constant 0 : i32
        %dma_wait3A_129 = tpu.memref_slice %arg17[%dma_wait3A_127, %dma_wait3A_128] : memref<10000x128xf32, #tpu.memory_space<vmem_shared>> -> memref<128x128xf32, #tpu.memory_space<vmem_shared>>
        %dma_wait3A_130 = arith.constant 9608 : i32
        %dma_wait3A_131 = arith.constant 0 : i32
        %dma_wait3A_132 = tpu.memref_slice %arg17[%dma_wait3A_130, %dma_wait3A_131] : memref<10000x128xf32, #tpu.memory_space<vmem_shared>> -> memref<128x128xf32, #tpu.memory_space<vmem_shared>>
        tpu.wait_dma2 semaphore(%run_scoped3A : memref<!tpu.dma_semaphore, #tpu.memory_space<semaphore_mem>>) src(%arg12 : memref<128x128xf32, #tpu.memory_space<vmem>>) dst(%dma_wait3A_132 : memref<128x128xf32, #tpu.memory_space<vmem_shared>>)
        tpu.yield
      }) : () -> ()
      "tpu.region"() ({
        %run_scoped3A = tpu.sem_alloc : memref<!tpu.dma_semaphore, #tpu.memory_space<semaphore_mem>>
        %dma_start3A_121 = arith.constant 9736 : i32
        %dma_start3A_122 = arith.constant 0 : i32
        %dma_start3A_123 = tpu.memref_slice %arg17[%dma_start3A_121, %dma_start3A_122] : memref<10000x128xf32, #tpu.memory_space<vmem_shared>> -> memref<128x128xf32, #tpu.memory_space<vmem_shared>>
        %dma_start3A_124 = arith.constant 9736 : i32
        %dma_start3A_125 = arith.constant 0 : i32
        %dma_start3A_126 = tpu.memref_slice %arg17[%dma_start3A_124, %dma_start3A_125] : memref<10000x128xf32, #tpu.memory_space<vmem_shared>> -> memref<128x128xf32, #tpu.memory_space<vmem_shared>>
        tpu.enqueue_dma source(%arg12 : memref<128x128xf32, #tpu.memory_space<vmem>>) target(%dma_start3A_126 : memref<128x128xf32, #tpu.memory_space<vmem_shared>>) target_semaphore(%run_scoped3A : memref<!tpu.dma_semaphore, #tpu.memory_space<semaphore_mem>>)
        %dma_wait3A_127 = arith.constant 9736 : i32
        %dma_wait3A_128 = arith.constant 0 : i32
        %dma_wait3A_129 = tpu.memref_slice %arg17[%dma_wait3A_127, %dma_wait3A_128] : memref<10000x128xf32, #tpu.memory_space<vmem_shared>> -> memref<128x128xf32, #tpu.memory_space<vmem_shared>>
        %dma_wait3A_130 = arith.constant 9736 : i32
        %dma_wait3A_131 = arith.constant 0 : i32
        %dma_wait3A_132 = tpu.memref_slice %arg17[%dma_wait3A_130, %dma_wait3A_131] : memref<10000x128xf32, #tpu.memory_space<vmem_shared>> -> memref<128x128xf32, #tpu.memory_space<vmem_shared>>
        tpu.wait_dma2 semaphore(%run_scoped3A : memref<!tpu.dma_semaphore, #tpu.memory_space<semaphore_mem>>) src(%arg12 : memref<128x128xf32, #tpu.memory_space<vmem>>) dst(%dma_wait3A_132 : memref<128x128xf32, #tpu.memory_space<vmem_shared>>)
        tpu.yield
      }) : () -> ()
      "tpu.region"() ({
        %run_scoped3A = tpu.sem_alloc : memref<!tpu.dma_semaphore, #tpu.memory_space<semaphore_mem>>
        %dma_start3A_121 = arith.constant 9864 : i32
        %dma_start3A_122 = arith.constant 0 : i32
        %dma_start3A_123 = tpu.memref_slice %arg17[%dma_start3A_121, %dma_start3A_122] : memref<10000x128xf32, #tpu.memory_space<vmem_shared>> -> memref<128x128xf32, #tpu.memory_space<vmem_shared>>
        %dma_start3A_124 = arith.constant 9864 : i32
        %dma_start3A_125 = arith.constant 0 : i32
        %dma_start3A_126 = tpu.memref_slice %arg17[%dma_start3A_124, %dma_start3A_125] : memref<10000x128xf32, #tpu.memory_space<vmem_shared>> -> memref<128x128xf32, #tpu.memory_space<vmem_shared>>
        tpu.enqueue_dma source(%arg12 : memref<128x128xf32, #tpu.memory_space<vmem>>) target(%dma_start3A_126 : memref<128x128xf32, #tpu.memory_space<vmem_shared>>) target_semaphore(%run_scoped3A : memref<!tpu.dma_semaphore, #tpu.memory_space<semaphore_mem>>)
        %dma_wait3A_127 = arith.constant 9864 : i32
        %dma_wait3A_128 = arith.constant 0 : i32
        %dma_wait3A_129 = tpu.memref_slice %arg17[%dma_wait3A_127, %dma_wait3A_128] : memref<10000x128xf32, #tpu.memory_space<vmem_shared>> -> memref<128x128xf32, #tpu.memory_space<vmem_shared>>
        %dma_wait3A_130 = arith.constant 9864 : i32
        %dma_wait3A_131 = arith.constant 0 : i32
        %dma_wait3A_132 = tpu.memref_slice %arg17[%dma_wait3A_130, %dma_wait3A_131] : memref<10000x128xf32, #tpu.memory_space<vmem_shared>> -> memref<128x128xf32, #tpu.memory_space<vmem_shared>>
        tpu.wait_dma2 semaphore(%run_scoped3A : memref<!tpu.dma_semaphore, #tpu.memory_space<semaphore_mem>>) src(%arg12 : memref<128x128xf32, #tpu.memory_space<vmem>>) dst(%dma_wait3A_132 : memref<128x128xf32, #tpu.memory_space<vmem_shared>>)
        tpu.yield
      }) : () -> ()
      "tpu.region"() ({
        %run_scoped3A = tpu.sem_alloc : memref<!tpu.dma_semaphore, #tpu.memory_space<semaphore_mem>>
        %dma_start3A_121 = arith.constant 0 : i32
        %dma_start3A_122 = arith.constant 0 : i32
        %dma_start3A_123 = tpu.memref_slice %arg12[%dma_start3A_121, %dma_start3A_122] : memref<128x128xf32, #tpu.memory_space<vmem>> -> memref<8x128xf32, #tpu.memory_space<vmem>>
        %dma_start3A_124 = arith.constant 9992 : i32
        %dma_start3A_125 = arith.constant 0 : i32
        %dma_start3A_126 = tpu.memref_slice %arg17[%dma_start3A_124, %dma_start3A_125] : memref<10000x128xf32, #tpu.memory_space<vmem_shared>> -> memref<8x128xf32, #tpu.memory_space<vmem_shared>>
        %dma_start3A_127 = arith.constant 9992 : i32
        %dma_start3A_128 = arith.constant 0 : i32
        %dma_start3A_129 = tpu.memref_slice %arg17[%dma_start3A_127, %dma_start3A_128] : memref<10000x128xf32, #tpu.memory_space<vmem_shared>> -> memref<8x128xf32, #tpu.memory_space<vmem_shared>>
        %dma_start3A_130 = arith.constant 0 : i32
        %dma_start3A_131 = arith.constant 0 : i32
        %dma_start3A_132 = tpu.memref_slice %arg12[%dma_start3A_130, %dma_start3A_131] : memref<128x128xf32, #tpu.memory_space<vmem>> -> memref<8x128xf32, #tpu.memory_space<vmem>>
        tpu.enqueue_dma source(%dma_start3A_132 : memref<8x128xf32, #tpu.memory_space<vmem>>) target(%dma_start3A_129 : memref<8x128xf32, #tpu.memory_space<vmem_shared>>) target_semaphore(%run_scoped3A : memref<!tpu.dma_semaphore, #tpu.memory_space<semaphore_mem>>)
        %dma_wait3A_133 = arith.constant 0 : i32
        %dma_wait3A_134 = arith.constant 0 : i32
        %dma_wait3A_135 = tpu.memref_slice %arg12[%dma_wait3A_133, %dma_wait3A_134] : memref<128x128xf32, #tpu.memory_space<vmem>> -> memref<8x128xf32, #tpu.memory_space<vmem>>
        %dma_wait3A_136 = arith.constant 9992 : i32
        %dma_wait3A_137 = arith.constant 0 : i32
        %dma_wait3A_138 = tpu.memref_slice %arg17[%dma_wait3A_136, %dma_wait3A_137] : memref<10000x128xf32, #tpu.memory_space<vmem_shared>> -> memref<8x128xf32, #tpu.memory_space<vmem_shared>>
        %dma_wait3A_139 = arith.constant 9992 : i32
        %dma_wait3A_140 = arith.constant 0 : i32
        %dma_wait3A_141 = tpu.memref_slice %arg17[%dma_wait3A_139, %dma_wait3A_140] : memref<10000x128xf32, #tpu.memory_space<vmem_shared>> -> memref<8x128xf32, #tpu.memory_space<vmem_shared>>
        %dma_wait3A_142 = arith.constant 0 : i32
        %dma_wait3A_143 = arith.constant 0 : i32
        %dma_wait3A_144 = tpu.memref_slice %arg12[%dma_wait3A_142, %dma_wait3A_143] : memref<128x128xf32, #tpu.memory_space<vmem>> -> memref<8x128xf32, #tpu.memory_space<vmem>>
        tpu.wait_dma2 semaphore(%run_scoped3A : memref<!tpu.dma_semaphore, #tpu.memory_space<semaphore_mem>>) src(%dma_wait3A_144 : memref<8x128xf32, #tpu.memory_space<vmem>>) dst(%dma_wait3A_141 : memref<8x128xf32, #tpu.memory_space<vmem_shared>>)
        tpu.yield
      }) : () -> ()
      "tpu.region"() ({
        %run_scoped3A = tpu.sem_alloc : memref<!tpu.dma_semaphore, #tpu.memory_space<semaphore_mem>>
        %dma_start3A_121 = arith.constant 0 : i32
        %dma_start3A_122 = tpu.memref_slice %arg16[%dma_start3A_121] : memref<640xf32, #tpu.memory_space<vmem>> -> memref<512xf32, #tpu.memory_space<vmem>>
        %dma_start3A_123 = arith.constant 9600 : i32
        %dma_start3A_124 = tpu.memref_slice %arg18[%dma_start3A_123] : memref<10112xf32, #tpu.memory_space<vmem_shared>> -> memref<512xf32, #tpu.memory_space<vmem_shared>>
        %dma_start3A_125 = arith.constant 9600 : i32
        %dma_start3A_126 = tpu.memref_slice %arg18[%dma_start3A_125] : memref<10112xf32, #tpu.memory_space<vmem_shared>> -> memref<512xf32, #tpu.memory_space<vmem_shared>>
        %dma_start3A_127 = arith.constant 0 : i32
        %dma_start3A_128 = tpu.memref_slice %arg16[%dma_start3A_127] : memref<640xf32, #tpu.memory_space<vmem>> -> memref<512xf32, #tpu.memory_space<vmem>>
        tpu.enqueue_dma source(%dma_start3A_128 : memref<512xf32, #tpu.memory_space<vmem>>) target(%dma_start3A_126 : memref<512xf32, #tpu.memory_space<vmem_shared>>) target_semaphore(%run_scoped3A : memref<!tpu.dma_semaphore, #tpu.memory_space<semaphore_mem>>)
        %dma_wait3A_129 = arith.constant 0 : i32
        %dma_wait3A_130 = tpu.memref_slice %arg16[%dma_wait3A_129] : memref<640xf32, #tpu.memory_space<vmem>> -> memref<512xf32, #tpu.memory_space<vmem>>
        %dma_wait3A_131 = arith.constant 9600 : i32
        %dma_wait3A_132 = tpu.memref_slice %arg18[%dma_wait3A_131] : memref<10112xf32, #tpu.memory_space<vmem_shared>> -> memref<512xf32, #tpu.memory_space<vmem_shared>>
        %dma_wait3A_133 = arith.constant 9600 : i32
        %dma_wait3A_134 = tpu.memref_slice %arg18[%dma_wait3A_133] : memref<10112xf32, #tpu.memory_space<vmem_shared>> -> memref<512xf32, #tpu.memory_space<vmem_shared>>
        %dma_wait3A_135 = arith.constant 0 : i32
        %dma_wait3A_136 = tpu.memref_slice %arg16[%dma_wait3A_135] : memref<640xf32, #tpu.memory_space<vmem>> -> memref<512xf32, #tpu.memory_space<vmem>>
        tpu.wait_dma2 semaphore(%run_scoped3A : memref<!tpu.dma_semaphore, #tpu.memory_space<semaphore_mem>>) src(%dma_wait3A_136 : memref<512xf32, #tpu.memory_space<vmem>>) dst(%dma_wait3A_134 : memref<512xf32, #tpu.memory_space<vmem_shared>>)
        tpu.yield
      }) : () -> ()
    } else {
    }
    %broadcast_in_dim3A = arith.constant 1.000000e+00 : f32
    %broadcast_in_dim3A_10 = vector.broadcast %broadcast_in_dim3A : f32 to vector<16xf32>
    %swap3A = arith.constant 0 : index
    %swap3A_11 = tpu.vector_load %arg15[%swap3A] {strides = array<i32>} : memref<128xf32, #tpu.memory_space<vmem>>, vector<16xf32>,
    %swap3A_12 = vector.shape_cast %swap3A_11 : vector<16xf32> to vector<16xf32>
    %swap3A_13 = vector.shape_cast %broadcast_in_dim3A_10 : vector<16xf32> to vector<16xf32>
    tpu.vector_store %arg15[%swap3A], %swap3A_13 {strides = array<i32>} : memref<128xf32, #tpu.memory_space<vmem>>, vector<16xf32>,
    %broadcast_in_dim3A_14 = arith.constant 1.000000e+00 : f32
    %broadcast_in_dim3A_15 = vector.broadcast %broadcast_in_dim3A_14 : f32 to vector<16xf32>
    %swap3A_16 = arith.constant 16 : index
    %swap3A_17 = tpu.vector_load %arg15[%swap3A_16] {strides = array<i32>} : memref<128xf32, #tpu.memory_space<vmem>>, vector<16xf32>,
    %swap3A_18 = vector.shape_cast %swap3A_17 : vector<16xf32> to vector<16xf32>
    %swap3A_19 = vector.shape_cast %broadcast_in_dim3A_15 : vector<16xf32> to vector<16xf32>
    tpu.vector_store %arg15[%swap3A_16], %swap3A_19 {strides = array<i32>} : memref<128xf32, #tpu.memory_space<vmem>>, vector<16xf32>,
    %broadcast_in_dim3A_20 = arith.constant 1.000000e+00 : f32
    %broadcast_in_dim3A_21 = vector.broadcast %broadcast_in_dim3A_20 : f32 to vector<16xf32>
    %swap3A_22 = arith.constant 32 : index
    %swap3A_23 = tpu.vector_load %arg15[%swap3A_22] {strides = array<i32>} : memref<128xf32, #tpu.memory_space<vmem>>, vector<16xf32>,
    %swap3A_24 = vector.shape_cast %swap3A_23 : vector<16xf32> to vector<16xf32>
    %swap3A_25 = vector.shape_cast %broadcast_in_dim3A_21 : vector<16xf32> to vector<16xf32>
    tpu.vector_store %arg15[%swap3A_22], %swap3A_25 {strides = array<i32>} : memref<128xf32, #tpu.memory_space<vmem>>, vector<16xf32>,
    %broadcast_in_dim3A_26 = arith.constant 1.000000e+00 : f32
    %broadcast_in_dim3A_27 = vector.broadcast %broadcast_in_dim3A_26 : f32 to vector<16xf32>
    %swap3A_28 = arith.constant 48 : index
    %swap3A_29 = tpu.vector_load %arg15[%swap3A_28] {strides = array<i32>} : memref<128xf32, #tpu.memory_space<vmem>>, vector<16xf32>,
    %swap3A_30 = vector.shape_cast %swap3A_29 : vector<16xf32> to vector<16xf32>
    %swap3A_31 = vector.shape_cast %broadcast_in_dim3A_27 : vector<16xf32> to vector<16xf32>
    tpu.vector_store %arg15[%swap3A_28], %swap3A_31 {strides = array<i32>} : memref<128xf32, #tpu.memory_space<vmem>>, vector<16xf32>,
    %broadcast_in_dim3A_32 = arith.constant 1.000000e+00 : f32
    %broadcast_in_dim3A_33 = vector.broadcast %broadcast_in_dim3A_32 : f32 to vector<16xf32>
    %swap3A_34 = arith.constant 64 : index
    %swap3A_35 = tpu.vector_load %arg15[%swap3A_34] {strides = array<i32>} : memref<128xf32, #tpu.memory_space<vmem>>, vector<16xf32>,
    %swap3A_36 = vector.shape_cast %swap3A_35 : vector<16xf32> to vector<16xf32>
    %swap3A_37 = vector.shape_cast %broadcast_in_dim3A_33 : vector<16xf32> to vector<16xf32>
    tpu.vector_store %arg15[%swap3A_34], %swap3A_37 {strides = array<i32>} : memref<128xf32, #tpu.memory_space<vmem>>, vector<16xf32>,
    %broadcast_in_dim3A_38 = arith.constant 1.000000e+00 : f32
    %broadcast_in_dim3A_39 = vector.broadcast %broadcast_in_dim3A_38 : f32 to vector<16xf32>
    %swap3A_40 = arith.constant 80 : index
    %swap3A_41 = tpu.vector_load %arg15[%swap3A_40] {strides = array<i32>} : memref<128xf32, #tpu.memory_space<vmem>>, vector<16xf32>,
    %swap3A_42 = vector.shape_cast %swap3A_41 : vector<16xf32> to vector<16xf32>
    %swap3A_43 = vector.shape_cast %broadcast_in_dim3A_39 : vector<16xf32> to vector<16xf32>
    tpu.vector_store %arg15[%swap3A_40], %swap3A_43 {strides = array<i32>} : memref<128xf32, #tpu.memory_space<vmem>>, vector<16xf32>,
    %broadcast_in_dim3A_44 = arith.constant 1.000000e+00 : f32
    %broadcast_in_dim3A_45 = vector.broadcast %broadcast_in_dim3A_44 : f32 to vector<16xf32>
    %swap3A_46 = arith.constant 96 : index
    %swap3A_47 = tpu.vector_load %arg15[%swap3A_46] {strides = array<i32>} : memref<128xf32, #tpu.memory_space<vmem>>, vector<16xf32>,
    %swap3A_48 = vector.shape_cast %swap3A_47 : vector<16xf32> to vector<16xf32>
    %swap3A_49 = vector.shape_cast %broadcast_in_dim3A_45 : vector<16xf32> to vector<16xf32>
    tpu.vector_store %arg15[%swap3A_46], %swap3A_49 {strides = array<i32>} : memref<128xf32, #tpu.memory_space<vmem>>, vector<16xf32>,
    %broadcast_in_dim3A_50 = arith.constant 1.000000e+00 : f32
    %broadcast_in_dim3A_51 = vector.broadcast %broadcast_in_dim3A_50 : f32 to vector<16xf32>
    %swap3A_52 = arith.constant 112 : index
    %swap3A_53 = tpu.vector_load %arg15[%swap3A_52] {strides = array<i32>} : memref<128xf32, #tpu.memory_space<vmem>>, vector<16xf32>,
    %swap3A_54 = vector.shape_cast %swap3A_53 : vector<16xf32> to vector<16xf32>
    %swap3A_55 = vector.shape_cast %broadcast_in_dim3A_51 : vector<16xf32> to vector<16xf32>
    tpu.vector_store %arg15[%swap3A_52], %swap3A_55 {strides = array<i32>} : memref<128xf32, #tpu.memory_space<vmem>>, vector<16xf32>,
    %dma_wait3A = tpu.memref_slice %arg3[%mul3A_2] : memref<640000xi32, #tpu.memory_space<hbm>> -> memref<10000xi32, #tpu.memory_space<hbm>>
    %dma_wait3A_56 = tpu.memref_slice %arg3[%mul3A_2] : memref<640000xi32, #tpu.memory_space<hbm>> -> memref<10000xi32, #tpu.memory_space<hbm>>
    tpu.wait_dma2 semaphore(%arg21 : memref<!tpu.dma_semaphore, #tpu.memory_space<semaphore_mem>>) src(%dma_wait3A_56 : memref<10000xi32, #tpu.memory_space<hbm>>) dst(%arg8 : memref<10000xi32, #tpu.memory_space<vmem>>)
    %barrier3A = arith.constant 0 : index
    tpu.barrier barrier_id(%barrier3A)
    %add3A_57 = arith.constant 320000 : i32
    %add3A_58 = arith.addi %add3A_57, %mul3A_2 : i32
    %add3A_59 = arith.constant 0 : i32
    %add3A_60 = arith.addi %add3A_58, %add3A_59 : i32
    %dma_start3A_61 = tpu.memref_slice %arg3[%add3A_60] : memref<640000xi32, #tpu.memory_space<hbm>> -> memref<128xi32, #tpu.memory_space<hbm>>
    %dma_start3A_62 = tpu.memref_slice %arg3[%add3A_60] : memref<640000xi32, #tpu.memory_space<hbm>> -> memref<128xi32, #tpu.memory_space<hbm>>
    tpu.enqueue_dma source(%dma_start3A_62 : memref<128xi32, #tpu.memory_space<hbm>>) target(%arg9 : memref<128xi32, #tpu.memory_space<vmem>>) target_semaphore(%arg19 : memref<!tpu.dma_semaphore, #tpu.memory_space<semaphore_mem>>)
    %add3A_63 = arith.constant 320000 : i32
    %add3A_64 = arith.addi %add3A_63, %mul3A_2 : i32
    %add3A_65 = arith.constant 128 : i32
    %add3A_66 = arith.addi %add3A_64, %add3A_65 : i32
    %dma_start3A_67 = tpu.memref_slice %arg3[%add3A_66] : memref<640000xi32, #tpu.memory_space<hbm>> -> memref<128xi32, #tpu.memory_space<hbm>>
    %dma_start3A_68 = tpu.memref_slice %arg3[%add3A_66] : memref<640000xi32, #tpu.memory_space<hbm>> -> memref<128xi32, #tpu.memory_space<hbm>>
    tpu.enqueue_dma source(%dma_start3A_68 : memref<128xi32, #tpu.memory_space<hbm>>) target(%arg10 : memref<128xi32, #tpu.memory_space<vmem>>) target_semaphore(%arg20 : memref<!tpu.dma_semaphore, #tpu.memory_space<semaphore_mem>>)
    %add3A_69 = arith.constant 320000 : i32
    %add3A_70 = arith.addi %add3A_69, %mul3A_2 : i32
    %add3A_71 = arith.constant 0 : i32
    %add3A_72 = arith.addi %add3A_70, %add3A_71 : i32
    %dma_wait3A_73 = tpu.memref_slice %arg3[%add3A_72] : memref<640000xi32, #tpu.memory_space<hbm>> -> memref<128xi32, #tpu.memory_space<hbm>>
    %dma_wait3A_74 = tpu.memref_slice %arg3[%add3A_72] : memref<640000xi32, #tpu.memory_space<hbm>> -> memref<128xi32, #tpu.memory_space<hbm>>
    tpu.wait_dma2 semaphore(%arg19 : memref<!tpu.dma_semaphore, #tpu.memory_space<semaphore_mem>>) src(%dma_wait3A_74 : memref<128xi32, #tpu.memory_space<hbm>>) dst(%arg9 : memref<128xi32, #tpu.memory_space<vmem>>)
    %dma_start3A_75 = arith.constant 0 : i32
    %dma_start3A_76 = tpu.memref_slice %arg8[%dma_start3A_75] : memref<10000xi32, #tpu.memory_space<vmem>> -> memref<128xi32, #tpu.memory_space<vmem>>
    %dma_start3A_77 = arith.constant 0 : i32
    %dma_start3A_78 = arith.constant 0 : i32
    %dma_start3A_79 = tpu.memref_slice %arg2[%dma_start3A_77, %dma_start3A_78] : memref<10000x128xf32, #tpu.memory_space<hbm>> -> memref<10000x128xf32, #tpu.memory_space<hbm>>
    tpu.enqueue_indirect_dma source(%dma_start3A_79 : memref<10000x128xf32, #tpu.memory_space<hbm>>) target(%arg12 : memref<128x128xf32, #tpu.memory_space<vmem>>) offsets(%dma_start3A_76 : memref<128xi32, #tpu.memory_space<vmem>>) semaphore(%arg22 : memref<!tpu.dma_semaphore, #tpu.memory_space<semaphore_mem>>)
    %scan3A = arith.constant 0 : i32
    %scan3A_80 = arith.constant 0 : i32
    %scan3A_81 = arith.constant 13 : i32
    %scan3A_82 = arith.addi %scan3A_80, %scan3A_81 : i32
    %scan3A_83 = arith.constant 1 : i32
    scf.for %scan3A_121 = %scan3A_80 to %scan3A_82 step %scan3A_83  : i32 {
      %mul3A_122 = arith.constant 6 : i32
      %mul3A_123 = arith.muli %mul3A_122, %scan3A_121 : i32
      %add3A_124 = arith.constant 0 : i32
      %add3A_125 = arith.addi %mul3A_123, %add3A_124 : i32
      %gt3A = arith.constant 0 : i32
      %gt3A_126 = arith.cmpi sgt, %add3A_125, %gt3A : i32
      %convert_element_type3A_127 = arith.extui %gt3A_126 : i1 to i32
      %cond3A_128 = arith.constant 0 : i32
      %cond3A_129 = arith.cmpi ne, %convert_element_type3A_127, %cond3A_128 : i32
      scf.if %cond3A_129 {
        %dma_wait3A_373 = arith.constant 0 : i32
        %dma_wait3A_374 = arith.constant 0 : i32
        %dma_wait3A_375 = tpu.memref_slice %arg17[%dma_wait3A_373, %dma_wait3A_374] : memref<10000x128xf32, #tpu.memory_space<vmem_shared>> -> memref<10000x128xf32, #tpu.memory_space<vmem_shared>>
        tpu.wait_indirect_dma semaphore(%arg25 : memref<!tpu.dma_semaphore, #tpu.memory_space<semaphore_mem>>) src(%arg13 : memref<128x128xf32, #tpu.memory_space<vmem>>) dst(%dma_wait3A_375 : memref<10000x128xf32, #tpu.memory_space<vmem_shared>>)
        %dma_wait3A_376 = arith.constant 0 : i32
        %dma_wait3A_377 = tpu.memref_slice %arg18[%dma_wait3A_376] : memref<10112xf32, #tpu.memory_space<vmem_shared>> -> memref<10112xf32, #tpu.memory_space<vmem_shared>>
        tpu.wait_indirect_dma semaphore(%arg25 : memref<!tpu.dma_semaphore, #tpu.memory_space<semaphore_mem>>) src(%arg15 : memref<128xf32, #tpu.memory_space<vmem>>) dst(%dma_wait3A_377 : memref<10112xf32, #tpu.memory_space<vmem_shared>>)
      } else {
      }
      %add3A_130 = arith.constant 1 : i32
      %add3A_131 = arith.addi %add3A_125, %add3A_130 : i32
      %add3A_132 = arith.constant 320000 : i32
      %add3A_133 = arith.addi %add3A_132, %mul3A_2 : i32
      %mul3A_134 = arith.constant 128 : i32
      %mul3A_135 = arith.muli %add3A_131, %mul3A_134 : i32
      %add3A_136 = arith.addi %add3A_133, %mul3A_135 : i32
      %dma_wait3A_137 = tpu.memref_slice %arg3[%add3A_136] : memref<640000xi32, #tpu.memory_space<hbm>> -> memref<128xi32, #tpu.memory_space<hbm>>
      %dma_wait3A_138 = tpu.memref_slice %arg3[%add3A_136] : memref<640000xi32, #tpu.memory_space<hbm>> -> memref<128xi32, #tpu.memory_space<hbm>>
      tpu.wait_dma2 semaphore(%arg20 : memref<!tpu.dma_semaphore, #tpu.memory_space<semaphore_mem>>) src(%dma_wait3A_138 : memref<128xi32, #tpu.memory_space<hbm>>) dst(%arg10 : memref<128xi32, #tpu.memory_space<vmem>>)
      %add3A_139 = arith.constant 1 : i32
      %add3A_140 = arith.addi %add3A_125, %add3A_139 : i32
      %mul3A_141 = arith.constant 128 : i32
      %mul3A_142 = arith.muli %add3A_140, %mul3A_141 : i32
      %dma_start3A_143 = tpu.memref_slice %arg8[%mul3A_142] : memref<10000xi32, #tpu.memory_space<vmem>> -> memref<128xi32, #tpu.memory_space<vmem>>
      %dma_start3A_144 = arith.constant 0 : i32
      %dma_start3A_145 = arith.constant 0 : i32
      %dma_start3A_146 = tpu.memref_slice %arg2[%dma_start3A_144, %dma_start3A_145] : memref<10000x128xf32, #tpu.memory_space<hbm>> -> memref<10000x128xf32, #tpu.memory_space<hbm>>
      tpu.enqueue_indirect_dma source(%dma_start3A_146 : memref<10000x128xf32, #tpu.memory_space<hbm>>) target(%arg13 : memref<128x128xf32, #tpu.memory_space<vmem>>) offsets(%dma_start3A_143 : memref<128xi32, #tpu.memory_space<vmem>>) semaphore(%arg23 : memref<!tpu.dma_semaphore, #tpu.memory_space<semaphore_mem>>)
      %mul3A_147 = arith.constant 128 : i32
      %mul3A_148 = arith.muli %add3A_125, %mul3A_147 : i32
      %dma_wait3A_149 = tpu.memref_slice %arg8[%mul3A_148] : memref<10000xi32, #tpu.memory_space<vmem>> -> memref<128xi32, #tpu.memory_space<vmem>>
      %dma_wait3A_150 = arith.constant 0 : i32
      %dma_wait3A_151 = arith.constant 0 : i32
      %dma_wait3A_152 = tpu.memref_slice %arg2[%dma_wait3A_150, %dma_wait3A_151] : memref<10000x128xf32, #tpu.memory_space<hbm>> -> memref<10000x128xf32, #tpu.memory_space<hbm>>
      tpu.wait_indirect_dma semaphore(%arg22 : memref<!tpu.dma_semaphore, #tpu.memory_space<semaphore_mem>>) src(%dma_wait3A_152 : memref<10000x128xf32, #tpu.memory_space<hbm>>) dst(%arg12 : memref<128x128xf32, #tpu.memory_space<vmem>>)
      %dma_start3A_153 = arith.constant 0 : i32
      %dma_start3A_154 = arith.constant 0 : i32
      %dma_start3A_155 = tpu.memref_slice %arg17[%dma_start3A_153, %dma_start3A_154] : memref<10000x128xf32, #tpu.memory_space<vmem_shared>> -> memref<10000x128xf32, #tpu.memory_space<vmem_shared>>
      tpu.enqueue_indirect_dma source(%arg12 : memref<128x128xf32, #tpu.memory_space<vmem>>) target(%dma_start3A_155 : memref<10000x128xf32, #tpu.memory_space<vmem_shared>>) offsets(%arg9 : memref<128xi32, #tpu.memory_space<vmem>>) semaphore(%arg24 : memref<!tpu.dma_semaphore, #tpu.memory_space<semaphore_mem>>) {add = true}
      %dma_start3A_156 = arith.constant 0 : i32
      %dma_start3A_157 = tpu.memref_slice %arg18[%dma_start3A_156] : memref<10112xf32, #tpu.memory_space<vmem_shared>> -> memref<10112xf32, #tpu.memory_space<vmem_shared>>
      tpu.enqueue_indirect_dma source(%arg15 : memref<128xf32, #tpu.memory_space<vmem>>) target(%dma_start3A_157 : memref<10112xf32, #tpu.memory_space<vmem_shared>>) offsets(%arg9 : memref<128xi32, #tpu.memory_space<vmem>>) semaphore(%arg24 : memref<!tpu.dma_semaphore, #tpu.memory_space<semaphore_mem>>) {add = true}
      %add3A_158 = arith.constant 2 : i32
      %add3A_159 = arith.addi %add3A_125, %add3A_158 : i32
      %add3A_160 = arith.constant 320000 : i32
      %add3A_161 = arith.addi %add3A_160, %mul3A_2 : i32
      %mul3A_162 = arith.constant 128 : i32
      %mul3A_163 = arith.muli %add3A_159, %mul3A_162 : i32
      %add3A_164 = arith.addi %add3A_161, %mul3A_163 : i32
      %dma_start3A_165 = tpu.memref_slice %arg3[%add3A_164] : memref<640000xi32, #tpu.memory_space<hbm>> -> memref<128xi32, #tpu.memory_space<hbm>>
      %dma_start3A_166 = tpu.memref_slice %arg3[%add3A_164] : memref<640000xi32, #tpu.memory_space<hbm>> -> memref<128xi32, #tpu.memory_space<hbm>>
      tpu.enqueue_dma source(%dma_start3A_166 : memref<128xi32, #tpu.memory_space<hbm>>) target(%arg11 : memref<128xi32, #tpu.memory_space<vmem>>) target_semaphore(%arg21 : memref<!tpu.dma_semaphore, #tpu.memory_space<semaphore_mem>>)
      %add3A_167 = arith.constant 1 : i32
      %add3A_168 = arith.addi %mul3A_123, %add3A_167 : i32
      %dma_wait3A_169 = arith.constant 0 : i32
      %dma_wait3A_170 = arith.constant 0 : i32
      %dma_wait3A_171 = tpu.memref_slice %arg17[%dma_wait3A_169, %dma_wait3A_170] : memref<10000x128xf32, #tpu.memory_space<vmem_shared>> -> memref<10000x128xf32, #tpu.memory_space<vmem_shared>>
      tpu.wait_indirect_dma semaphore(%arg24 : memref<!tpu.dma_semaphore, #tpu.memory_space<semaphore_mem>>) src(%arg12 : memref<128x128xf32, #tpu.memory_space<vmem>>) dst(%dma_wait3A_171 : memref<10000x128xf32, #tpu.memory_space<vmem_shared>>)
      %dma_wait3A_172 = arith.constant 0 : i32
      %dma_wait3A_173 = tpu.memref_slice %arg18[%dma_wait3A_172] : memref<10112xf32, #tpu.memory_space<vmem_shared>> -> memref<10112xf32, #tpu.memory_space<vmem_shared>>
      tpu.wait_indirect_dma semaphore(%arg24 : memref<!tpu.dma_semaphore, #tpu.memory_space<semaphore_mem>>) src(%arg15 : memref<128xf32, #tpu.memory_space<vmem>>) dst(%dma_wait3A_173 : memref<10112xf32, #tpu.memory_space<vmem_shared>>)
      %add3A_174 = arith.constant 1 : i32
      %add3A_175 = arith.addi %add3A_168, %add3A_174 : i32
      %add3A_176 = arith.constant 320000 : i32
      %add3A_177 = arith.addi %add3A_176, %mul3A_2 : i32
      %mul3A_178 = arith.constant 128 : i32
      %mul3A_179 = arith.muli %add3A_175, %mul3A_178 : i32
      %add3A_180 = arith.addi %add3A_177, %mul3A_179 : i32
      %dma_wait3A_181 = tpu.memref_slice %arg3[%add3A_180] : memref<640000xi32, #tpu.memory_space<hbm>> -> memref<128xi32, #tpu.memory_space<hbm>>
      %dma_wait3A_182 = tpu.memref_slice %arg3[%add3A_180] : memref<640000xi32, #tpu.memory_space<hbm>> -> memref<128xi32, #tpu.memory_space<hbm>>
      tpu.wait_dma2 semaphore(%arg21 : memref<!tpu.dma_semaphore, #tpu.memory_space<semaphore_mem>>) src(%dma_wait3A_182 : memref<128xi32, #tpu.memory_space<hbm>>) dst(%arg11 : memref<128xi32, #tpu.memory_space<vmem>>)
      %add3A_183 = arith.constant 1 : i32
      %add3A_184 = arith.addi %add3A_168, %add3A_183 : i32
      %mul3A_185 = arith.constant 128 : i32
      %mul3A_186 = arith.muli %add3A_184, %mul3A_185 : i32
      %dma_start3A_187 = tpu.memref_slice %arg8[%mul3A_186] : memref<10000xi32, #tpu.memory_space<vmem>> -> memref<128xi32, #tpu.memory_space<vmem>>
      %dma_start3A_188 = arith.constant 0 : i32
      %dma_start3A_189 = arith.constant 0 : i32
      %dma_start3A_190 = tpu.memref_slice %arg2[%dma_start3A_188, %dma_start3A_189] : memref<10000x128xf32, #tpu.memory_space<hbm>> -> memref<10000x128xf32, #tpu.memory_space<hbm>>
      tpu.enqueue_indirect_dma source(%dma_start3A_190 : memref<10000x128xf32, #tpu.memory_space<hbm>>) target(%arg12 : memref<128x128xf32, #tpu.memory_space<vmem>>) offsets(%dma_start3A_187 : memref<128xi32, #tpu.memory_space<vmem>>) semaphore(%arg22 : memref<!tpu.dma_semaphore, #tpu.memory_space<semaphore_mem>>)
      %mul3A_191 = arith.constant 128 : i32
      %mul3A_192 = arith.muli %add3A_168, %mul3A_191 : i32
      %dma_wait3A_193 = tpu.memref_slice %arg8[%mul3A_192] : memref<10000xi32, #tpu.memory_space<vmem>> -> memref<128xi32, #tpu.memory_space<vmem>>
      %dma_wait3A_194 = arith.constant 0 : i32
      %dma_wait3A_195 = arith.constant 0 : i32
      %dma_wait3A_196 = tpu.memref_slice %arg2[%dma_wait3A_194, %dma_wait3A_195] : memref<10000x128xf32, #tpu.memory_space<hbm>> -> memref<10000x128xf32, #tpu.memory_space<hbm>>
      tpu.wait_indirect_dma semaphore(%arg23 : memref<!tpu.dma_semaphore, #tpu.memory_space<semaphore_mem>>) src(%dma_wait3A_196 : memref<10000x128xf32, #tpu.memory_space<hbm>>) dst(%arg13 : memref<128x128xf32, #tpu.memory_space<vmem>>)
      %dma_start3A_197 = arith.constant 0 : i32
      %dma_start3A_198 = arith.constant 0 : i32
      %dma_start3A_199 = tpu.memref_slice %arg17[%dma_start3A_197, %dma_start3A_198] : memref<10000x128xf32, #tpu.memory_space<vmem_shared>> -> memref<10000x128xf32, #tpu.memory_space<vmem_shared>>
      tpu.enqueue_indirect_dma source(%arg13 : memref<128x128xf32, #tpu.memory_space<vmem>>) target(%dma_start3A_199 : memref<10000x128xf32, #tpu.memory_space<vmem_shared>>) offsets(%arg10 : memref<128xi32, #tpu.memory_space<vmem>>) semaphore(%arg25 : memref<!tpu.dma_semaphore, #tpu.memory_space<semaphore_mem>>) {add = true}
      %dma_start3A_200 = arith.constant 0 : i32
      %dma_start3A_201 = tpu.memref_slice %arg18[%dma_start3A_200] : memref<10112xf32, #tpu.memory_space<vmem_shared>> -> memref<10112xf32, #tpu.memory_space<vmem_shared>>
      tpu.enqueue_indirect_dma source(%arg15 : memref<128xf32, #tpu.memory_space<vmem>>) target(%dma_start3A_201 : memref<10112xf32, #tpu.memory_space<vmem_shared>>) offsets(%arg10 : memref<128xi32, #tpu.memory_space<vmem>>) semaphore(%arg25 : memref<!tpu.dma_semaphore, #tpu.memory_space<semaphore_mem>>) {add = true}
      %add3A_202 = arith.constant 2 : i32
      %add3A_203 = arith.addi %add3A_168, %add3A_202 : i32
      %add3A_204 = arith.constant 320000 : i32
      %add3A_205 = arith.addi %add3A_204, %mul3A_2 : i32
      %mul3A_206 = arith.constant 128 : i32
      %mul3A_207 = arith.muli %add3A_203, %mul3A_206 : i32
      %add3A_208 = arith.addi %add3A_205, %mul3A_207 : i32
      %dma_start3A_209 = tpu.memref_slice %arg3[%add3A_208] : memref<640000xi32, #tpu.memory_space<hbm>> -> memref<128xi32, #tpu.memory_space<hbm>>
      %dma_start3A_210 = tpu.memref_slice %arg3[%add3A_208] : memref<640000xi32, #tpu.memory_space<hbm>> -> memref<128xi32, #tpu.memory_space<hbm>>
      tpu.enqueue_dma source(%dma_start3A_210 : memref<128xi32, #tpu.memory_space<hbm>>) target(%arg9 : memref<128xi32, #tpu.memory_space<vmem>>) target_semaphore(%arg19 : memref<!tpu.dma_semaphore, #tpu.memory_space<semaphore_mem>>)
      %add3A_211 = arith.constant 2 : i32
      %add3A_212 = arith.addi %mul3A_123, %add3A_211 : i32
      %dma_wait3A_213 = arith.constant 0 : i32
      %dma_wait3A_214 = arith.constant 0 : i32
      %dma_wait3A_215 = tpu.memref_slice %arg17[%dma_wait3A_213, %dma_wait3A_214] : memref<10000x128xf32, #tpu.memory_space<vmem_shared>> -> memref<10000x128xf32, #tpu.memory_space<vmem_shared>>
      tpu.wait_indirect_dma semaphore(%arg25 : memref<!tpu.dma_semaphore, #tpu.memory_space<semaphore_mem>>) src(%arg13 : memref<128x128xf32, #tpu.memory_space<vmem>>) dst(%dma_wait3A_215 : memref<10000x128xf32, #tpu.memory_space<vmem_shared>>)
      %dma_wait3A_216 = arith.constant 0 : i32
      %dma_wait3A_217 = tpu.memref_slice %arg18[%dma_wait3A_216] : memref<10112xf32, #tpu.memory_space<vmem_shared>> -> memref<10112xf32, #tpu.memory_space<vmem_shared>>
      tpu.wait_indirect_dma semaphore(%arg25 : memref<!tpu.dma_semaphore, #tpu.memory_space<semaphore_mem>>) src(%arg15 : memref<128xf32, #tpu.memory_space<vmem>>) dst(%dma_wait3A_217 : memref<10112xf32, #tpu.memory_space<vmem_shared>>)
      %add3A_218 = arith.constant 1 : i32
      %add3A_219 = arith.addi %add3A_212, %add3A_218 : i32
      %add3A_220 = arith.constant 320000 : i32
      %add3A_221 = arith.addi %add3A_220, %mul3A_2 : i32
      %mul3A_222 = arith.constant 128 : i32
      %mul3A_223 = arith.muli %add3A_219, %mul3A_222 : i32
      %add3A_224 = arith.addi %add3A_221, %mul3A_223 : i32
      %dma_wait3A_225 = tpu.memref_slice %arg3[%add3A_224] : memref<640000xi32, #tpu.memory_space<hbm>> -> memref<128xi32, #tpu.memory_space<hbm>>
      %dma_wait3A_226 = tpu.memref_slice %arg3[%add3A_224] : memref<640000xi32, #tpu.memory_space<hbm>> -> memref<128xi32, #tpu.memory_space<hbm>>
      tpu.wait_dma2 semaphore(%arg19 : memref<!tpu.dma_semaphore, #tpu.memory_space<semaphore_mem>>) src(%dma_wait3A_226 : memref<128xi32, #tpu.memory_space<hbm>>) dst(%arg9 : memref<128xi32, #tpu.memory_space<vmem>>)
      %add3A_227 = arith.constant 1 : i32
      %add3A_228 = arith.addi %add3A_212, %add3A_227 : i32
      %mul3A_229 = arith.constant 128 : i32
      %mul3A_230 = arith.muli %add3A_228, %mul3A_229 : i32
      %dma_start3A_231 = tpu.memref_slice %arg8[%mul3A_230] : memref<10000xi32, #tpu.memory_space<vmem>> -> memref<128xi32, #tpu.memory_space<vmem>>
      %dma_start3A_232 = arith.constant 0 : i32
      %dma_start3A_233 = arith.constant 0 : i32
      %dma_start3A_234 = tpu.memref_slice %arg2[%dma_start3A_232, %dma_start3A_233] : memref<10000x128xf32, #tpu.memory_space<hbm>> -> memref<10000x128xf32, #tpu.memory_space<hbm>>
      tpu.enqueue_indirect_dma source(%dma_start3A_234 : memref<10000x128xf32, #tpu.memory_space<hbm>>) target(%arg13 : memref<128x128xf32, #tpu.memory_space<vmem>>) offsets(%dma_start3A_231 : memref<128xi32, #tpu.memory_space<vmem>>) semaphore(%arg23 : memref<!tpu.dma_semaphore, #tpu.memory_space<semaphore_mem>>)
      %mul3A_235 = arith.constant 128 : i32
      %mul3A_236 = arith.muli %add3A_212, %mul3A_235 : i32
      %dma_wait3A_237 = tpu.memref_slice %arg8[%mul3A_236] : memref<10000xi32, #tpu.memory_space<vmem>> -> memref<128xi32, #tpu.memory_space<vmem>>
      %dma_wait3A_238 = arith.constant 0 : i32
      %dma_wait3A_239 = arith.constant 0 : i32
      %dma_wait3A_240 = tpu.memref_slice %arg2[%dma_wait3A_238, %dma_wait3A_239] : memref<10000x128xf32, #tpu.memory_space<hbm>> -> memref<10000x128xf32, #tpu.memory_space<hbm>>
      tpu.wait_indirect_dma semaphore(%arg22 : memref<!tpu.dma_semaphore, #tpu.memory_space<semaphore_mem>>) src(%dma_wait3A_240 : memref<10000x128xf32, #tpu.memory_space<hbm>>) dst(%arg12 : memref<128x128xf32, #tpu.memory_space<vmem>>)
      %dma_start3A_241 = arith.constant 0 : i32
      %dma_start3A_242 = arith.constant 0 : i32
      %dma_start3A_243 = tpu.memref_slice %arg17[%dma_start3A_241, %dma_start3A_242] : memref<10000x128xf32, #tpu.memory_space<vmem_shared>> -> memref<10000x128xf32, #tpu.memory_space<vmem_shared>>
      tpu.enqueue_indirect_dma source(%arg12 : memref<128x128xf32, #tpu.memory_space<vmem>>) target(%dma_start3A_243 : memref<10000x128xf32, #tpu.memory_space<vmem_shared>>) offsets(%arg11 : memref<128xi32, #tpu.memory_space<vmem>>) semaphore(%arg24 : memref<!tpu.dma_semaphore, #tpu.memory_space<semaphore_mem>>) {add = true}
      %dma_start3A_244 = arith.constant 0 : i32
      %dma_start3A_245 = tpu.memref_slice %arg18[%dma_start3A_244] : memref<10112xf32, #tpu.memory_space<vmem_shared>> -> memref<10112xf32, #tpu.memory_space<vmem_shared>>
      tpu.enqueue_indirect_dma source(%arg15 : memref<128xf32, #tpu.memory_space<vmem>>) target(%dma_start3A_245 : memref<10112xf32, #tpu.memory_space<vmem_shared>>) offsets(%arg11 : memref<128xi32, #tpu.memory_space<vmem>>) semaphore(%arg24 : memref<!tpu.dma_semaphore, #tpu.memory_space<semaphore_mem>>) {add = true}
      %add3A_246 = arith.constant 2 : i32
      %add3A_247 = arith.addi %add3A_212, %add3A_246 : i32
      %add3A_248 = arith.constant 320000 : i32
      %add3A_249 = arith.addi %add3A_248, %mul3A_2 : i32
      %mul3A_250 = arith.constant 128 : i32
      %mul3A_251 = arith.muli %add3A_247, %mul3A_250 : i32
      %add3A_252 = arith.addi %add3A_249, %mul3A_251 : i32
      %dma_start3A_253 = tpu.memref_slice %arg3[%add3A_252] : memref<640000xi32, #tpu.memory_space<hbm>> -> memref<128xi32, #tpu.memory_space<hbm>>
      %dma_start3A_254 = tpu.memref_slice %arg3[%add3A_252] : memref<640000xi32, #tpu.memory_space<hbm>> -> memref<128xi32, #tpu.memory_space<hbm>>
      tpu.enqueue_dma source(%dma_start3A_254 : memref<128xi32, #tpu.memory_space<hbm>>) target(%arg10 : memref<128xi32, #tpu.memory_space<vmem>>) target_semaphore(%arg20 : memref<!tpu.dma_semaphore, #tpu.memory_space<semaphore_mem>>)
      %add3A_255 = arith.constant 3 : i32
      %add3A_256 = arith.addi %mul3A_123, %add3A_255 : i32
      %dma_wait3A_257 = arith.constant 0 : i32
      %dma_wait3A_258 = arith.constant 0 : i32
      %dma_wait3A_259 = tpu.memref_slice %arg17[%dma_wait3A_257, %dma_wait3A_258] : memref<10000x128xf32, #tpu.memory_space<vmem_shared>> -> memref<10000x128xf32, #tpu.memory_space<vmem_shared>>
      tpu.wait_indirect_dma semaphore(%arg24 : memref<!tpu.dma_semaphore, #tpu.memory_space<semaphore_mem>>) src(%arg12 : memref<128x128xf32, #tpu.memory_space<vmem>>) dst(%dma_wait3A_259 : memref<10000x128xf32, #tpu.memory_space<vmem_shared>>)
      %dma_wait3A_260 = arith.constant 0 : i32
      %dma_wait3A_261 = tpu.memref_slice %arg18[%dma_wait3A_260] : memref<10112xf32, #tpu.memory_space<vmem_shared>> -> memref<10112xf32, #tpu.memory_space<vmem_shared>>
      tpu.wait_indirect_dma semaphore(%arg24 : memref<!tpu.dma_semaphore, #tpu.memory_space<semaphore_mem>>) src(%arg15 : memref<128xf32, #tpu.memory_space<vmem>>) dst(%dma_wait3A_261 : memref<10112xf32, #tpu.memory_space<vmem_shared>>)
      %add3A_262 = arith.constant 1 : i32
      %add3A_263 = arith.addi %add3A_256, %add3A_262 : i32
      %add3A_264 = arith.constant 320000 : i32
      %add3A_265 = arith.addi %add3A_264, %mul3A_2 : i32
      %mul3A_266 = arith.constant 128 : i32
      %mul3A_267 = arith.muli %add3A_263, %mul3A_266 : i32
      %add3A_268 = arith.addi %add3A_265, %mul3A_267 : i32
      %dma_wait3A_269 = tpu.memref_slice %arg3[%add3A_268] : memref<640000xi32, #tpu.memory_space<hbm>> -> memref<128xi32, #tpu.memory_space<hbm>>
      %dma_wait3A_270 = tpu.memref_slice %arg3[%add3A_268] : memref<640000xi32, #tpu.memory_space<hbm>> -> memref<128xi32, #tpu.memory_space<hbm>>
      tpu.wait_dma2 semaphore(%arg20 : memref<!tpu.dma_semaphore, #tpu.memory_space<semaphore_mem>>) src(%dma_wait3A_270 : memref<128xi32, #tpu.memory_space<hbm>>) dst(%arg10 : memref<128xi32, #tpu.memory_space<vmem>>)
      %add3A_271 = arith.constant 1 : i32
      %add3A_272 = arith.addi %add3A_256, %add3A_271 : i32
      %mul3A_273 = arith.constant 128 : i32
      %mul3A_274 = arith.muli %add3A_272, %mul3A_273 : i32
      %dma_start3A_275 = tpu.memref_slice %arg8[%mul3A_274] : memref<10000xi32, #tpu.memory_space<vmem>> -> memref<128xi32, #tpu.memory_space<vmem>>
      %dma_start3A_276 = arith.constant 0 : i32
      %dma_start3A_277 = arith.constant 0 : i32
      %dma_start3A_278 = tpu.memref_slice %arg2[%dma_start3A_276, %dma_start3A_277] : memref<10000x128xf32, #tpu.memory_space<hbm>> -> memref<10000x128xf32, #tpu.memory_space<hbm>>
      tpu.enqueue_indirect_dma source(%dma_start3A_278 : memref<10000x128xf32, #tpu.memory_space<hbm>>) target(%arg12 : memref<128x128xf32, #tpu.memory_space<vmem>>) offsets(%dma_start3A_275 : memref<128xi32, #tpu.memory_space<vmem>>) semaphore(%arg22 : memref<!tpu.dma_semaphore, #tpu.memory_space<semaphore_mem>>)
      %mul3A_279 = arith.constant 128 : i32
      %mul3A_280 = arith.muli %add3A_256, %mul3A_279 : i32
      %dma_wait3A_281 = tpu.memref_slice %arg8[%mul3A_280] : memref<10000xi32, #tpu.memory_space<vmem>> -> memref<128xi32, #tpu.memory_space<vmem>>
      %dma_wait3A_282 = arith.constant 0 : i32
      %dma_wait3A_283 = arith.constant 0 : i32
      %dma_wait3A_284 = tpu.memref_slice %arg2[%dma_wait3A_282, %dma_wait3A_283] : memref<10000x128xf32, #tpu.memory_space<hbm>> -> memref<10000x128xf32, #tpu.memory_space<hbm>>
      tpu.wait_indirect_dma semaphore(%arg23 : memref<!tpu.dma_semaphore, #tpu.memory_space<semaphore_mem>>) src(%dma_wait3A_284 : memref<10000x128xf32, #tpu.memory_space<hbm>>) dst(%arg13 : memref<128x128xf32, #tpu.memory_space<vmem>>)
      %dma_start3A_285 = arith.constant 0 : i32
      %dma_start3A_286 = arith.constant 0 : i32
      %dma_start3A_287 = tpu.memref_slice %arg17[%dma_start3A_285, %dma_start3A_286] : memref<10000x128xf32, #tpu.memory_space<vmem_shared>> -> memref<10000x128xf32, #tpu.memory_space<vmem_shared>>
      tpu.enqueue_indirect_dma source(%arg13 : memref<128x128xf32, #tpu.memory_space<vmem>>) target(%dma_start3A_287 : memref<10000x128xf32, #tpu.memory_space<vmem_shared>>) offsets(%arg9 : memref<128xi32, #tpu.memory_space<vmem>>) semaphore(%arg25 : memref<!tpu.dma_semaphore, #tpu.memory_space<semaphore_mem>>) {add = true}
      %dma_start3A_288 = arith.constant 0 : i32
      %dma_start3A_289 = tpu.memref_slice %arg18[%dma_start3A_288] : memref<10112xf32, #tpu.memory_space<vmem_shared>> -> memref<10112xf32, #tpu.memory_space<vmem_shared>>
      tpu.enqueue_indirect_dma source(%arg15 : memref<128xf32, #tpu.memory_space<vmem>>) target(%dma_start3A_289 : memref<10112xf32, #tpu.memory_space<vmem_shared>>) offsets(%arg9 : memref<128xi32, #tpu.memory_space<vmem>>) semaphore(%arg25 : memref<!tpu.dma_semaphore, #tpu.memory_space<semaphore_mem>>) {add = true}
      %add3A_290 = arith.constant 2 : i32
      %add3A_291 = arith.addi %add3A_256, %add3A_290 : i32
      %add3A_292 = arith.constant 320000 : i32
      %add3A_293 = arith.addi %add3A_292, %mul3A_2 : i32
      %mul3A_294 = arith.constant 128 : i32
      %mul3A_295 = arith.muli %add3A_291, %mul3A_294 : i32
      %add3A_296 = arith.addi %add3A_293, %mul3A_295 : i32
      %dma_start3A_297 = tpu.memref_slice %arg3[%add3A_296] : memref<640000xi32, #tpu.memory_space<hbm>> -> memref<128xi32, #tpu.memory_space<hbm>>
      %dma_start3A_298 = tpu.memref_slice %arg3[%add3A_296] : memref<640000xi32, #tpu.memory_space<hbm>> -> memref<128xi32, #tpu.memory_space<hbm>>
      tpu.enqueue_dma source(%dma_start3A_298 : memref<128xi32, #tpu.memory_space<hbm>>) target(%arg11 : memref<128xi32, #tpu.memory_space<vmem>>) target_semaphore(%arg21 : memref<!tpu.dma_semaphore, #tpu.memory_space<semaphore_mem>>)
      %add3A_299 = arith.constant 4 : i32
      %add3A_300 = arith.addi %mul3A_123, %add3A_299 : i32
      %dma_wait3A_301 = arith.constant 0 : i32
      %dma_wait3A_302 = arith.constant 0 : i32
      %dma_wait3A_303 = tpu.memref_slice %arg17[%dma_wait3A_301, %dma_wait3A_302] : memref<10000x128xf32, #tpu.memory_space<vmem_shared>> -> memref<10000x128xf32, #tpu.memory_space<vmem_shared>>
      tpu.wait_indirect_dma semaphore(%arg25 : memref<!tpu.dma_semaphore, #tpu.memory_space<semaphore_mem>>) src(%arg13 : memref<128x128xf32, #tpu.memory_space<vmem>>) dst(%dma_wait3A_303 : memref<10000x128xf32, #tpu.memory_space<vmem_shared>>)
      %dma_wait3A_304 = arith.constant 0 : i32
      %dma_wait3A_305 = tpu.memref_slice %arg18[%dma_wait3A_304] : memref<10112xf32, #tpu.memory_space<vmem_shared>> -> memref<10112xf32, #tpu.memory_space<vmem_shared>>
      tpu.wait_indirect_dma semaphore(%arg25 : memref<!tpu.dma_semaphore, #tpu.memory_space<semaphore_mem>>) src(%arg15 : memref<128xf32, #tpu.memory_space<vmem>>) dst(%dma_wait3A_305 : memref<10112xf32, #tpu.memory_space<vmem_shared>>)
      %add3A_306 = arith.constant 1 : i32
      %add3A_307 = arith.addi %add3A_300, %add3A_306 : i32
      %add3A_308 = arith.constant 320000 : i32
      %add3A_309 = arith.addi %add3A_308, %mul3A_2 : i32
      %mul3A_310 = arith.constant 128 : i32
      %mul3A_311 = arith.muli %add3A_307, %mul3A_310 : i32
      %add3A_312 = arith.addi %add3A_309, %mul3A_311 : i32
      %dma_wait3A_313 = tpu.memref_slice %arg3[%add3A_312] : memref<640000xi32, #tpu.memory_space<hbm>> -> memref<128xi32, #tpu.memory_space<hbm>>
      %dma_wait3A_314 = tpu.memref_slice %arg3[%add3A_312] : memref<640000xi32, #tpu.memory_space<hbm>> -> memref<128xi32, #tpu.memory_space<hbm>>
      tpu.wait_dma2 semaphore(%arg21 : memref<!tpu.dma_semaphore, #tpu.memory_space<semaphore_mem>>) src(%dma_wait3A_314 : memref<128xi32, #tpu.memory_space<hbm>>) dst(%arg11 : memref<128xi32, #tpu.memory_space<vmem>>)
      %add3A_315 = arith.constant 1 : i32
      %add3A_316 = arith.addi %add3A_300, %add3A_315 : i32
      %mul3A_317 = arith.constant 128 : i32
      %mul3A_318 = arith.muli %add3A_316, %mul3A_317 : i32
      %dma_start3A_319 = tpu.memref_slice %arg8[%mul3A_318] : memref<10000xi32, #tpu.memory_space<vmem>> -> memref<128xi32, #tpu.memory_space<vmem>>
      %dma_start3A_320 = arith.constant 0 : i32
      %dma_start3A_321 = arith.constant 0 : i32
      %dma_start3A_322 = tpu.memref_slice %arg2[%dma_start3A_320, %dma_start3A_321] : memref<10000x128xf32, #tpu.memory_space<hbm>> -> memref<10000x128xf32, #tpu.memory_space<hbm>>
      tpu.enqueue_indirect_dma source(%dma_start3A_322 : memref<10000x128xf32, #tpu.memory_space<hbm>>) target(%arg13 : memref<128x128xf32, #tpu.memory_space<vmem>>) offsets(%dma_start3A_319 : memref<128xi32, #tpu.memory_space<vmem>>) semaphore(%arg23 : memref<!tpu.dma_semaphore, #tpu.memory_space<semaphore_mem>>)
      %mul3A_323 = arith.constant 128 : i32
      %mul3A_324 = arith.muli %add3A_300, %mul3A_323 : i32
      %dma_wait3A_325 = tpu.memref_slice %arg8[%mul3A_324] : memref<10000xi32, #tpu.memory_space<vmem>> -> memref<128xi32, #tpu.memory_space<vmem>>
      %dma_wait3A_326 = arith.constant 0 : i32
      %dma_wait3A_327 = arith.constant 0 : i32
      %dma_wait3A_328 = tpu.memref_slice %arg2[%dma_wait3A_326, %dma_wait3A_327] : memref<10000x128xf32, #tpu.memory_space<hbm>> -> memref<10000x128xf32, #tpu.memory_space<hbm>>
      tpu.wait_indirect_dma semaphore(%arg22 : memref<!tpu.dma_semaphore, #tpu.memory_space<semaphore_mem>>) src(%dma_wait3A_328 : memref<10000x128xf32, #tpu.memory_space<hbm>>) dst(%arg12 : memref<128x128xf32, #tpu.memory_space<vmem>>)
      %dma_start3A_329 = arith.constant 0 : i32
      %dma_start3A_330 = arith.constant 0 : i32
      %dma_start3A_331 = tpu.memref_slice %arg17[%dma_start3A_329, %dma_start3A_330] : memref<10000x128xf32, #tpu.memory_space<vmem_shared>> -> memref<10000x128xf32, #tpu.memory_space<vmem_shared>>
      tpu.enqueue_indirect_dma source(%arg12 : memref<128x128xf32, #tpu.memory_space<vmem>>) target(%dma_start3A_331 : memref<10000x128xf32, #tpu.memory_space<vmem_shared>>) offsets(%arg10 : memref<128xi32, #tpu.memory_space<vmem>>) semaphore(%arg24 : memref<!tpu.dma_semaphore, #tpu.memory_space<semaphore_mem>>) {add = true}
      %dma_start3A_332 = arith.constant 0 : i32
      %dma_start3A_333 = tpu.memref_slice %arg18[%dma_start3A_332] : memref<10112xf32, #tpu.memory_space<vmem_shared>> -> memref<10112xf32, #tpu.memory_space<vmem_shared>>
      tpu.enqueue_indirect_dma source(%arg15 : memref<128xf32, #tpu.memory_space<vmem>>) target(%dma_start3A_333 : memref<10112xf32, #tpu.memory_space<vmem_shared>>) offsets(%arg10 : memref<128xi32, #tpu.memory_space<vmem>>) semaphore(%arg24 : memref<!tpu.dma_semaphore, #tpu.memory_space<semaphore_mem>>) {add = true}
      %add3A_334 = arith.constant 2 : i32
      %add3A_335 = arith.addi %add3A_300, %add3A_334 : i32
      %lt3A_336 = arith.constant 78 : i32
      %lt3A_337 = arith.cmpi slt, %add3A_335, %lt3A_336 : i32
      %convert_element_type3A_338 = arith.extui %lt3A_337 : i1 to i32
      %cond3A_339 = arith.constant 0 : i32
      %cond3A_340 = arith.cmpi ne, %convert_element_type3A_338, %cond3A_339 : i32
      scf.if %cond3A_340 {
        %add3A_373 = arith.constant 2 : i32
        %add3A_374 = arith.addi %add3A_300, %add3A_373 : i32
        %add3A_375 = arith.constant 320000 : i32
        %add3A_376 = arith.addi %add3A_375, %mul3A_2 : i32
        %mul3A_377 = arith.constant 128 : i32
        %mul3A_378 = arith.muli %add3A_374, %mul3A_377 : i32
        %add3A_379 = arith.addi %add3A_376, %mul3A_378 : i32
        %dma_start3A_380 = tpu.memref_slice %arg3[%add3A_379] : memref<640000xi32, #tpu.memory_space<hbm>> -> memref<128xi32, #tpu.memory_space<hbm>>
        %dma_start3A_381 = tpu.memref_slice %arg3[%add3A_379] : memref<640000xi32, #tpu.memory_space<hbm>> -> memref<128xi32, #tpu.memory_space<hbm>>
        tpu.enqueue_dma source(%dma_start3A_381 : memref<128xi32, #tpu.memory_space<hbm>>) target(%arg9 : memref<128xi32, #tpu.memory_space<vmem>>) target_semaphore(%arg19 : memref<!tpu.dma_semaphore, #tpu.memory_space<semaphore_mem>>)
      } else {
      }
      %add3A_341 = arith.constant 5 : i32
      %add3A_342 = arith.addi %mul3A_123, %add3A_341 : i32
      %dma_wait3A_343 = arith.constant 0 : i32
      %dma_wait3A_344 = arith.constant 0 : i32
      %dma_wait3A_345 = tpu.memref_slice %arg17[%dma_wait3A_343, %dma_wait3A_344] : memref<10000x128xf32, #tpu.memory_space<vmem_shared>> -> memref<10000x128xf32, #tpu.memory_space<vmem_shared>>
      tpu.wait_indirect_dma semaphore(%arg24 : memref<!tpu.dma_semaphore, #tpu.memory_space<semaphore_mem>>) src(%arg12 : memref<128x128xf32, #tpu.memory_space<vmem>>) dst(%dma_wait3A_345 : memref<10000x128xf32, #tpu.memory_space<vmem_shared>>)
      %dma_wait3A_346 = arith.constant 0 : i32
      %dma_wait3A_347 = tpu.memref_slice %arg18[%dma_wait3A_346] : memref<10112xf32, #tpu.memory_space<vmem_shared>> -> memref<10112xf32, #tpu.memory_space<vmem_shared>>
      tpu.wait_indirect_dma semaphore(%arg24 : memref<!tpu.dma_semaphore, #tpu.memory_space<semaphore_mem>>) src(%arg15 : memref<128xf32, #tpu.memory_space<vmem>>) dst(%dma_wait3A_347 : memref<10112xf32, #tpu.memory_space<vmem_shared>>)
      %add3A_348 = arith.constant 1 : i32
      %add3A_349 = arith.addi %add3A_342, %add3A_348 : i32
      %lt3A_350 = arith.constant 78 : i32
      %lt3A_351 = arith.cmpi slt, %add3A_349, %lt3A_350 : i32
      %convert_element_type3A_352 = arith.extui %lt3A_351 : i1 to i32
      %cond3A_353 = arith.constant 0 : i32
      %cond3A_354 = arith.cmpi ne, %convert_element_type3A_352, %cond3A_353 : i32
      scf.if %cond3A_354 {
        %add3A_373 = arith.constant 1 : i32
        %add3A_374 = arith.addi %add3A_342, %add3A_373 : i32
        %add3A_375 = arith.constant 320000 : i32
        %add3A_376 = arith.addi %add3A_375, %mul3A_2 : i32
        %mul3A_377 = arith.constant 128 : i32
        %mul3A_378 = arith.muli %add3A_374, %mul3A_377 : i32
        %add3A_379 = arith.addi %add3A_376, %mul3A_378 : i32
        %dma_wait3A_380 = tpu.memref_slice %arg3[%add3A_379] : memref<640000xi32, #tpu.memory_space<hbm>> -> memref<128xi32, #tpu.memory_space<hbm>>
        %dma_wait3A_381 = tpu.memref_slice %arg3[%add3A_379] : memref<640000xi32, #tpu.memory_space<hbm>> -> memref<128xi32, #tpu.memory_space<hbm>>
        tpu.wait_dma2 semaphore(%arg19 : memref<!tpu.dma_semaphore, #tpu.memory_space<semaphore_mem>>) src(%dma_wait3A_381 : memref<128xi32, #tpu.memory_space<hbm>>) dst(%arg9 : memref<128xi32, #tpu.memory_space<vmem>>)
        %add3A_382 = arith.constant 1 : i32
        %add3A_383 = arith.addi %add3A_342, %add3A_382 : i32
        %mul3A_384 = arith.constant 128 : i32
        %mul3A_385 = arith.muli %add3A_383, %mul3A_384 : i32
        %dma_start3A_386 = tpu.memref_slice %arg8[%mul3A_385] : memref<10000xi32, #tpu.memory_space<vmem>> -> memref<128xi32, #tpu.memory_space<vmem>>
        %dma_start3A_387 = arith.constant 0 : i32
        %dma_start3A_388 = arith.constant 0 : i32
        %dma_start3A_389 = tpu.memref_slice %arg2[%dma_start3A_387, %dma_start3A_388] : memref<10000x128xf32, #tpu.memory_space<hbm>> -> memref<10000x128xf32, #tpu.memory_space<hbm>>
        tpu.enqueue_indirect_dma source(%dma_start3A_389 : memref<10000x128xf32, #tpu.memory_space<hbm>>) target(%arg12 : memref<128x128xf32, #tpu.memory_space<vmem>>) offsets(%dma_start3A_386 : memref<128xi32, #tpu.memory_space<vmem>>) semaphore(%arg22 : memref<!tpu.dma_semaphore, #tpu.memory_space<semaphore_mem>>)
      } else {
      }
      %mul3A_355 = arith.constant 128 : i32
      %mul3A_356 = arith.muli %add3A_342, %mul3A_355 : i32
      %dma_wait3A_357 = tpu.memref_slice %arg8[%mul3A_356] : memref<10000xi32, #tpu.memory_space<vmem>> -> memref<128xi32, #tpu.memory_space<vmem>>
      %dma_wait3A_358 = arith.constant 0 : i32
      %dma_wait3A_359 = arith.constant 0 : i32
      %dma_wait3A_360 = tpu.memref_slice %arg2[%dma_wait3A_358, %dma_wait3A_359] : memref<10000x128xf32, #tpu.memory_space<hbm>> -> memref<10000x128xf32, #tpu.memory_space<hbm>>
      tpu.wait_indirect_dma semaphore(%arg23 : memref<!tpu.dma_semaphore, #tpu.memory_space<semaphore_mem>>) src(%dma_wait3A_360 : memref<10000x128xf32, #tpu.memory_space<hbm>>) dst(%arg13 : memref<128x128xf32, #tpu.memory_space<vmem>>)
      %dma_start3A_361 = arith.constant 0 : i32
      %dma_start3A_362 = arith.constant 0 : i32
      %dma_start3A_363 = tpu.memref_slice %arg17[%dma_start3A_361, %dma_start3A_362] : memref<10000x128xf32, #tpu.memory_space<vmem_shared>> -> memref<10000x128xf32, #tpu.memory_space<vmem_shared>>
      tpu.enqueue_indirect_dma source(%arg13 : memref<128x128xf32, #tpu.memory_space<vmem>>) target(%dma_start3A_363 : memref<10000x128xf32, #tpu.memory_space<vmem_shared>>) offsets(%arg11 : memref<128xi32, #tpu.memory_space<vmem>>) semaphore(%arg25 : memref<!tpu.dma_semaphore, #tpu.memory_space<semaphore_mem>>) {add = true}
      %dma_start3A_364 = arith.constant 0 : i32
      %dma_start3A_365 = tpu.memref_slice %arg18[%dma_start3A_364] : memref<10112xf32, #tpu.memory_space<vmem_shared>> -> memref<10112xf32, #tpu.memory_space<vmem_shared>>
      tpu.enqueue_indirect_dma source(%arg15 : memref<128xf32, #tpu.memory_space<vmem>>) target(%dma_start3A_365 : memref<10112xf32, #tpu.memory_space<vmem_shared>>) offsets(%arg11 : memref<128xi32, #tpu.memory_space<vmem>>) semaphore(%arg25 : memref<!tpu.dma_semaphore, #tpu.memory_space<semaphore_mem>>) {add = true}
      %add3A_366 = arith.constant 2 : i32
      %add3A_367 = arith.addi %add3A_342, %add3A_366 : i32
      %lt3A_368 = arith.constant 78 : i32
      %lt3A_369 = arith.cmpi slt, %add3A_367, %lt3A_368 : i32
      %convert_element_type3A_370 = arith.extui %lt3A_369 : i1 to i32
      %cond3A_371 = arith.constant 0 : i32
      %cond3A_372 = arith.cmpi ne, %convert_element_type3A_370, %cond3A_371 : i32
      scf.if %cond3A_372 {
        %add3A_373 = arith.constant 2 : i32
        %add3A_374 = arith.addi %add3A_342, %add3A_373 : i32
        %add3A_375 = arith.constant 320000 : i32
        %add3A_376 = arith.addi %add3A_375, %mul3A_2 : i32
        %mul3A_377 = arith.constant 128 : i32
        %mul3A_378 = arith.muli %add3A_374, %mul3A_377 : i32
        %add3A_379 = arith.addi %add3A_376, %mul3A_378 : i32
        %dma_start3A_380 = tpu.memref_slice %arg3[%add3A_379] : memref<640000xi32, #tpu.memory_space<hbm>> -> memref<128xi32, #tpu.memory_space<hbm>>
        %dma_start3A_381 = tpu.memref_slice %arg3[%add3A_379] : memref<640000xi32, #tpu.memory_space<hbm>> -> memref<128xi32, #tpu.memory_space<hbm>>
        tpu.enqueue_dma source(%dma_start3A_381 : memref<128xi32, #tpu.memory_space<hbm>>) target(%arg10 : memref<128xi32, #tpu.memory_space<vmem>>) target_semaphore(%arg20 : memref<!tpu.dma_semaphore, #tpu.memory_space<semaphore_mem>>)
      } else {
      }
    }
    %scan3A_84 = arith.constant 13 : i32
    %dma_wait3A_85 = arith.constant 0 : i32
    %dma_wait3A_86 = arith.constant 0 : i32
    %dma_wait3A_87 = tpu.memref_slice %arg17[%dma_wait3A_85, %dma_wait3A_86] : memref<10000x128xf32, #tpu.memory_space<vmem_shared>> -> memref<10000x128xf32, #tpu.memory_space<vmem_shared>>
    tpu.wait_indirect_dma semaphore(%arg25 : memref<!tpu.dma_semaphore, #tpu.memory_space<semaphore_mem>>) src(%arg13 : memref<128x128xf32, #tpu.memory_space<vmem>>) dst(%dma_wait3A_87 : memref<10000x128xf32, #tpu.memory_space<vmem_shared>>)
    %dma_wait3A_88 = arith.constant 0 : i32
    %dma_wait3A_89 = tpu.memref_slice %arg18[%dma_wait3A_88] : memref<10112xf32, #tpu.memory_space<vmem_shared>> -> memref<10112xf32, #tpu.memory_space<vmem_shared>>
    tpu.wait_indirect_dma semaphore(%arg25 : memref<!tpu.dma_semaphore, #tpu.memory_space<semaphore_mem>>) src(%arg15 : memref<128xf32, #tpu.memory_space<vmem>>) dst(%dma_wait3A_89 : memref<10112xf32, #tpu.memory_space<vmem_shared>>)
    %add3A_90 = arith.constant 9984 : i32
    %add3A_91 = arith.addi %mul3A_2, %add3A_90 : i32
    %add3A_92 = arith.constant 320000 : i32
    %add3A_93 = arith.addi %add3A_92, %add3A_91 : i32
    "tpu.region"() ({
      %run_scoped3A = tpu.sem_alloc : memref<!tpu.dma_semaphore, #tpu.memory_space<semaphore_mem>>
      %dma_start3A_121 = tpu.memref_slice %arg3[%add3A_93] : memref<640000xi32, #tpu.memory_space<hbm>> -> memref<16xi32, #tpu.memory_space<hbm>>
      %dma_start3A_122 = tpu.memref_slice %arg3[%add3A_93] : memref<640000xi32, #tpu.memory_space<hbm>> -> memref<16xi32, #tpu.memory_space<hbm>>
      tpu.enqueue_dma source(%dma_start3A_122 : memref<16xi32, #tpu.memory_space<hbm>>) target(%arg14 : memref<16xi32, #tpu.memory_space<vmem>>) target_semaphore(%run_scoped3A : memref<!tpu.dma_semaphore, #tpu.memory_space<semaphore_mem>>)
      %dma_wait3A_123 = tpu.memref_slice %arg3[%add3A_93] : memref<640000xi32, #tpu.memory_space<hbm>> -> memref<16xi32, #tpu.memory_space<hbm>>
      %dma_wait3A_124 = tpu.memref_slice %arg3[%add3A_93] : memref<640000xi32, #tpu.memory_space<hbm>> -> memref<16xi32, #tpu.memory_space<hbm>>
      tpu.wait_dma2 semaphore(%run_scoped3A : memref<!tpu.dma_semaphore, #tpu.memory_space<semaphore_mem>>) src(%dma_wait3A_124 : memref<16xi32, #tpu.memory_space<hbm>>) dst(%arg14 : memref<16xi32, #tpu.memory_space<vmem>>)
      tpu.yield
    }) : () -> ()
    %dma_start3A_94 = arith.constant 0 : i32
    %dma_start3A_95 = arith.constant 0 : i32
    %dma_start3A_96 = tpu.memref_slice %arg12[%dma_start3A_94, %dma_start3A_95] : memref<128x128xf32, #tpu.memory_space<vmem>> -> memref<16x128xf32, #tpu.memory_space<vmem>>
    %dma_start3A_97 = arith.constant 9984 : i32
    %dma_start3A_98 = tpu.memref_slice %arg8[%dma_start3A_97] : memref<10000xi32, #tpu.memory_space<vmem>> -> memref<16xi32, #tpu.memory_space<vmem>>
    %dma_start3A_99 = arith.constant 0 : i32
    %dma_start3A_100 = arith.constant 0 : i32
    %dma_start3A_101 = tpu.memref_slice %arg2[%dma_start3A_99, %dma_start3A_100] : memref<10000x128xf32, #tpu.memory_space<hbm>> -> memref<10000x128xf32, #tpu.memory_space<hbm>>
    tpu.enqueue_indirect_dma source(%dma_start3A_101 : memref<10000x128xf32, #tpu.memory_space<hbm>>) target(%dma_start3A_96 : memref<16x128xf32, #tpu.memory_space<vmem>>) offsets(%dma_start3A_98 : memref<16xi32, #tpu.memory_space<vmem>>) semaphore(%arg22 : memref<!tpu.dma_semaphore, #tpu.memory_space<semaphore_mem>>)
    %dma_wait3A_102 = arith.constant 0 : i32
    %dma_wait3A_103 = arith.constant 0 : i32
    %dma_wait3A_104 = tpu.memref_slice %arg12[%dma_wait3A_102, %dma_wait3A_103] : memref<128x128xf32, #tpu.memory_space<vmem>> -> memref<16x128xf32, #tpu.memory_space<vmem>>
    %dma_wait3A_105 = arith.constant 9984 : i32
    %dma_wait3A_106 = tpu.memref_slice %arg8[%dma_wait3A_105] : memref<10000xi32, #tpu.memory_space<vmem>> -> memref<16xi32, #tpu.memory_space<vmem>>
    %dma_wait3A_107 = arith.constant 0 : i32
    %dma_wait3A_108 = arith.constant 0 : i32
    %dma_wait3A_109 = tpu.memref_slice %arg2[%dma_wait3A_107, %dma_wait3A_108] : memref<10000x128xf32, #tpu.memory_space<hbm>> -> memref<10000x128xf32, #tpu.memory_space<hbm>>
    tpu.wait_indirect_dma semaphore(%arg22 : memref<!tpu.dma_semaphore, #tpu.memory_space<semaphore_mem>>) src(%dma_wait3A_109 : memref<10000x128xf32, #tpu.memory_space<hbm>>) dst(%dma_wait3A_104 : memref<16x128xf32, #tpu.memory_space<vmem>>)
    "tpu.region"() ({
      %run_scoped3A = tpu.sem_alloc : memref<!tpu.dma_semaphore, #tpu.memory_space<semaphore_mem>>
      %dma_start3A_121 = arith.constant 0 : i32
      %dma_start3A_122 = arith.constant 0 : i32
      %dma_start3A_123 = tpu.memref_slice %arg12[%dma_start3A_121, %dma_start3A_122] : memref<128x128xf32, #tpu.memory_space<vmem>> -> memref<16x128xf32, #tpu.memory_space<vmem>>
      %dma_start3A_124 = arith.constant 0 : i32
      %dma_start3A_125 = arith.constant 0 : i32
      %dma_start3A_126 = tpu.memref_slice %arg17[%dma_start3A_124, %dma_start3A_125] : memref<10000x128xf32, #tpu.memory_space<vmem_shared>> -> memref<10000x128xf32, #tpu.memory_space<vmem_shared>>
      tpu.enqueue_indirect_dma source(%dma_start3A_123 : memref<16x128xf32, #tpu.memory_space<vmem>>) target(%dma_start3A_126 : memref<10000x128xf32, #tpu.memory_space<vmem_shared>>) offsets(%arg14 : memref<16xi32, #tpu.memory_space<vmem>>) semaphore(%run_scoped3A : memref<!tpu.dma_semaphore, #tpu.memory_space<semaphore_mem>>) {add = true}
      %dma_wait3A_127 = arith.constant 0 : i32
      %dma_wait3A_128 = arith.constant 0 : i32
      %dma_wait3A_129 = tpu.memref_slice %arg12[%dma_wait3A_127, %dma_wait3A_128] : memref<128x128xf32, #tpu.memory_space<vmem>> -> memref<16x128xf32, #tpu.memory_space<vmem>>
      %dma_wait3A_130 = arith.constant 0 : i32
      %dma_wait3A_131 = arith.constant 0 : i32
      %dma_wait3A_132 = tpu.memref_slice %arg17[%dma_wait3A_130, %dma_wait3A_131] : memref<10000x128xf32, #tpu.memory_space<vmem_shared>> -> memref<10000x128xf32, #tpu.memory_space<vmem_shared>>
      tpu.wait_indirect_dma semaphore(%run_scoped3A : memref<!tpu.dma_semaphore, #tpu.memory_space<semaphore_mem>>) src(%dma_wait3A_129 : memref<16x128xf32, #tpu.memory_space<vmem>>) dst(%dma_wait3A_132 : memref<10000x128xf32, #tpu.memory_space<vmem_shared>>)
      tpu.yield
    }) : () -> ()
    "tpu.region"() ({
      %run_scoped3A = tpu.sem_alloc : memref<!tpu.dma_semaphore, #tpu.memory_space<semaphore_mem>>
      %dma_start3A_121 = arith.constant 0 : i32
      %dma_start3A_122 = tpu.memref_slice %arg15[%dma_start3A_121] : memref<128xf32, #tpu.memory_space<vmem>> -> memref<16xf32, #tpu.memory_space<vmem>>
      %dma_start3A_123 = arith.constant 0 : i32
      %dma_start3A_124 = tpu.memref_slice %arg18[%dma_start3A_123] : memref<10112xf32, #tpu.memory_space<vmem_shared>> -> memref<10112xf32, #tpu.memory_space<vmem_shared>>
      tpu.enqueue_indirect_dma source(%dma_start3A_122 : memref<16xf32, #tpu.memory_space<vmem>>) target(%dma_start3A_124 : memref<10112xf32, #tpu.memory_space<vmem_shared>>) offsets(%arg14 : memref<16xi32, #tpu.memory_space<vmem>>) semaphore(%run_scoped3A : memref<!tpu.dma_semaphore, #tpu.memory_space<semaphore_mem>>) {add = true}
      %dma_wait3A_125 = arith.constant 0 : i32
      %dma_wait3A_126 = tpu.memref_slice %arg15[%dma_wait3A_125] : memref<128xf32, #tpu.memory_space<vmem>> -> memref<16xf32, #tpu.memory_space<vmem>>
      %dma_wait3A_127 = arith.constant 0 : i32
      %dma_wait3A_128 = tpu.memref_slice %arg18[%dma_wait3A_127] : memref<10112xf32, #tpu.memory_space<vmem_shared>> -> memref<10112xf32, #tpu.memory_space<vmem_shared>>
      tpu.wait_indirect_dma semaphore(%run_scoped3A : memref<!tpu.dma_semaphore, #tpu.memory_space<semaphore_mem>>) src(%dma_wait3A_126 : memref<16xf32, #tpu.memory_space<vmem>>) dst(%dma_wait3A_128 : memref<10112xf32, #tpu.memory_space<vmem_shared>>)
      tpu.yield
    }) : () -> ()
    %barrier3A_110 = arith.constant 0 : index
    tpu.barrier barrier_id(%barrier3A_110)
    %lt3A_111 = arith.constant 15 : i32
    %lt3A_112 = arith.cmpi slt, %arg1, %lt3A_111 : i32
    %convert_element_type3A_113 = arith.extui %lt3A_112 : i1 to i32
    %cond3A_114 = arith.constant 0 : i32
    %cond3A_115 = arith.cmpi ne, %convert_element_type3A_113, %cond3A_114 : i32
    scf.if %cond3A_115 {
      %mul3A_121 = arith.constant 632 : i32
      %mul3A_122 = arith.muli %arg1, %mul3A_121 : i32
      %add3A_123 = arith.constant 0 : i32
      %add3A_124 = arith.addi %mul3A_122, %add3A_123 : i32
      "tpu.region"() ({
        %run_scoped3A = tpu.sem_alloc : memref<!tpu.dma_semaphore, #tpu.memory_space<semaphore_mem>>
        %dma_start3A_165 = arith.constant 0 : i32
        %dma_start3A_166 = tpu.memref_slice %arg17[%add3A_124, %dma_start3A_165] : memref<10000x128xf32, #tpu.memory_space<vmem_shared>> -> memref<128x128xf32, #tpu.memory_space<vmem_shared>>
        %dma_start3A_167 = arith.constant 0 : i32
        %dma_start3A_168 = tpu.memref_slice %arg17[%add3A_124, %dma_start3A_167] : memref<10000x128xf32, #tpu.memory_space<vmem_shared>> -> memref<128x128xf32, #tpu.memory_space<vmem_shared>>
        tpu.enqueue_dma source(%dma_start3A_168 : memref<128x128xf32, #tpu.memory_space<vmem_shared>>) target(%arg12 : memref<128x128xf32, #tpu.memory_space<vmem>>) target_semaphore(%run_scoped3A : memref<!tpu.dma_semaphore, #tpu.memory_space<semaphore_mem>>)
        %dma_wait3A_169 = arith.constant 0 : i32
        %dma_wait3A_170 = tpu.memref_slice %arg17[%add3A_124, %dma_wait3A_169] : memref<10000x128xf32, #tpu.memory_space<vmem_shared>> -> memref<128x128xf32, #tpu.memory_space<vmem_shared>>
        %dma_wait3A_171 = arith.constant 0 : i32
        %dma_wait3A_172 = tpu.memref_slice %arg17[%add3A_124, %dma_wait3A_171] : memref<10000x128xf32, #tpu.memory_space<vmem_shared>> -> memref<128x128xf32, #tpu.memory_space<vmem_shared>>
        tpu.wait_dma2 semaphore(%run_scoped3A : memref<!tpu.dma_semaphore, #tpu.memory_space<semaphore_mem>>) src(%dma_wait3A_172 : memref<128x128xf32, #tpu.memory_space<vmem_shared>>) dst(%arg12 : memref<128x128xf32, #tpu.memory_space<vmem>>)
        tpu.yield
      }) : () -> ()
      %mul3A_125 = arith.constant 632 : i32
      %mul3A_126 = arith.muli %arg1, %mul3A_125 : i32
      %add3A_127 = arith.constant 0 : i32
      %add3A_128 = arith.addi %mul3A_126, %add3A_127 : i32
      "tpu.region"() ({
        %run_scoped3A = tpu.sem_alloc : memref<!tpu.dma_semaphore, #tpu.memory_space<semaphore_mem>>
        %dma_start3A_165 = arith.constant 0 : i32
        %dma_start3A_166 = tpu.memref_slice %arg6[%arg0, %add3A_128, %dma_start3A_165] : memref<2x10000x128xf32, #tpu.memory_space<hbm>> -> memref<1x128x128xf32, #tpu.memory_space<hbm>>
        %dma_start3A_167 = tpu.memref_squeeze %dma_start3A_166 : memref<1x128x128xf32, #tpu.memory_space<hbm>> -> memref<128x128xf32, #tpu.memory_space<hbm>>
        %dma_start3A_168 = arith.constant 0 : i32
        %dma_start3A_169 = tpu.memref_slice %arg6[%arg0, %add3A_128, %dma_start3A_168] : memref<2x10000x128xf32, #tpu.memory_space<hbm>> -> memref<1x128x128xf32, #tpu.memory_space<hbm>>
        %dma_start3A_170 = tpu.memref_squeeze %dma_start3A_169 : memref<1x128x128xf32, #tpu.memory_space<hbm>> -> memref<128x128xf32, #tpu.memory_space<hbm>>
        tpu.enqueue_dma source(%arg12 : memref<128x128xf32, #tpu.memory_space<vmem>>) target(%dma_start3A_170 : memref<128x128xf32, #tpu.memory_space<hbm>>) target_semaphore(%run_scoped3A : memref<!tpu.dma_semaphore, #tpu.memory_space<semaphore_mem>>)
        %dma_wait3A_171 = arith.constant 0 : i32
        %dma_wait3A_172 = tpu.memref_slice %arg6[%arg0, %add3A_128, %dma_wait3A_171] : memref<2x10000x128xf32, #tpu.memory_space<hbm>> -> memref<1x128x128xf32, #tpu.memory_space<hbm>>
        %dma_wait3A_173 = tpu.memref_squeeze %dma_wait3A_172 : memref<1x128x128xf32, #tpu.memory_space<hbm>> -> memref<128x128xf32, #tpu.memory_space<hbm>>
        %dma_wait3A_174 = arith.constant 0 : i32
        %dma_wait3A_175 = tpu.memref_slice %arg6[%arg0, %add3A_128, %dma_wait3A_174] : memref<2x10000x128xf32, #tpu.memory_space<hbm>> -> memref<1x128x128xf32, #tpu.memory_space<hbm>>
        %dma_wait3A_176 = tpu.memref_squeeze %dma_wait3A_175 : memref<1x128x128xf32, #tpu.memory_space<hbm>> -> memref<128x128xf32, #tpu.memory_space<hbm>>
        tpu.wait_dma2 semaphore(%run_scoped3A : memref<!tpu.dma_semaphore, #tpu.memory_space<semaphore_mem>>) src(%arg12 : memref<128x128xf32, #tpu.memory_space<vmem>>) dst(%dma_wait3A_176 : memref<128x128xf32, #tpu.memory_space<hbm>>)
        tpu.yield
      }) : () -> ()
      %mul3A_129 = arith.constant 632 : i32
      %mul3A_130 = arith.muli %arg1, %mul3A_129 : i32
      %add3A_131 = arith.constant 128 : i32
      %add3A_132 = arith.addi %mul3A_130, %add3A_131 : i32
      "tpu.region"() ({
        %run_scoped3A = tpu.sem_alloc : memref<!tpu.dma_semaphore, #tpu.memory_space<semaphore_mem>>
        %dma_start3A_165 = arith.constant 0 : i32
        %dma_start3A_166 = tpu.memref_slice %arg17[%add3A_132, %dma_start3A_165] : memref<10000x128xf32, #tpu.memory_space<vmem_shared>> -> memref<128x128xf32, #tpu.memory_space<vmem_shared>>
        %dma_start3A_167 = arith.constant 0 : i32
        %dma_start3A_168 = tpu.memref_slice %arg17[%add3A_132, %dma_start3A_167] : memref<10000x128xf32, #tpu.memory_space<vmem_shared>> -> memref<128x128xf32, #tpu.memory_space<vmem_shared>>
        tpu.enqueue_dma source(%dma_start3A_168 : memref<128x128xf32, #tpu.memory_space<vmem_shared>>) target(%arg12 : memref<128x128xf32, #tpu.memory_space<vmem>>) target_semaphore(%run_scoped3A : memref<!tpu.dma_semaphore, #tpu.memory_space<semaphore_mem>>)
        %dma_wait3A_169 = arith.constant 0 : i32
        %dma_wait3A_170 = tpu.memref_slice %arg17[%add3A_132, %dma_wait3A_169] : memref<10000x128xf32, #tpu.memory_space<vmem_shared>> -> memref<128x128xf32, #tpu.memory_space<vmem_shared>>
        %dma_wait3A_171 = arith.constant 0 : i32
        %dma_wait3A_172 = tpu.memref_slice %arg17[%add3A_132, %dma_wait3A_171] : memref<10000x128xf32, #tpu.memory_space<vmem_shared>> -> memref<128x128xf32, #tpu.memory_space<vmem_shared>>
        tpu.wait_dma2 semaphore(%run_scoped3A : memref<!tpu.dma_semaphore, #tpu.memory_space<semaphore_mem>>) src(%dma_wait3A_172 : memref<128x128xf32, #tpu.memory_space<vmem_shared>>) dst(%arg12 : memref<128x128xf32, #tpu.memory_space<vmem>>)
        tpu.yield
      }) : () -> ()
      %mul3A_133 = arith.constant 632 : i32
      %mul3A_134 = arith.muli %arg1, %mul3A_133 : i32
      %add3A_135 = arith.constant 128 : i32
      %add3A_136 = arith.addi %mul3A_134, %add3A_135 : i32
      "tpu.region"() ({
        %run_scoped3A = tpu.sem_alloc : memref<!tpu.dma_semaphore, #tpu.memory_space<semaphore_mem>>
        %dma_start3A_165 = arith.constant 0 : i32
        %dma_start3A_166 = tpu.memref_slice %arg6[%arg0, %add3A_136, %dma_start3A_165] : memref<2x10000x128xf32, #tpu.memory_space<hbm>> -> memref<1x128x128xf32, #tpu.memory_space<hbm>>
        %dma_start3A_167 = tpu.memref_squeeze %dma_start3A_166 : memref<1x128x128xf32, #tpu.memory_space<hbm>> -> memref<128x128xf32, #tpu.memory_space<hbm>>
        %dma_start3A_168 = arith.constant 0 : i32
        %dma_start3A_169 = tpu.memref_slice %arg6[%arg0, %add3A_136, %dma_start3A_168] : memref<2x10000x128xf32, #tpu.memory_space<hbm>> -> memref<1x128x128xf32, #tpu.memory_space<hbm>>
        %dma_start3A_170 = tpu.memref_squeeze %dma_start3A_169 : memref<1x128x128xf32, #tpu.memory_space<hbm>> -> memref<128x128xf32, #tpu.memory_space<hbm>>
        tpu.enqueue_dma source(%arg12 : memref<128x128xf32, #tpu.memory_space<vmem>>) target(%dma_start3A_170 : memref<128x128xf32, #tpu.memory_space<hbm>>) target_semaphore(%run_scoped3A : memref<!tpu.dma_semaphore, #tpu.memory_space<semaphore_mem>>)
        %dma_wait3A_171 = arith.constant 0 : i32
        %dma_wait3A_172 = tpu.memref_slice %arg6[%arg0, %add3A_136, %dma_wait3A_171] : memref<2x10000x128xf32, #tpu.memory_space<hbm>> -> memref<1x128x128xf32, #tpu.memory_space<hbm>>
        %dma_wait3A_173 = tpu.memref_squeeze %dma_wait3A_172 : memref<1x128x128xf32, #tpu.memory_space<hbm>> -> memref<128x128xf32, #tpu.memory_space<hbm>>
        %dma_wait3A_174 = arith.constant 0 : i32
        %dma_wait3A_175 = tpu.memref_slice %arg6[%arg0, %add3A_136, %dma_wait3A_174] : memref<2x10000x128xf32, #tpu.memory_space<hbm>> -> memref<1x128x128xf32, #tpu.memory_space<hbm>>
        %dma_wait3A_176 = tpu.memref_squeeze %dma_wait3A_175 : memref<1x128x128xf32, #tpu.memory_space<hbm>> -> memref<128x128xf32, #tpu.memory_space<hbm>>
        tpu.wait_dma2 semaphore(%run_scoped3A : memref<!tpu.dma_semaphore, #tpu.memory_space<semaphore_mem>>) src(%arg12 : memref<128x128xf32, #tpu.memory_space<vmem>>) dst(%dma_wait3A_176 : memref<128x128xf32, #tpu.memory_space<hbm>>)
        tpu.yield
      }) : () -> ()
      %mul3A_137 = arith.constant 632 : i32
      %mul3A_138 = arith.muli %arg1, %mul3A_137 : i32
      %add3A_139 = arith.constant 256 : i32
      %add3A_140 = arith.addi %mul3A_138, %add3A_139 : i32
      "tpu.region"() ({
        %run_scoped3A = tpu.sem_alloc : memref<!tpu.dma_semaphore, #tpu.memory_space<semaphore_mem>>
        %dma_start3A_165 = arith.constant 0 : i32
        %dma_start3A_166 = tpu.memref_slice %arg17[%add3A_140, %dma_start3A_165] : memref<10000x128xf32, #tpu.memory_space<vmem_shared>> -> memref<128x128xf32, #tpu.memory_space<vmem_shared>>
        %dma_start3A_167 = arith.constant 0 : i32
        %dma_start3A_168 = tpu.memref_slice %arg17[%add3A_140, %dma_start3A_167] : memref<10000x128xf32, #tpu.memory_space<vmem_shared>> -> memref<128x128xf32, #tpu.memory_space<vmem_shared>>
        tpu.enqueue_dma source(%dma_start3A_168 : memref<128x128xf32, #tpu.memory_space<vmem_shared>>) target(%arg12 : memref<128x128xf32, #tpu.memory_space<vmem>>) target_semaphore(%run_scoped3A : memref<!tpu.dma_semaphore, #tpu.memory_space<semaphore_mem>>)
        %dma_wait3A_169 = arith.constant 0 : i32
        %dma_wait3A_170 = tpu.memref_slice %arg17[%add3A_140, %dma_wait3A_169] : memref<10000x128xf32, #tpu.memory_space<vmem_shared>> -> memref<128x128xf32, #tpu.memory_space<vmem_shared>>
        %dma_wait3A_171 = arith.constant 0 : i32
        %dma_wait3A_172 = tpu.memref_slice %arg17[%add3A_140, %dma_wait3A_171] : memref<10000x128xf32, #tpu.memory_space<vmem_shared>> -> memref<128x128xf32, #tpu.memory_space<vmem_shared>>
        tpu.wait_dma2 semaphore(%run_scoped3A : memref<!tpu.dma_semaphore, #tpu.memory_space<semaphore_mem>>) src(%dma_wait3A_172 : memref<128x128xf32, #tpu.memory_space<vmem_shared>>) dst(%arg12 : memref<128x128xf32, #tpu.memory_space<vmem>>)
        tpu.yield
      }) : () -> ()
      %mul3A_141 = arith.constant 632 : i32
      %mul3A_142 = arith.muli %arg1, %mul3A_141 : i32
      %add3A_143 = arith.constant 256 : i32
      %add3A_144 = arith.addi %mul3A_142, %add3A_143 : i32
      "tpu.region"() ({
        %run_scoped3A = tpu.sem_alloc : memref<!tpu.dma_semaphore, #tpu.memory_space<semaphore_mem>>
        %dma_start3A_165 = arith.constant 0 : i32
        %dma_start3A_166 = tpu.memref_slice %arg6[%arg0, %add3A_144, %dma_start3A_165] : memref<2x10000x128xf32, #tpu.memory_space<hbm>> -> memref<1x128x128xf32, #tpu.memory_space<hbm>>
        %dma_start3A_167 = tpu.memref_squeeze %dma_start3A_166 : memref<1x128x128xf32, #tpu.memory_space<hbm>> -> memref<128x128xf32, #tpu.memory_space<hbm>>
        %dma_start3A_168 = arith.constant 0 : i32
        %dma_start3A_169 = tpu.memref_slice %arg6[%arg0, %add3A_144, %dma_start3A_168] : memref<2x10000x128xf32, #tpu.memory_space<hbm>> -> memref<1x128x128xf32, #tpu.memory_space<hbm>>
        %dma_start3A_170 = tpu.memref_squeeze %dma_start3A_169 : memref<1x128x128xf32, #tpu.memory_space<hbm>> -> memref<128x128xf32, #tpu.memory_space<hbm>>
        tpu.enqueue_dma source(%arg12 : memref<128x128xf32, #tpu.memory_space<vmem>>) target(%dma_start3A_170 : memref<128x128xf32, #tpu.memory_space<hbm>>) target_semaphore(%run_scoped3A : memref<!tpu.dma_semaphore, #tpu.memory_space<semaphore_mem>>)
        %dma_wait3A_171 = arith.constant 0 : i32
        %dma_wait3A_172 = tpu.memref_slice %arg6[%arg0, %add3A_144, %dma_wait3A_171] : memref<2x10000x128xf32, #tpu.memory_space<hbm>> -> memref<1x128x128xf32, #tpu.memory_space<hbm>>
        %dma_wait3A_173 = tpu.memref_squeeze %dma_wait3A_172 : memref<1x128x128xf32, #tpu.memory_space<hbm>> -> memref<128x128xf32, #tpu.memory_space<hbm>>
        %dma_wait3A_174 = arith.constant 0 : i32
        %dma_wait3A_175 = tpu.memref_slice %arg6[%arg0, %add3A_144, %dma_wait3A_174] : memref<2x10000x128xf32, #tpu.memory_space<hbm>> -> memref<1x128x128xf32, #tpu.memory_space<hbm>>
        %dma_wait3A_176 = tpu.memref_squeeze %dma_wait3A_175 : memref<1x128x128xf32, #tpu.memory_space<hbm>> -> memref<128x128xf32, #tpu.memory_space<hbm>>
        tpu.wait_dma2 semaphore(%run_scoped3A : memref<!tpu.dma_semaphore, #tpu.memory_space<semaphore_mem>>) src(%arg12 : memref<128x128xf32, #tpu.memory_space<vmem>>) dst(%dma_wait3A_176 : memref<128x128xf32, #tpu.memory_space<hbm>>)
        tpu.yield
      }) : () -> ()
      %mul3A_145 = arith.constant 632 : i32
      %mul3A_146 = arith.muli %arg1, %mul3A_145 : i32
      %add3A_147 = arith.constant 384 : i32
      %add3A_148 = arith.addi %mul3A_146, %add3A_147 : i32
      "tpu.region"() ({
        %run_scoped3A = tpu.sem_alloc : memref<!tpu.dma_semaphore, #tpu.memory_space<semaphore_mem>>
        %dma_start3A_165 = arith.constant 0 : i32
        %dma_start3A_166 = tpu.memref_slice %arg17[%add3A_148, %dma_start3A_165] : memref<10000x128xf32, #tpu.memory_space<vmem_shared>> -> memref<128x128xf32, #tpu.memory_space<vmem_shared>>
        %dma_start3A_167 = arith.constant 0 : i32
        %dma_start3A_168 = tpu.memref_slice %arg17[%add3A_148, %dma_start3A_167] : memref<10000x128xf32, #tpu.memory_space<vmem_shared>> -> memref<128x128xf32, #tpu.memory_space<vmem_shared>>
        tpu.enqueue_dma source(%dma_start3A_168 : memref<128x128xf32, #tpu.memory_space<vmem_shared>>) target(%arg12 : memref<128x128xf32, #tpu.memory_space<vmem>>) target_semaphore(%run_scoped3A : memref<!tpu.dma_semaphore, #tpu.memory_space<semaphore_mem>>)
        %dma_wait3A_169 = arith.constant 0 : i32
        %dma_wait3A_170 = tpu.memref_slice %arg17[%add3A_148, %dma_wait3A_169] : memref<10000x128xf32, #tpu.memory_space<vmem_shared>> -> memref<128x128xf32, #tpu.memory_space<vmem_shared>>
        %dma_wait3A_171 = arith.constant 0 : i32
        %dma_wait3A_172 = tpu.memref_slice %arg17[%add3A_148, %dma_wait3A_171] : memref<10000x128xf32, #tpu.memory_space<vmem_shared>> -> memref<128x128xf32, #tpu.memory_space<vmem_shared>>
        tpu.wait_dma2 semaphore(%run_scoped3A : memref<!tpu.dma_semaphore, #tpu.memory_space<semaphore_mem>>) src(%dma_wait3A_172 : memref<128x128xf32, #tpu.memory_space<vmem_shared>>) dst(%arg12 : memref<128x128xf32, #tpu.memory_space<vmem>>)
        tpu.yield
      }) : () -> ()
      %mul3A_149 = arith.constant 632 : i32
      %mul3A_150 = arith.muli %arg1, %mul3A_149 : i32
      %add3A_151 = arith.constant 384 : i32
      %add3A_152 = arith.addi %mul3A_150, %add3A_151 : i32
      "tpu.region"() ({
        %run_scoped3A = tpu.sem_alloc : memref<!tpu.dma_semaphore, #tpu.memory_space<semaphore_mem>>
        %dma_start3A_165 = arith.constant 0 : i32
        %dma_start3A_166 = tpu.memref_slice %arg6[%arg0, %add3A_152, %dma_start3A_165] : memref<2x10000x128xf32, #tpu.memory_space<hbm>> -> memref<1x128x128xf32, #tpu.memory_space<hbm>>
        %dma_start3A_167 = tpu.memref_squeeze %dma_start3A_166 : memref<1x128x128xf32, #tpu.memory_space<hbm>> -> memref<128x128xf32, #tpu.memory_space<hbm>>
        %dma_start3A_168 = arith.constant 0 : i32
        %dma_start3A_169 = tpu.memref_slice %arg6[%arg0, %add3A_152, %dma_start3A_168] : memref<2x10000x128xf32, #tpu.memory_space<hbm>> -> memref<1x128x128xf32, #tpu.memory_space<hbm>>
        %dma_start3A_170 = tpu.memref_squeeze %dma_start3A_169 : memref<1x128x128xf32, #tpu.memory_space<hbm>> -> memref<128x128xf32, #tpu.memory_space<hbm>>
        tpu.enqueue_dma source(%arg12 : memref<128x128xf32, #tpu.memory_space<vmem>>) target(%dma_start3A_170 : memref<128x128xf32, #tpu.memory_space<hbm>>) target_semaphore(%run_scoped3A : memref<!tpu.dma_semaphore, #tpu.memory_space<semaphore_mem>>)
        %dma_wait3A_171 = arith.constant 0 : i32
        %dma_wait3A_172 = tpu.memref_slice %arg6[%arg0, %add3A_152, %dma_wait3A_171] : memref<2x10000x128xf32, #tpu.memory_space<hbm>> -> memref<1x128x128xf32, #tpu.memory_space<hbm>>
        %dma_wait3A_173 = tpu.memref_squeeze %dma_wait3A_172 : memref<1x128x128xf32, #tpu.memory_space<hbm>> -> memref<128x128xf32, #tpu.memory_space<hbm>>
        %dma_wait3A_174 = arith.constant 0 : i32
        %dma_wait3A_175 = tpu.memref_slice %arg6[%arg0, %add3A_152, %dma_wait3A_174] : memref<2x10000x128xf32, #tpu.memory_space<hbm>> -> memref<1x128x128xf32, #tpu.memory_space<hbm>>
        %dma_wait3A_176 = tpu.memref_squeeze %dma_wait3A_175 : memref<1x128x128xf32, #tpu.memory_space<hbm>> -> memref<128x128xf32, #tpu.memory_space<hbm>>
        tpu.wait_dma2 semaphore(%run_scoped3A : memref<!tpu.dma_semaphore, #tpu.memory_space<semaphore_mem>>) src(%arg12 : memref<128x128xf32, #tpu.memory_space<vmem>>) dst(%dma_wait3A_176 : memref<128x128xf32, #tpu.memory_space<hbm>>)
        tpu.yield
      }) : () -> ()
      %mul3A_153 = arith.constant 632 : i32
      %mul3A_154 = arith.muli %arg1, %mul3A_153 : i32
      %add3A_155 = arith.constant 512 : i32
      %add3A_156 = arith.addi %mul3A_154, %add3A_155 : i32
      "tpu.region"() ({
        %run_scoped3A = tpu.sem_alloc : memref<!tpu.dma_semaphore, #tpu.memory_space<semaphore_mem>>
        %dma_start3A_165 = arith.constant 0 : i32
        %dma_start3A_166 = arith.constant 0 : i32
        %dma_start3A_167 = tpu.memref_slice %arg12[%dma_start3A_165, %dma_start3A_166] : memref<128x128xf32, #tpu.memory_space<vmem>> -> memref<120x128xf32, #tpu.memory_space<vmem>>
        %dma_start3A_168 = arith.constant 0 : i32
        %dma_start3A_169 = tpu.memref_slice %arg17[%add3A_156, %dma_start3A_168] : memref<10000x128xf32, #tpu.memory_space<vmem_shared>> -> memref<120x128xf32, #tpu.memory_space<vmem_shared>>
        %dma_start3A_170 = arith.constant 0 : i32
        %dma_start3A_171 = arith.constant 0 : i32
        %dma_start3A_172 = tpu.memref_slice %arg12[%dma_start3A_170, %dma_start3A_171] : memref<128x128xf32, #tpu.memory_space<vmem>> -> memref<120x128xf32, #tpu.memory_space<vmem>>
        %dma_start3A_173 = arith.constant 0 : i32
        %dma_start3A_174 = tpu.memref_slice %arg17[%add3A_156, %dma_start3A_173] : memref<10000x128xf32, #tpu.memory_space<vmem_shared>> -> memref<120x128xf32, #tpu.memory_space<vmem_shared>>
        tpu.enqueue_dma source(%dma_start3A_174 : memref<120x128xf32, #tpu.memory_space<vmem_shared>>) target(%dma_start3A_172 : memref<120x128xf32, #tpu.memory_space<vmem>>) target_semaphore(%run_scoped3A : memref<!tpu.dma_semaphore, #tpu.memory_space<semaphore_mem>>)
        %dma_wait3A_175 = arith.constant 0 : i32
        %dma_wait3A_176 = arith.constant 0 : i32
        %dma_wait3A_177 = tpu.memref_slice %arg12[%dma_wait3A_175, %dma_wait3A_176] : memref<128x128xf32, #tpu.memory_space<vmem>> -> memref<120x128xf32, #tpu.memory_space<vmem>>
        %dma_wait3A_178 = arith.constant 0 : i32
        %dma_wait3A_179 = tpu.memref_slice %arg17[%add3A_156, %dma_wait3A_178] : memref<10000x128xf32, #tpu.memory_space<vmem_shared>> -> memref<120x128xf32, #tpu.memory_space<vmem_shared>>
        %dma_wait3A_180 = arith.constant 0 : i32
        %dma_wait3A_181 = arith.constant 0 : i32
        %dma_wait3A_182 = tpu.memref_slice %arg12[%dma_wait3A_180, %dma_wait3A_181] : memref<128x128xf32, #tpu.memory_space<vmem>> -> memref<120x128xf32, #tpu.memory_space<vmem>>
        %dma_wait3A_183 = arith.constant 0 : i32
        %dma_wait3A_184 = tpu.memref_slice %arg17[%add3A_156, %dma_wait3A_183] : memref<10000x128xf32, #tpu.memory_space<vmem_shared>> -> memref<120x128xf32, #tpu.memory_space<vmem_shared>>
        tpu.wait_dma2 semaphore(%run_scoped3A : memref<!tpu.dma_semaphore, #tpu.memory_space<semaphore_mem>>) src(%dma_wait3A_184 : memref<120x128xf32, #tpu.memory_space<vmem_shared>>) dst(%dma_wait3A_182 : memref<120x128xf32, #tpu.memory_space<vmem>>)
        tpu.yield
      }) : () -> ()
      %mul3A_157 = arith.constant 632 : i32
      %mul3A_158 = arith.muli %arg1, %mul3A_157 : i32
      %add3A_159 = arith.constant 512 : i32
      %add3A_160 = arith.addi %mul3A_158, %add3A_159 : i32
      "tpu.region"() ({
        %run_scoped3A = tpu.sem_alloc : memref<!tpu.dma_semaphore, #tpu.memory_space<semaphore_mem>>
        %dma_start3A_165 = arith.constant 0 : i32
        %dma_start3A_166 = arith.constant 0 : i32
        %dma_start3A_167 = tpu.memref_slice %arg12[%dma_start3A_165, %dma_start3A_166] : memref<128x128xf32, #tpu.memory_space<vmem>> -> memref<120x128xf32, #tpu.memory_space<vmem>>
        %dma_start3A_168 = arith.constant 0 : i32
        %dma_start3A_169 = tpu.memref_slice %arg6[%arg0, %add3A_160, %dma_start3A_168] : memref<2x10000x128xf32, #tpu.memory_space<hbm>> -> memref<1x120x128xf32, #tpu.memory_space<hbm>>
        %dma_start3A_170 = tpu.memref_squeeze %dma_start3A_169 : memref<1x120x128xf32, #tpu.memory_space<hbm>> -> memref<120x128xf32, #tpu.memory_space<hbm>>
        %dma_start3A_171 = arith.constant 0 : i32
        %dma_start3A_172 = tpu.memref_slice %arg6[%arg0, %add3A_160, %dma_start3A_171] : memref<2x10000x128xf32, #tpu.memory_space<hbm>> -> memref<1x120x128xf32, #tpu.memory_space<hbm>>
        %dma_start3A_173 = tpu.memref_squeeze %dma_start3A_172 : memref<1x120x128xf32, #tpu.memory_space<hbm>> -> memref<120x128xf32, #tpu.memory_space<hbm>>
        %dma_start3A_174 = arith.constant 0 : i32
        %dma_start3A_175 = arith.constant 0 : i32
        %dma_start3A_176 = tpu.memref_slice %arg12[%dma_start3A_174, %dma_start3A_175] : memref<128x128xf32, #tpu.memory_space<vmem>> -> memref<120x128xf32, #tpu.memory_space<vmem>>
        tpu.enqueue_dma source(%dma_start3A_176 : memref<120x128xf32, #tpu.memory_space<vmem>>) target(%dma_start3A_173 : memref<120x128xf32, #tpu.memory_space<hbm>>) target_semaphore(%run_scoped3A : memref<!tpu.dma_semaphore, #tpu.memory_space<semaphore_mem>>)
        %dma_wait3A_177 = arith.constant 0 : i32
        %dma_wait3A_178 = arith.constant 0 : i32
        %dma_wait3A_179 = tpu.memref_slice %arg12[%dma_wait3A_177, %dma_wait3A_178] : memref<128x128xf32, #tpu.memory_space<vmem>> -> memref<120x128xf32, #tpu.memory_space<vmem>>
        %dma_wait3A_180 = arith.constant 0 : i32
        %dma_wait3A_181 = tpu.memref_slice %arg6[%arg0, %add3A_160, %dma_wait3A_180] : memref<2x10000x128xf32, #tpu.memory_space<hbm>> -> memref<1x120x128xf32, #tpu.memory_space<hbm>>
        %dma_wait3A_182 = tpu.memref_squeeze %dma_wait3A_181 : memref<1x120x128xf32, #tpu.memory_space<hbm>> -> memref<120x128xf32, #tpu.memory_space<hbm>>
        %dma_wait3A_183 = arith.constant 0 : i32
        %dma_wait3A_184 = tpu.memref_slice %arg6[%arg0, %add3A_160, %dma_wait3A_183] : memref<2x10000x128xf32, #tpu.memory_space<hbm>> -> memref<1x120x128xf32, #tpu.memory_space<hbm>>
        %dma_wait3A_185 = tpu.memref_squeeze %dma_wait3A_184 : memref<1x120x128xf32, #tpu.memory_space<hbm>> -> memref<120x128xf32, #tpu.memory_space<hbm>>
        %dma_wait3A_186 = arith.constant 0 : i32
        %dma_wait3A_187 = arith.constant 0 : i32
        %dma_wait3A_188 = tpu.memref_slice %arg12[%dma_wait3A_186, %dma_wait3A_187] : memref<128x128xf32, #tpu.memory_space<vmem>> -> memref<120x128xf32, #tpu.memory_space<vmem>>
        tpu.wait_dma2 semaphore(%run_scoped3A : memref<!tpu.dma_semaphore, #tpu.memory_space<semaphore_mem>>) src(%dma_wait3A_188 : memref<120x128xf32, #tpu.memory_space<vmem>>) dst(%dma_wait3A_185 : memref<120x128xf32, #tpu.memory_space<hbm>>)
        tpu.yield
      }) : () -> ()
      %mul3A_161 = arith.constant 640 : i32
      %mul3A_162 = arith.muli %arg1, %mul3A_161 : i32
      "tpu.region"() ({
        %run_scoped3A = tpu.sem_alloc : memref<!tpu.dma_semaphore, #tpu.memory_space<semaphore_mem>>
        %dma_start3A_165 = tpu.memref_slice %arg18[%mul3A_162] : memref<10112xf32, #tpu.memory_space<vmem_shared>> -> memref<640xf32, #tpu.memory_space<vmem_shared>>
        %dma_start3A_166 = tpu.memref_slice %arg18[%mul3A_162] : memref<10112xf32, #tpu.memory_space<vmem_shared>> -> memref<640xf32, #tpu.memory_space<vmem_shared>>
        tpu.enqueue_dma source(%dma_start3A_166 : memref<640xf32, #tpu.memory_space<vmem_shared>>) target(%arg16 : memref<640xf32, #tpu.memory_space<vmem>>) target_semaphore(%run_scoped3A : memref<!tpu.dma_semaphore, #tpu.memory_space<semaphore_mem>>)
        %dma_wait3A_167 = tpu.memref_slice %arg18[%mul3A_162] : memref<10112xf32, #tpu.memory_space<vmem_shared>> -> memref<640xf32, #tpu.memory_space<vmem_shared>>
        %dma_wait3A_168 = tpu.memref_slice %arg18[%mul3A_162] : memref<10112xf32, #tpu.memory_space<vmem_shared>> -> memref<640xf32, #tpu.memory_space<vmem_shared>>
        tpu.wait_dma2 semaphore(%run_scoped3A : memref<!tpu.dma_semaphore, #tpu.memory_space<semaphore_mem>>) src(%dma_wait3A_168 : memref<640xf32, #tpu.memory_space<vmem_shared>>) dst(%arg16 : memref<640xf32, #tpu.memory_space<vmem>>)
        tpu.yield
      }) : () -> ()
      %mul3A_163 = arith.constant 640 : i32
      %mul3A_164 = arith.muli %arg1, %mul3A_163 : i32
      "tpu.region"() ({
        %run_scoped3A = tpu.sem_alloc : memref<!tpu.dma_semaphore, #tpu.memory_space<semaphore_mem>>
        %dma_start3A_165 = tpu.memref_slice %arg7[%arg0, %mul3A_164] : memref<2x10112xf32, #tpu.memory_space<hbm>> -> memref<1x640xf32, #tpu.memory_space<hbm>>
        %dma_start3A_166 = tpu.memref_squeeze %dma_start3A_165 : memref<1x640xf32, #tpu.memory_space<hbm>> -> memref<640xf32, #tpu.memory_space<hbm>>
        %dma_start3A_167 = tpu.memref_slice %arg7[%arg0, %mul3A_164] : memref<2x10112xf32, #tpu.memory_space<hbm>> -> memref<1x640xf32, #tpu.memory_space<hbm>>
        %dma_start3A_168 = tpu.memref_squeeze %dma_start3A_167 : memref<1x640xf32, #tpu.memory_space<hbm>> -> memref<640xf32, #tpu.memory_space<hbm>>
        tpu.enqueue_dma source(%arg16 : memref<640xf32, #tpu.memory_space<vmem>>) target(%dma_start3A_168 : memref<640xf32, #tpu.memory_space<hbm>>) target_semaphore(%run_scoped3A : memref<!tpu.dma_semaphore, #tpu.memory_space<semaphore_mem>>)
        %dma_wait3A_169 = tpu.memref_slice %arg7[%arg0, %mul3A_164] : memref<2x10112xf32, #tpu.memory_space<hbm>> -> memref<1x640xf32, #tpu.memory_space<hbm>>
        %dma_wait3A_170 = tpu.memref_squeeze %dma_wait3A_169 : memref<1x640xf32, #tpu.memory_space<hbm>> -> memref<640xf32, #tpu.memory_space<hbm>>
        %dma_wait3A_171 = tpu.memref_slice %arg7[%arg0, %mul3A_164] : memref<2x10112xf32, #tpu.memory_space<hbm>> -> memref<1x640xf32, #tpu.memory_space<hbm>>
        %dma_wait3A_172 = tpu.memref_squeeze %dma_wait3A_171 : memref<1x640xf32, #tpu.memory_space<hbm>> -> memref<640xf32, #tpu.memory_space<hbm>>
        tpu.wait_dma2 semaphore(%run_scoped3A : memref<!tpu.dma_semaphore, #tpu.memory_space<semaphore_mem>>) src(%arg16 : memref<640xf32, #tpu.memory_space<vmem>>) dst(%dma_wait3A_172 : memref<640xf32, #tpu.memory_space<hbm>>)
        tpu.yield
      }) : () -> ()
    } else {
    }
    %eq3A_116 = arith.constant 15 : i32
    %eq3A_117 = arith.cmpi eq, %arg1, %eq3A_116 : i32
    %convert_element_type3A_118 = arith.extui %eq3A_117 : i1 to i32
    %cond3A_119 = arith.constant 0 : i32
    %cond3A_120 = arith.cmpi ne, %convert_element_type3A_118, %cond3A_119 : i32
    scf.if %cond3A_120 {
      "tpu.region"() ({
        %run_scoped3A = tpu.sem_alloc : memref<!tpu.dma_semaphore, #tpu.memory_space<semaphore_mem>>
        %dma_start3A_121 = arith.constant 9480 : i32
        %dma_start3A_122 = arith.constant 0 : i32
        %dma_start3A_123 = tpu.memref_slice %arg17[%dma_start3A_121, %dma_start3A_122] : memref<10000x128xf32, #tpu.memory_space<vmem_shared>> -> memref<128x128xf32, #tpu.memory_space<vmem_shared>>
        %dma_start3A_124 = arith.constant 9480 : i32
        %dma_start3A_125 = arith.constant 0 : i32
        %dma_start3A_126 = tpu.memref_slice %arg17[%dma_start3A_124, %dma_start3A_125] : memref<10000x128xf32, #tpu.memory_space<vmem_shared>> -> memref<128x128xf32, #tpu.memory_space<vmem_shared>>
        tpu.enqueue_dma source(%dma_start3A_126 : memref<128x128xf32, #tpu.memory_space<vmem_shared>>) target(%arg12 : memref<128x128xf32, #tpu.memory_space<vmem>>) target_semaphore(%run_scoped3A : memref<!tpu.dma_semaphore, #tpu.memory_space<semaphore_mem>>)
        %dma_wait3A_127 = arith.constant 9480 : i32
        %dma_wait3A_128 = arith.constant 0 : i32
        %dma_wait3A_129 = tpu.memref_slice %arg17[%dma_wait3A_127, %dma_wait3A_128] : memref<10000x128xf32, #tpu.memory_space<vmem_shared>> -> memref<128x128xf32, #tpu.memory_space<vmem_shared>>
        %dma_wait3A_130 = arith.constant 9480 : i32
        %dma_wait3A_131 = arith.constant 0 : i32
        %dma_wait3A_132 = tpu.memref_slice %arg17[%dma_wait3A_130, %dma_wait3A_131] : memref<10000x128xf32, #tpu.memory_space<vmem_shared>> -> memref<128x128xf32, #tpu.memory_space<vmem_shared>>
        tpu.wait_dma2 semaphore(%run_scoped3A : memref<!tpu.dma_semaphore, #tpu.memory_space<semaphore_mem>>) src(%dma_wait3A_132 : memref<128x128xf32, #tpu.memory_space<vmem_shared>>) dst(%arg12 : memref<128x128xf32, #tpu.memory_space<vmem>>)
        tpu.yield
      }) : () -> ()
      "tpu.region"() ({
        %run_scoped3A = tpu.sem_alloc : memref<!tpu.dma_semaphore, #tpu.memory_space<semaphore_mem>>
        %dma_start3A_121 = arith.constant 9480 : i32
        %dma_start3A_122 = arith.constant 0 : i32
        %dma_start3A_123 = tpu.memref_slice %arg6[%arg0, %dma_start3A_121, %dma_start3A_122] : memref<2x10000x128xf32, #tpu.memory_space<hbm>> -> memref<1x128x128xf32, #tpu.memory_space<hbm>>
        %dma_start3A_124 = tpu.memref_squeeze %dma_start3A_123 : memref<1x128x128xf32, #tpu.memory_space<hbm>> -> memref<128x128xf32, #tpu.memory_space<hbm>>
        %dma_start3A_125 = arith.constant 9480 : i32
        %dma_start3A_126 = arith.constant 0 : i32
        %dma_start3A_127 = tpu.memref_slice %arg6[%arg0, %dma_start3A_125, %dma_start3A_126] : memref<2x10000x128xf32, #tpu.memory_space<hbm>> -> memref<1x128x128xf32, #tpu.memory_space<hbm>>
        %dma_start3A_128 = tpu.memref_squeeze %dma_start3A_127 : memref<1x128x128xf32, #tpu.memory_space<hbm>> -> memref<128x128xf32, #tpu.memory_space<hbm>>
        tpu.enqueue_dma source(%arg12 : memref<128x128xf32, #tpu.memory_space<vmem>>) target(%dma_start3A_128 : memref<128x128xf32, #tpu.memory_space<hbm>>) target_semaphore(%run_scoped3A : memref<!tpu.dma_semaphore, #tpu.memory_space<semaphore_mem>>)
        %dma_wait3A_129 = arith.constant 9480 : i32
        %dma_wait3A_130 = arith.constant 0 : i32
        %dma_wait3A_131 = tpu.memref_slice %arg6[%arg0, %dma_wait3A_129, %dma_wait3A_130] : memref<2x10000x128xf32, #tpu.memory_space<hbm>> -> memref<1x128x128xf32, #tpu.memory_space<hbm>>
        %dma_wait3A_132 = tpu.memref_squeeze %dma_wait3A_131 : memref<1x128x128xf32, #tpu.memory_space<hbm>> -> memref<128x128xf32, #tpu.memory_space<hbm>>
        %dma_wait3A_133 = arith.constant 9480 : i32
        %dma_wait3A_134 = arith.constant 0 : i32
        %dma_wait3A_135 = tpu.memref_slice %arg6[%arg0, %dma_wait3A_133, %dma_wait3A_134] : memref<2x10000x128xf32, #tpu.memory_space<hbm>> -> memref<1x128x128xf32, #tpu.memory_space<hbm>>
        %dma_wait3A_136 = tpu.memref_squeeze %dma_wait3A_135 : memref<1x128x128xf32, #tpu.memory_space<hbm>> -> memref<128x128xf32, #tpu.memory_space<hbm>>
        tpu.wait_dma2 semaphore(%run_scoped3A : memref<!tpu.dma_semaphore, #tpu.memory_space<semaphore_mem>>) src(%arg12 : memref<128x128xf32, #tpu.memory_space<vmem>>) dst(%dma_wait3A_136 : memref<128x128xf32, #tpu.memory_space<hbm>>)
        tpu.yield
      }) : () -> ()
      "tpu.region"() ({
        %run_scoped3A = tpu.sem_alloc : memref<!tpu.dma_semaphore, #tpu.memory_space<semaphore_mem>>
        %dma_start3A_121 = arith.constant 9608 : i32
        %dma_start3A_122 = arith.constant 0 : i32
        %dma_start3A_123 = tpu.memref_slice %arg17[%dma_start3A_121, %dma_start3A_122] : memref<10000x128xf32, #tpu.memory_space<vmem_shared>> -> memref<128x128xf32, #tpu.memory_space<vmem_shared>>
        %dma_start3A_124 = arith.constant 9608 : i32
        %dma_start3A_125 = arith.constant 0 : i32
        %dma_start3A_126 = tpu.memref_slice %arg17[%dma_start3A_124, %dma_start3A_125] : memref<10000x128xf32, #tpu.memory_space<vmem_shared>> -> memref<128x128xf32, #tpu.memory_space<vmem_shared>>
        tpu.enqueue_dma source(%dma_start3A_126 : memref<128x128xf32, #tpu.memory_space<vmem_shared>>) target(%arg12 : memref<128x128xf32, #tpu.memory_space<vmem>>) target_semaphore(%run_scoped3A : memref<!tpu.dma_semaphore, #tpu.memory_space<semaphore_mem>>)
        %dma_wait3A_127 = arith.constant 9608 : i32
        %dma_wait3A_128 = arith.constant 0 : i32
        %dma_wait3A_129 = tpu.memref_slice %arg17[%dma_wait3A_127, %dma_wait3A_128] : memref<10000x128xf32, #tpu.memory_space<vmem_shared>> -> memref<128x128xf32, #tpu.memory_space<vmem_shared>>
        %dma_wait3A_130 = arith.constant 9608 : i32
        %dma_wait3A_131 = arith.constant 0 : i32
        %dma_wait3A_132 = tpu.memref_slice %arg17[%dma_wait3A_130, %dma_wait3A_131] : memref<10000x128xf32, #tpu.memory_space<vmem_shared>> -> memref<128x128xf32, #tpu.memory_space<vmem_shared>>
        tpu.wait_dma2 semaphore(%run_scoped3A : memref<!tpu.dma_semaphore, #tpu.memory_space<semaphore_mem>>) src(%dma_wait3A_132 : memref<128x128xf32, #tpu.memory_space<vmem_shared>>) dst(%arg12 : memref<128x128xf32, #tpu.memory_space<vmem>>)
        tpu.yield
      }) : () -> ()
      "tpu.region"() ({
        %run_scoped3A = tpu.sem_alloc : memref<!tpu.dma_semaphore, #tpu.memory_space<semaphore_mem>>
        %dma_start3A_121 = arith.constant 9608 : i32
        %dma_start3A_122 = arith.constant 0 : i32
        %dma_start3A_123 = tpu.memref_slice %arg6[%arg0, %dma_start3A_121, %dma_start3A_122] : memref<2x10000x128xf32, #tpu.memory_space<hbm>> -> memref<1x128x128xf32, #tpu.memory_space<hbm>>
        %dma_start3A_124 = tpu.memref_squeeze %dma_start3A_123 : memref<1x128x128xf32, #tpu.memory_space<hbm>> -> memref<128x128xf32, #tpu.memory_space<hbm>>
        %dma_start3A_125 = arith.constant 9608 : i32
        %dma_start3A_126 = arith.constant 0 : i32
        %dma_start3A_127 = tpu.memref_slice %arg6[%arg0, %dma_start3A_125, %dma_start3A_126] : memref<2x10000x128xf32, #tpu.memory_space<hbm>> -> memref<1x128x128xf32, #tpu.memory_space<hbm>>
        %dma_start3A_128 = tpu.memref_squeeze %dma_start3A_127 : memref<1x128x128xf32, #tpu.memory_space<hbm>> -> memref<128x128xf32, #tpu.memory_space<hbm>>
        tpu.enqueue_dma source(%arg12 : memref<128x128xf32, #tpu.memory_space<vmem>>) target(%dma_start3A_128 : memref<128x128xf32, #tpu.memory_space<hbm>>) target_semaphore(%run_scoped3A : memref<!tpu.dma_semaphore, #tpu.memory_space<semaphore_mem>>)
        %dma_wait3A_129 = arith.constant 9608 : i32
        %dma_wait3A_130 = arith.constant 0 : i32
        %dma_wait3A_131 = tpu.memref_slice %arg6[%arg0, %dma_wait3A_129, %dma_wait3A_130] : memref<2x10000x128xf32, #tpu.memory_space<hbm>> -> memref<1x128x128xf32, #tpu.memory_space<hbm>>
        %dma_wait3A_132 = tpu.memref_squeeze %dma_wait3A_131 : memref<1x128x128xf32, #tpu.memory_space<hbm>> -> memref<128x128xf32, #tpu.memory_space<hbm>>
        %dma_wait3A_133 = arith.constant 9608 : i32
        %dma_wait3A_134 = arith.constant 0 : i32
        %dma_wait3A_135 = tpu.memref_slice %arg6[%arg0, %dma_wait3A_133, %dma_wait3A_134] : memref<2x10000x128xf32, #tpu.memory_space<hbm>> -> memref<1x128x128xf32, #tpu.memory_space<hbm>>
        %dma_wait3A_136 = tpu.memref_squeeze %dma_wait3A_135 : memref<1x128x128xf32, #tpu.memory_space<hbm>> -> memref<128x128xf32, #tpu.memory_space<hbm>>
        tpu.wait_dma2 semaphore(%run_scoped3A : memref<!tpu.dma_semaphore, #tpu.memory_space<semaphore_mem>>) src(%arg12 : memref<128x128xf32, #tpu.memory_space<vmem>>) dst(%dma_wait3A_136 : memref<128x128xf32, #tpu.memory_space<hbm>>)
        tpu.yield
      }) : () -> ()
      "tpu.region"() ({
        %run_scoped3A = tpu.sem_alloc : memref<!tpu.dma_semaphore, #tpu.memory_space<semaphore_mem>>
        %dma_start3A_121 = arith.constant 9736 : i32
        %dma_start3A_122 = arith.constant 0 : i32
        %dma_start3A_123 = tpu.memref_slice %arg17[%dma_start3A_121, %dma_start3A_122] : memref<10000x128xf32, #tpu.memory_space<vmem_shared>> -> memref<128x128xf32, #tpu.memory_space<vmem_shared>>
        %dma_start3A_124 = arith.constant 9736 : i32
        %dma_start3A_125 = arith.constant 0 : i32
        %dma_start3A_126 = tpu.memref_slice %arg17[%dma_start3A_124, %dma_start3A_125] : memref<10000x128xf32, #tpu.memory_space<vmem_shared>> -> memref<128x128xf32, #tpu.memory_space<vmem_shared>>
        tpu.enqueue_dma source(%dma_start3A_126 : memref<128x128xf32, #tpu.memory_space<vmem_shared>>) target(%arg12 : memref<128x128xf32, #tpu.memory_space<vmem>>) target_semaphore(%run_scoped3A : memref<!tpu.dma_semaphore, #tpu.memory_space<semaphore_mem>>)
        %dma_wait3A_127 = arith.constant 9736 : i32
        %dma_wait3A_128 = arith.constant 0 : i32
        %dma_wait3A_129 = tpu.memref_slice %arg17[%dma_wait3A_127, %dma_wait3A_128] : memref<10000x128xf32, #tpu.memory_space<vmem_shared>> -> memref<128x128xf32, #tpu.memory_space<vmem_shared>>
        %dma_wait3A_130 = arith.constant 9736 : i32
        %dma_wait3A_131 = arith.constant 0 : i32
        %dma_wait3A_132 = tpu.memref_slice %arg17[%dma_wait3A_130, %dma_wait3A_131] : memref<10000x128xf32, #tpu.memory_space<vmem_shared>> -> memref<128x128xf32, #tpu.memory_space<vmem_shared>>
        tpu.wait_dma2 semaphore(%run_scoped3A : memref<!tpu.dma_semaphore, #tpu.memory_space<semaphore_mem>>) src(%dma_wait3A_132 : memref<128x128xf32, #tpu.memory_space<vmem_shared>>) dst(%arg12 : memref<128x128xf32, #tpu.memory_space<vmem>>)
        tpu.yield
      }) : () -> ()
      "tpu.region"() ({
        %run_scoped3A = tpu.sem_alloc : memref<!tpu.dma_semaphore, #tpu.memory_space<semaphore_mem>>
        %dma_start3A_121 = arith.constant 9736 : i32
        %dma_start3A_122 = arith.constant 0 : i32
        %dma_start3A_123 = tpu.memref_slice %arg6[%arg0, %dma_start3A_121, %dma_start3A_122] : memref<2x10000x128xf32, #tpu.memory_space<hbm>> -> memref<1x128x128xf32, #tpu.memory_space<hbm>>
        %dma_start3A_124 = tpu.memref_squeeze %dma_start3A_123 : memref<1x128x128xf32, #tpu.memory_space<hbm>> -> memref<128x128xf32, #tpu.memory_space<hbm>>
        %dma_start3A_125 = arith.constant 9736 : i32
        %dma_start3A_126 = arith.constant 0 : i32
        %dma_start3A_127 = tpu.memref_slice %arg6[%arg0, %dma_start3A_125, %dma_start3A_126] : memref<2x10000x128xf32, #tpu.memory_space<hbm>> -> memref<1x128x128xf32, #tpu.memory_space<hbm>>
        %dma_start3A_128 = tpu.memref_squeeze %dma_start3A_127 : memref<1x128x128xf32, #tpu.memory_space<hbm>> -> memref<128x128xf32, #tpu.memory_space<hbm>>
        tpu.enqueue_dma source(%arg12 : memref<128x128xf32, #tpu.memory_space<vmem>>) target(%dma_start3A_128 : memref<128x128xf32, #tpu.memory_space<hbm>>) target_semaphore(%run_scoped3A : memref<!tpu.dma_semaphore, #tpu.memory_space<semaphore_mem>>)
        %dma_wait3A_129 = arith.constant 9736 : i32
        %dma_wait3A_130 = arith.constant 0 : i32
        %dma_wait3A_131 = tpu.memref_slice %arg6[%arg0, %dma_wait3A_129, %dma_wait3A_130] : memref<2x10000x128xf32, #tpu.memory_space<hbm>> -> memref<1x128x128xf32, #tpu.memory_space<hbm>>
        %dma_wait3A_132 = tpu.memref_squeeze %dma_wait3A_131 : memref<1x128x128xf32, #tpu.memory_space<hbm>> -> memref<128x128xf32, #tpu.memory_space<hbm>>
        %dma_wait3A_133 = arith.constant 9736 : i32
        %dma_wait3A_134 = arith.constant 0 : i32
        %dma_wait3A_135 = tpu.memref_slice %arg6[%arg0, %dma_wait3A_133, %dma_wait3A_134] : memref<2x10000x128xf32, #tpu.memory_space<hbm>> -> memref<1x128x128xf32, #tpu.memory_space<hbm>>
        %dma_wait3A_136 = tpu.memref_squeeze %dma_wait3A_135 : memref<1x128x128xf32, #tpu.memory_space<hbm>> -> memref<128x128xf32, #tpu.memory_space<hbm>>
        tpu.wait_dma2 semaphore(%run_scoped3A : memref<!tpu.dma_semaphore, #tpu.memory_space<semaphore_mem>>) src(%arg12 : memref<128x128xf32, #tpu.memory_space<vmem>>) dst(%dma_wait3A_136 : memref<128x128xf32, #tpu.memory_space<hbm>>)
        tpu.yield
      }) : () -> ()
      "tpu.region"() ({
        %run_scoped3A = tpu.sem_alloc : memref<!tpu.dma_semaphore, #tpu.memory_space<semaphore_mem>>
        %dma_start3A_121 = arith.constant 9864 : i32
        %dma_start3A_122 = arith.constant 0 : i32
        %dma_start3A_123 = tpu.memref_slice %arg17[%dma_start3A_121, %dma_start3A_122] : memref<10000x128xf32, #tpu.memory_space<vmem_shared>> -> memref<128x128xf32, #tpu.memory_space<vmem_shared>>
        %dma_start3A_124 = arith.constant 9864 : i32
        %dma_start3A_125 = arith.constant 0 : i32
        %dma_start3A_126 = tpu.memref_slice %arg17[%dma_start3A_124, %dma_start3A_125] : memref<10000x128xf32, #tpu.memory_space<vmem_shared>> -> memref<128x128xf32, #tpu.memory_space<vmem_shared>>
        tpu.enqueue_dma source(%dma_start3A_126 : memref<128x128xf32, #tpu.memory_space<vmem_shared>>) target(%arg12 : memref<128x128xf32, #tpu.memory_space<vmem>>) target_semaphore(%run_scoped3A : memref<!tpu.dma_semaphore, #tpu.memory_space<semaphore_mem>>)
        %dma_wait3A_127 = arith.constant 9864 : i32
        %dma_wait3A_128 = arith.constant 0 : i32
        %dma_wait3A_129 = tpu.memref_slice %arg17[%dma_wait3A_127, %dma_wait3A_128] : memref<10000x128xf32, #tpu.memory_space<vmem_shared>> -> memref<128x128xf32, #tpu.memory_space<vmem_shared>>
        %dma_wait3A_130 = arith.constant 9864 : i32
        %dma_wait3A_131 = arith.constant 0 : i32
        %dma_wait3A_132 = tpu.memref_slice %arg17[%dma_wait3A_130, %dma_wait3A_131] : memref<10000x128xf32, #tpu.memory_space<vmem_shared>> -> memref<128x128xf32, #tpu.memory_space<vmem_shared>>
        tpu.wait_dma2 semaphore(%run_scoped3A : memref<!tpu.dma_semaphore, #tpu.memory_space<semaphore_mem>>) src(%dma_wait3A_132 : memref<128x128xf32, #tpu.memory_space<vmem_shared>>) dst(%arg12 : memref<128x128xf32, #tpu.memory_space<vmem>>)
        tpu.yield
      }) : () -> ()
      "tpu.region"() ({
        %run_scoped3A = tpu.sem_alloc : memref<!tpu.dma_semaphore, #tpu.memory_space<semaphore_mem>>
        %dma_start3A_121 = arith.constant 9864 : i32
        %dma_start3A_122 = arith.constant 0 : i32
        %dma_start3A_123 = tpu.memref_slice %arg6[%arg0, %dma_start3A_121, %dma_start3A_122] : memref<2x10000x128xf32, #tpu.memory_space<hbm>> -> memref<1x128x128xf32, #tpu.memory_space<hbm>>
        %dma_start3A_124 = tpu.memref_squeeze %dma_start3A_123 : memref<1x128x128xf32, #tpu.memory_space<hbm>> -> memref<128x128xf32, #tpu.memory_space<hbm>>
        %dma_start3A_125 = arith.constant 9864 : i32
        %dma_start3A_126 = arith.constant 0 : i32
        %dma_start3A_127 = tpu.memref_slice %arg6[%arg0, %dma_start3A_125, %dma_start3A_126] : memref<2x10000x128xf32, #tpu.memory_space<hbm>> -> memref<1x128x128xf32, #tpu.memory_space<hbm>>
        %dma_start3A_128 = tpu.memref_squeeze %dma_start3A_127 : memref<1x128x128xf32, #tpu.memory_space<hbm>> -> memref<128x128xf32, #tpu.memory_space<hbm>>
        tpu.enqueue_dma source(%arg12 : memref<128x128xf32, #tpu.memory_space<vmem>>) target(%dma_start3A_128 : memref<128x128xf32, #tpu.memory_space<hbm>>) target_semaphore(%run_scoped3A : memref<!tpu.dma_semaphore, #tpu.memory_space<semaphore_mem>>)
        %dma_wait3A_129 = arith.constant 9864 : i32
        %dma_wait3A_130 = arith.constant 0 : i32
        %dma_wait3A_131 = tpu.memref_slice %arg6[%arg0, %dma_wait3A_129, %dma_wait3A_130] : memref<2x10000x128xf32, #tpu.memory_space<hbm>> -> memref<1x128x128xf32, #tpu.memory_space<hbm>>
        %dma_wait3A_132 = tpu.memref_squeeze %dma_wait3A_131 : memref<1x128x128xf32, #tpu.memory_space<hbm>> -> memref<128x128xf32, #tpu.memory_space<hbm>>
        %dma_wait3A_133 = arith.constant 9864 : i32
        %dma_wait3A_134 = arith.constant 0 : i32
        %dma_wait3A_135 = tpu.memref_slice %arg6[%arg0, %dma_wait3A_133, %dma_wait3A_134] : memref<2x10000x128xf32, #tpu.memory_space<hbm>> -> memref<1x128x128xf32, #tpu.memory_space<hbm>>
        %dma_wait3A_136 = tpu.memref_squeeze %dma_wait3A_135 : memref<1x128x128xf32, #tpu.memory_space<hbm>> -> memref<128x128xf32, #tpu.memory_space<hbm>>
        tpu.wait_dma2 semaphore(%run_scoped3A : memref<!tpu.dma_semaphore, #tpu.memory_space<semaphore_mem>>) src(%arg12 : memref<128x128xf32, #tpu.memory_space<vmem>>) dst(%dma_wait3A_136 : memref<128x128xf32, #tpu.memory_space<hbm>>)
        tpu.yield
      }) : () -> ()
      "tpu.region"() ({
        %run_scoped3A = tpu.sem_alloc : memref<!tpu.dma_semaphore, #tpu.memory_space<semaphore_mem>>
        %dma_start3A_121 = arith.constant 0 : i32
        %dma_start3A_122 = arith.constant 0 : i32
        %dma_start3A_123 = tpu.memref_slice %arg12[%dma_start3A_121, %dma_start3A_122] : memref<128x128xf32, #tpu.memory_space<vmem>> -> memref<8x128xf32, #tpu.memory_space<vmem>>
        %dma_start3A_124 = arith.constant 9992 : i32
        %dma_start3A_125 = arith.constant 0 : i32
        %dma_start3A_126 = tpu.memref_slice %arg17[%dma_start3A_124, %dma_start3A_125] : memref<10000x128xf32, #tpu.memory_space<vmem_shared>> -> memref<8x128xf32, #tpu.memory_space<vmem_shared>>
        %dma_start3A_127 = arith.constant 0 : i32
        %dma_start3A_128 = arith.constant 0 : i32
        %dma_start3A_129 = tpu.memref_slice %arg12[%dma_start3A_127, %dma_start3A_128] : memref<128x128xf32, #tpu.memory_space<vmem>> -> memref<8x128xf32, #tpu.memory_space<vmem>>
        %dma_start3A_130 = arith.constant 9992 : i32
        %dma_start3A_131 = arith.constant 0 : i32
        %dma_start3A_132 = tpu.memref_slice %arg17[%dma_start3A_130, %dma_start3A_131] : memref<10000x128xf32, #tpu.memory_space<vmem_shared>> -> memref<8x128xf32, #tpu.memory_space<vmem_shared>>
        tpu.enqueue_dma source(%dma_start3A_132 : memref<8x128xf32, #tpu.memory_space<vmem_shared>>) target(%dma_start3A_129 : memref<8x128xf32, #tpu.memory_space<vmem>>) target_semaphore(%run_scoped3A : memref<!tpu.dma_semaphore, #tpu.memory_space<semaphore_mem>>)
        %dma_wait3A_133 = arith.constant 0 : i32
        %dma_wait3A_134 = arith.constant 0 : i32
        %dma_wait3A_135 = tpu.memref_slice %arg12[%dma_wait3A_133, %dma_wait3A_134] : memref<128x128xf32, #tpu.memory_space<vmem>> -> memref<8x128xf32, #tpu.memory_space<vmem>>
        %dma_wait3A_136 = arith.constant 9992 : i32
        %dma_wait3A_137 = arith.constant 0 : i32
        %dma_wait3A_138 = tpu.memref_slice %arg17[%dma_wait3A_136, %dma_wait3A_137] : memref<10000x128xf32, #tpu.memory_space<vmem_shared>> -> memref<8x128xf32, #tpu.memory_space<vmem_shared>>
        %dma_wait3A_139 = arith.constant 0 : i32
        %dma_wait3A_140 = arith.constant 0 : i32
        %dma_wait3A_141 = tpu.memref_slice %arg12[%dma_wait3A_139, %dma_wait3A_140] : memref<128x128xf32, #tpu.memory_space<vmem>> -> memref<8x128xf32, #tpu.memory_space<vmem>>
        %dma_wait3A_142 = arith.constant 9992 : i32
        %dma_wait3A_143 = arith.constant 0 : i32
        %dma_wait3A_144 = tpu.memref_slice %arg17[%dma_wait3A_142, %dma_wait3A_143] : memref<10000x128xf32, #tpu.memory_space<vmem_shared>> -> memref<8x128xf32, #tpu.memory_space<vmem_shared>>
        tpu.wait_dma2 semaphore(%run_scoped3A : memref<!tpu.dma_semaphore, #tpu.memory_space<semaphore_mem>>) src(%dma_wait3A_144 : memref<8x128xf32, #tpu.memory_space<vmem_shared>>) dst(%dma_wait3A_141 : memref<8x128xf32, #tpu.memory_space<vmem>>)
        tpu.yield
      }) : () -> ()
      "tpu.region"() ({
        %run_scoped3A = tpu.sem_alloc : memref<!tpu.dma_semaphore, #tpu.memory_space<semaphore_mem>>
        %dma_start3A_121 = arith.constant 0 : i32
        %dma_start3A_122 = arith.constant 0 : i32
        %dma_start3A_123 = tpu.memref_slice %arg12[%dma_start3A_121, %dma_start3A_122] : memref<128x128xf32, #tpu.memory_space<vmem>> -> memref<8x128xf32, #tpu.memory_space<vmem>>
        %dma_start3A_124 = arith.constant 9992 : i32
        %dma_start3A_125 = arith.constant 0 : i32
        %dma_start3A_126 = tpu.memref_slice %arg6[%arg0, %dma_start3A_124, %dma_start3A_125] : memref<2x10000x128xf32, #tpu.memory_space<hbm>> -> memref<1x8x128xf32, #tpu.memory_space<hbm>>
        %dma_start3A_127 = tpu.memref_squeeze %dma_start3A_126 : memref<1x8x128xf32, #tpu.memory_space<hbm>> -> memref<8x128xf32, #tpu.memory_space<hbm>>
        %dma_start3A_128 = arith.constant 9992 : i32
        %dma_start3A_129 = arith.constant 0 : i32
        %dma_start3A_130 = tpu.memref_slice %arg6[%arg0, %dma_start3A_128, %dma_start3A_129] : memref<2x10000x128xf32, #tpu.memory_space<hbm>> -> memref<1x8x128xf32, #tpu.memory_space<hbm>>
        %dma_start3A_131 = tpu.memref_squeeze %dma_start3A_130 : memref<1x8x128xf32, #tpu.memory_space<hbm>> -> memref<8x128xf32, #tpu.memory_space<hbm>>
        %dma_start3A_132 = arith.constant 0 : i32
        %dma_start3A_133 = arith.constant 0 : i32
        %dma_start3A_134 = tpu.memref_slice %arg12[%dma_start3A_132, %dma_start3A_133] : memref<128x128xf32, #tpu.memory_space<vmem>> -> memref<8x128xf32, #tpu.memory_space<vmem>>
        tpu.enqueue_dma source(%dma_start3A_134 : memref<8x128xf32, #tpu.memory_space<vmem>>) target(%dma_start3A_131 : memref<8x128xf32, #tpu.memory_space<hbm>>) target_semaphore(%run_scoped3A : memref<!tpu.dma_semaphore, #tpu.memory_space<semaphore_mem>>)
        %dma_wait3A_135 = arith.constant 0 : i32
        %dma_wait3A_136 = arith.constant 0 : i32
        %dma_wait3A_137 = tpu.memref_slice %arg12[%dma_wait3A_135, %dma_wait3A_136] : memref<128x128xf32, #tpu.memory_space<vmem>> -> memref<8x128xf32, #tpu.memory_space<vmem>>
        %dma_wait3A_138 = arith.constant 9992 : i32
        %dma_wait3A_139 = arith.constant 0 : i32
        %dma_wait3A_140 = tpu.memref_slice %arg6[%arg0, %dma_wait3A_138, %dma_wait3A_139] : memref<2x10000x128xf32, #tpu.memory_space<hbm>> -> memref<1x8x128xf32, #tpu.memory_space<hbm>>
        %dma_wait3A_141 = tpu.memref_squeeze %dma_wait3A_140 : memref<1x8x128xf32, #tpu.memory_space<hbm>> -> memref<8x128xf32, #tpu.memory_space<hbm>>
        %dma_wait3A_142 = arith.constant 9992 : i32
        %dma_wait3A_143 = arith.constant 0 : i32
        %dma_wait3A_144 = tpu.memref_slice %arg6[%arg0, %dma_wait3A_142, %dma_wait3A_143] : memref<2x10000x128xf32, #tpu.memory_space<hbm>> -> memref<1x8x128xf32, #tpu.memory_space<hbm>>
        %dma_wait3A_145 = tpu.memref_squeeze %dma_wait3A_144 : memref<1x8x128xf32, #tpu.memory_space<hbm>> -> memref<8x128xf32, #tpu.memory_space<hbm>>
        %dma_wait3A_146 = arith.constant 0 : i32
        %dma_wait3A_147 = arith.constant 0 : i32
        %dma_wait3A_148 = tpu.memref_slice %arg12[%dma_wait3A_146, %dma_wait3A_147] : memref<128x128xf32, #tpu.memory_space<vmem>> -> memref<8x128xf32, #tpu.memory_space<vmem>>
        tpu.wait_dma2 semaphore(%run_scoped3A : memref<!tpu.dma_semaphore, #tpu.memory_space<semaphore_mem>>) src(%dma_wait3A_148 : memref<8x128xf32, #tpu.memory_space<vmem>>) dst(%dma_wait3A_145 : memref<8x128xf32, #tpu.memory_space<hbm>>)
        tpu.yield
      }) : () -> ()
      "tpu.region"() ({
        %run_scoped3A = tpu.sem_alloc : memref<!tpu.dma_semaphore, #tpu.memory_space<semaphore_mem>>
        %dma_start3A_121 = arith.constant 0 : i32
        %dma_start3A_122 = tpu.memref_slice %arg16[%dma_start3A_121] : memref<640xf32, #tpu.memory_space<vmem>> -> memref<512xf32, #tpu.memory_space<vmem>>
        %dma_start3A_123 = arith.constant 9600 : i32
        %dma_start3A_124 = tpu.memref_slice %arg18[%dma_start3A_123] : memref<10112xf32, #tpu.memory_space<vmem_shared>> -> memref<512xf32, #tpu.memory_space<vmem_shared>>
        %dma_start3A_125 = arith.constant 0 : i32
        %dma_start3A_126 = tpu.memref_slice %arg16[%dma_start3A_125] : memref<640xf32, #tpu.memory_space<vmem>> -> memref<512xf32, #tpu.memory_space<vmem>>
        %dma_start3A_127 = arith.constant 9600 : i32
        %dma_start3A_128 = tpu.memref_slice %arg18[%dma_start3A_127] : memref<10112xf32, #tpu.memory_space<vmem_shared>> -> memref<512xf32, #tpu.memory_space<vmem_shared>>
        tpu.enqueue_dma source(%dma_start3A_128 : memref<512xf32, #tpu.memory_space<vmem_shared>>) target(%dma_start3A_126 : memref<512xf32, #tpu.memory_space<vmem>>) target_semaphore(%run_scoped3A : memref<!tpu.dma_semaphore, #tpu.memory_space<semaphore_mem>>)
        %dma_wait3A_129 = arith.constant 0 : i32
        %dma_wait3A_130 = tpu.memref_slice %arg16[%dma_wait3A_129] : memref<640xf32, #tpu.memory_space<vmem>> -> memref<512xf32, #tpu.memory_space<vmem>>
        %dma_wait3A_131 = arith.constant 9600 : i32
        %dma_wait3A_132 = tpu.memref_slice %arg18[%dma_wait3A_131] : memref<10112xf32, #tpu.memory_space<vmem_shared>> -> memref<512xf32, #tpu.memory_space<vmem_shared>>
        %dma_wait3A_133 = arith.constant 0 : i32
        %dma_wait3A_134 = tpu.memref_slice %arg16[%dma_wait3A_133] : memref<640xf32, #tpu.memory_space<vmem>> -> memref<512xf32, #tpu.memory_space<vmem>>
        %dma_wait3A_135 = arith.constant 9600 : i32
        %dma_wait3A_136 = tpu.memref_slice %arg18[%dma_wait3A_135] : memref<10112xf32, #tpu.memory_space<vmem_shared>> -> memref<512xf32, #tpu.memory_space<vmem_shared>>
        tpu.wait_dma2 semaphore(%run_scoped3A : memref<!tpu.dma_semaphore, #tpu.memory_space<semaphore_mem>>) src(%dma_wait3A_136 : memref<512xf32, #tpu.memory_space<vmem_shared>>) dst(%dma_wait3A_134 : memref<512xf32, #tpu.memory_space<vmem>>)
        tpu.yield
      }) : () -> ()
      "tpu.region"() ({
        %run_scoped3A = tpu.sem_alloc : memref<!tpu.dma_semaphore, #tpu.memory_space<semaphore_mem>>
        %dma_start3A_121 = arith.constant 0 : i32
        %dma_start3A_122 = tpu.memref_slice %arg16[%dma_start3A_121] : memref<640xf32, #tpu.memory_space<vmem>> -> memref<512xf32, #tpu.memory_space<vmem>>
        %dma_start3A_123 = arith.constant 9600 : i32
        %dma_start3A_124 = tpu.memref_slice %arg7[%arg0, %dma_start3A_123] : memref<2x10112xf32, #tpu.memory_space<hbm>> -> memref<1x512xf32, #tpu.memory_space<hbm>>
        %dma_start3A_125 = tpu.memref_squeeze %dma_start3A_124 : memref<1x512xf32, #tpu.memory_space<hbm>> -> memref<512xf32, #tpu.memory_space<hbm>>
        %dma_start3A_126 = arith.constant 9600 : i32
        %dma_start3A_127 = tpu.memref_slice %arg7[%arg0, %dma_start3A_126] : memref<2x10112xf32, #tpu.memory_space<hbm>> -> memref<1x512xf32, #tpu.memory_space<hbm>>
        %dma_start3A_128 = tpu.memref_squeeze %dma_start3A_127 : memref<1x512xf32, #tpu.memory_space<hbm>> -> memref<512xf32, #tpu.memory_space<hbm>>
        %dma_start3A_129 = arith.constant 0 : i32
        %dma_start3A_130 = tpu.memref_slice %arg16[%dma_start3A_129] : memref<640xf32, #tpu.memory_space<vmem>> -> memref<512xf32, #tpu.memory_space<vmem>>
        tpu.enqueue_dma source(%dma_start3A_130 : memref<512xf32, #tpu.memory_space<vmem>>) target(%dma_start3A_128 : memref<512xf32, #tpu.memory_space<hbm>>) target_semaphore(%run_scoped3A : memref<!tpu.dma_semaphore, #tpu.memory_space<semaphore_mem>>)
        %dma_wait3A_131 = arith.constant 0 : i32
        %dma_wait3A_132 = tpu.memref_slice %arg16[%dma_wait3A_131] : memref<640xf32, #tpu.memory_space<vmem>> -> memref<512xf32, #tpu.memory_space<vmem>>
        %dma_wait3A_133 = arith.constant 9600 : i32
        %dma_wait3A_134 = tpu.memref_slice %arg7[%arg0, %dma_wait3A_133] : memref<2x10112xf32, #tpu.memory_space<hbm>> -> memref<1x512xf32, #tpu.memory_space<hbm>>
        %dma_wait3A_135 = tpu.memref_squeeze %dma_wait3A_134 : memref<1x512xf32, #tpu.memory_space<hbm>> -> memref<512xf32, #tpu.memory_space<hbm>>
        %dma_wait3A_136 = arith.constant 9600 : i32
        %dma_wait3A_137 = tpu.memref_slice %arg7[%arg0, %dma_wait3A_136] : memref<2x10112xf32, #tpu.memory_space<hbm>> -> memref<1x512xf32, #tpu.memory_space<hbm>>
        %dma_wait3A_138 = tpu.memref_squeeze %dma_wait3A_137 : memref<1x512xf32, #tpu.memory_space<hbm>> -> memref<512xf32, #tpu.memory_space<hbm>>
        %dma_wait3A_139 = arith.constant 0 : i32
        %dma_wait3A_140 = tpu.memref_slice %arg16[%dma_wait3A_139] : memref<640xf32, #tpu.memory_space<vmem>> -> memref<512xf32, #tpu.memory_space<vmem>>
        tpu.wait_dma2 semaphore(%run_scoped3A : memref<!tpu.dma_semaphore, #tpu.memory_space<semaphore_mem>>) src(%dma_wait3A_140 : memref<512xf32, #tpu.memory_space<vmem>>) dst(%dma_wait3A_138 : memref<512xf32, #tpu.memory_space<hbm>>)
        tpu.yield
      }) : () -> ()
    } else {
    }
    return
  }
}

module attributes {stable_mosaic.version = 14 : i64} {
  func.func @_tc_pre_body(%arg0: i32, %arg1: memref<2000x128xf32, #tpu.memory_space<vmem>>, %arg2: memref<128x128xf32, #tpu.memory_space<vmem>>, %arg3: memref<1x128xf32, #tpu.memory_space<vmem>>, %arg4: memref<128x50xf32, #tpu.memory_space<vmem>>, %arg5: memref<128x100xf32, #tpu.memory_space<vmem>>, %arg6: memref<2000x128xf32, #tpu.memory_space<vmem>>, %arg7: memref<128x50xf32, #tpu.memory_space<vmem>>, %arg8: memref<128x100xf32, #tpu.memory_space<vmem>>) attributes {dimension_semantics = [#tpu.dimension_semantics<arbitrary>], iteration_bounds = array<i64: 5>, scalar_prefetch = 0 : i64, scratch_operands = 0 : i64, tpu.core_type = #tpu.core_type<tc>, window_params = [{transform_indices = @transform_0, window_bounds = array<i64: 2000, 128>}, {pipeline_mode = #tpu.pipeline_mode<synchronous>, transform_indices = @transform_1, window_bounds = array<i64: 128, 128>}, {pipeline_mode = #tpu.pipeline_mode<synchronous>, transform_indices = @transform_2, window_bounds = array<i64: 1, 128>}, {pipeline_mode = #tpu.pipeline_mode<synchronous>, transform_indices = @transform_3, window_bounds = array<i64: 128, 50>}, {pipeline_mode = #tpu.pipeline_mode<synchronous>, transform_indices = @transform_4, window_bounds = array<i64: 128, 100>}, {transform_indices = @transform_5, window_bounds = array<i64: 2000, 128>}, {pipeline_mode = #tpu.pipeline_mode<synchronous>, transform_indices = @transform_6, window_bounds = array<i64: 128, 50>}, {pipeline_mode = #tpu.pipeline_mode<synchronous>, transform_indices = @transform_7, window_bounds = array<i64: 128, 100>}]} {
    %get3A = arith.constant 0 : index
    %get3A_0 = arith.constant 0 : index
    %get3A_1 = vector.load %arg1[%get3A, %get3A_0] : memref<2000x128xf32, #tpu.memory_space<vmem>>, vector<2000x128xf32>
    %get3A_2 = arith.constant 0 : index
    %get3A_3 = arith.constant 0 : index
    %get3A_4 = vector.load %arg2[%get3A_2, %get3A_3] : memref<128x128xf32, #tpu.memory_space<vmem>>, vector<128x128xf32>
    %transpose3A = tpu.transpose %get3A_4, [1, 0] : vector<128x128xf32> -> vector<128x128xf32>
    %dot_general3A = arith.constant dense<0.000000e+00> : vector<2000x128xf32>
    %dot_general3A_5 = tpu.matmul %get3A_1, %transpose3A, %dot_general3A {dimension_numbers = #tpu.dot_dimension_numbers<[1], [0], [0], [1], [0, 0, 1, 1], [], []>, precision = #tpu.contract_precision<fp32>, transpose_lhs_hint = false} : vector<2000x128xf32>, vector<128x128xf32>, vector<2000x128xf32> -> vector<2000x128xf32>
    %get3A_6 = arith.constant 0 : index
    %get3A_7 = arith.constant 0 : index
    %get3A_8 = vector.load %arg3[%get3A_6, %get3A_7] : memref<1x128xf32, #tpu.memory_space<vmem>>, vector<1x128xf32>
    %add3A = vector.broadcast %get3A_8 : vector<1x128xf32> to vector<2000x128xf32>
    %add3A_9 = arith.addf %dot_general3A_5, %add3A : vector<2000x128xf32>
    %swap3A = arith.constant 0 : index
    %swap3A_10 = arith.constant 0 : index
    %swap3A_11 = vector.load %arg6[%swap3A, %swap3A_10] : memref<2000x128xf32, #tpu.memory_space<vmem>>, vector<2000x128xf32>
    tpu.vector_store %arg6[%swap3A, %swap3A_10], %add3A_9 {strides = array<i32>} : memref<2000x128xf32, #tpu.memory_space<vmem>>, vector<2000x128xf32>,
    %get3A_12 = arith.constant 0 : index
    %get3A_13 = arith.constant 0 : index
    %get3A_14 = vector.load %arg4[%get3A_12, %get3A_13] : memref<128x50xf32, #tpu.memory_space<vmem>>, vector<128x50xf32>
    %mul3A = arith.mulf %get3A_14, %get3A_14 : vector<128x50xf32>
    %reduce_sum3A = arith.constant dense<0.000000e+00> : vector<50xf32>
    %reduce_sum3A_15 = vector.multi_reduction <add>, %mul3A, %reduce_sum3A [0] : vector<128x50xf32> to vector<50xf32>
    %broadcast_in_dim3A = vector.shape_cast %reduce_sum3A_15 : vector<50xf32> to vector<1x50xf32>
    %sqrt3A = math.sqrt %broadcast_in_dim3A : vector<1x50xf32>
    %max3A = arith.constant 9.99999996E-13 : f32
    %max3A_16 = vector.broadcast %max3A : f32 to vector<1x50xf32>
    %max3A_17 = arith.maximumf %sqrt3A, %max3A_16 : vector<1x50xf32>
    %div3A = vector.broadcast %max3A_17 : vector<1x50xf32> to vector<128x50xf32>
    %div3A_18 = arith.divf %get3A_14, %div3A : vector<128x50xf32>
    %swap3A_19 = arith.constant 0 : index
    %swap3A_20 = arith.constant 0 : index
    %swap3A_21 = vector.load %arg7[%swap3A_19, %swap3A_20] : memref<128x50xf32, #tpu.memory_space<vmem>>, vector<128x50xf32>
    tpu.vector_store %arg7[%swap3A_19, %swap3A_20], %div3A_18 {strides = array<i32>} : memref<128x50xf32, #tpu.memory_space<vmem>>, vector<128x50xf32>,
    %get3A_22 = arith.constant 0 : index
    %get3A_23 = arith.constant 0 : index
    %get3A_24 = vector.load %arg5[%get3A_22, %get3A_23] : memref<128x100xf32, #tpu.memory_space<vmem>>, vector<128x100xf32>
    %mul3A_25 = arith.mulf %get3A_24, %get3A_24 : vector<128x100xf32>
    %reduce_sum3A_26 = arith.constant dense<0.000000e+00> : vector<100xf32>
    %reduce_sum3A_27 = vector.multi_reduction <add>, %mul3A_25, %reduce_sum3A_26 [0] : vector<128x100xf32> to vector<100xf32>
    %broadcast_in_dim3A_28 = vector.shape_cast %reduce_sum3A_27 : vector<100xf32> to vector<1x100xf32>
    %sqrt3A_29 = math.sqrt %broadcast_in_dim3A_28 : vector<1x100xf32>
    %max3A_30 = arith.constant 9.99999996E-13 : f32
    %max3A_31 = vector.broadcast %max3A_30 : f32 to vector<1x100xf32>
    %max3A_32 = arith.maximumf %sqrt3A_29, %max3A_31 : vector<1x100xf32>
    %div3A_33 = vector.broadcast %max3A_32 : vector<1x100xf32> to vector<128x100xf32>
    %div3A_34 = arith.divf %get3A_24, %div3A_33 : vector<128x100xf32>
    %swap3A_35 = arith.constant 0 : index
    %swap3A_36 = arith.constant 0 : index
    %swap3A_37 = vector.load %arg8[%swap3A_35, %swap3A_36] : memref<128x100xf32, #tpu.memory_space<vmem>>, vector<128x100xf32>
    tpu.vector_store %arg8[%swap3A_35, %swap3A_36], %div3A_34 {strides = array<i32>} : memref<128x100xf32, #tpu.memory_space<vmem>>, vector<128x100xf32>,
    return
  }
  func.func @transform_0(%arg0: i32) -> (i32, i32) {
    %c0_i32 = arith.constant 0 : i32
    %c0_i32_0 = arith.constant 0 : i32
    return %arg0, %c0_i32 : i32, i32
  }
  func.func @transform_1(%arg0: i32) -> (i32, i32) {
    %c0_i32 = arith.constant 0 : i32
    %c0_i32_0 = arith.constant 0 : i32
    %c0_i32_1 = arith.constant 0 : i32
    return %c0_i32, %c0_i32_0 : i32, i32
  }
  func.func @transform_2(%arg0: i32) -> (i32, i32) {
    %c0_i32 = arith.constant 0 : i32
    %c0_i32_0 = arith.constant 0 : i32
    %c0_i32_1 = arith.constant 0 : i32
    return %c0_i32, %c0_i32_0 : i32, i32
  }
  func.func @transform_3(%arg0: i32) -> (i32, i32) {
    %c0_i32 = arith.constant 0 : i32
    %c0_i32_0 = arith.constant 0 : i32
    %c0_i32_1 = arith.constant 0 : i32
    return %c0_i32, %c0_i32_0 : i32, i32
  }
  func.func @transform_4(%arg0: i32) -> (i32, i32) {
    %c0_i32 = arith.constant 0 : i32
    %c0_i32_0 = arith.constant 0 : i32
    %c0_i32_1 = arith.constant 0 : i32
    return %c0_i32, %c0_i32_0 : i32, i32
  }
  func.func @transform_5(%arg0: i32) -> (i32, i32) {
    %c0_i32 = arith.constant 0 : i32
    %c0_i32_0 = arith.constant 0 : i32
    return %arg0, %c0_i32 : i32, i32
  }
  func.func @transform_6(%arg0: i32) -> (i32, i32) {
    %c0_i32 = arith.constant 0 : i32
    %c0_i32_0 = arith.constant 0 : i32
    %c0_i32_1 = arith.constant 0 : i32
    return %c0_i32, %c0_i32_0 : i32, i32
  }
  func.func @transform_7(%arg0: i32) -> (i32, i32) {
    %c0_i32 = arith.constant 0 : i32
    %c0_i32_0 = arith.constant 0 : i32
    %c0_i32_1 = arith.constant 0 : i32
    return %c0_i32, %c0_i32_0 : i32, i32
  }
}

module attributes {stable_mosaic.version = 14 : i64} {
  func.func @_tc_post_body(%arg0: i32, %arg1: memref<2x2000x128xf32, #tpu.memory_space<vmem>>, %arg2: memref<2000x2xf32, #tpu.memory_space<vmem>>, %arg3: memref<2000x128xf32, #tpu.memory_space<vmem>>, %arg4: memref<128x128xf32, #tpu.memory_space<vmem>>, %arg5: memref<128x50xf32, #tpu.memory_space<vmem>>, %arg6: memref<128x100xf32, #tpu.memory_space<vmem>>, %arg7: memref<2000x50xf32, #tpu.memory_space<vmem>>, %arg8: memref<2000x100xf32, #tpu.memory_space<vmem>>, %arg9: memref<2000x128xf32, #tpu.memory_space<vmem>>) attributes {dimension_semantics = [#tpu.dimension_semantics<arbitrary>], iteration_bounds = array<i64: 5>, scalar_prefetch = 0 : i64, scratch_operands = 0 : i64, tpu.core_type = #tpu.core_type<tc>, window_params = [{transform_indices = @transform_0, window_bounds = array<i64: 2, 2000, 128>}, {transform_indices = @transform_1, window_bounds = array<i64: 2000, 2>}, {transform_indices = @transform_2, window_bounds = array<i64: 2000, 128>}, {pipeline_mode = #tpu.pipeline_mode<synchronous>, transform_indices = @transform_3, window_bounds = array<i64: 128, 128>}, {pipeline_mode = #tpu.pipeline_mode<synchronous>, transform_indices = @transform_4, window_bounds = array<i64: 128, 50>}, {pipeline_mode = #tpu.pipeline_mode<synchronous>, transform_indices = @transform_5, window_bounds = array<i64: 128, 100>}, {transform_indices = @transform_6, window_bounds = array<i64: 2000, 50>}, {transform_indices = @transform_7, window_bounds = array<i64: 2000, 100>}, {transform_indices = @transform_8, window_bounds = array<i64: 2000, 128>}]} {
    %get3A = arith.constant 0 : index
    %get3A_0 = arith.constant 0 : index
    %get3A_1 = arith.constant 0 : index
    %get3A_2 = vector.load %arg1[%get3A, %get3A_0, %get3A_1] : memref<2x2000x128xf32, #tpu.memory_space<vmem>>, vector<1x2000x128xf32>
    %get3A_3 = vector.shape_cast %get3A_2 : vector<1x2000x128xf32> to vector<2000x128xf32>
    %get3A_4 = arith.constant 1 : index
    %get3A_5 = arith.constant 0 : index
    %get3A_6 = arith.constant 0 : index
    %get3A_7 = vector.load %arg1[%get3A_4, %get3A_5, %get3A_6] : memref<2x2000x128xf32, #tpu.memory_space<vmem>>, vector<1x2000x128xf32>
    %get3A_8 = vector.shape_cast %get3A_7 : vector<1x2000x128xf32> to vector<2000x128xf32>
    %add3A = arith.addf %get3A_3, %get3A_8 : vector<2000x128xf32>
    %get3A_9 = arith.constant 0 : index
    %get3A_10 = arith.constant 0 : index
    %get3A_11 = vector.load %arg2[%get3A_9, %get3A_10] : memref<2000x2xf32, #tpu.memory_space<vmem>>, vector<2000x1xf32>
    %get3A_12 = arith.constant 0 : index
    %get3A_13 = arith.constant 1 : index
    %get3A_14 = vector.load %arg2[%get3A_12, %get3A_13] : memref<2000x2xf32, #tpu.memory_space<vmem>>, vector<2000x1xf32>
    %add3A_15 = arith.addf %get3A_11, %get3A_14 : vector<2000x1xf32>
    %max3A = arith.constant 1.000000e+00 : f32
    %max3A_16 = vector.broadcast %max3A : f32 to vector<2000x1xf32>
    %max3A_17 = arith.maximumf %add3A_15, %max3A_16 : vector<2000x1xf32>
    %div3A = vector.broadcast %max3A_17 : vector<2000x1xf32> to vector<2000x128xf32>
    %div3A_18 = arith.divf %add3A, %div3A : vector<2000x128xf32>
    %get3A_19 = arith.constant 0 : index
    %get3A_20 = arith.constant 0 : index
    %get3A_21 = vector.load %arg4[%get3A_19, %get3A_20] : memref<128x128xf32, #tpu.memory_space<vmem>>, vector<128x128xf32>
    %transpose3A = tpu.transpose %get3A_21, [1, 0] : vector<128x128xf32> -> vector<128x128xf32>
    %dot_general3A = arith.constant dense<0.000000e+00> : vector<2000x128xf32>
    %dot_general3A_22 = tpu.matmul %div3A_18, %transpose3A, %dot_general3A {dimension_numbers = #tpu.dot_dimension_numbers<[1], [0], [0], [1], [0, 0, 1, 1], [], []>, precision = #tpu.contract_precision<fp32>, transpose_lhs_hint = false} : vector<2000x128xf32>, vector<128x128xf32>, vector<2000x128xf32> -> vector<2000x128xf32>
    %get3A_23 = arith.constant 0 : index
    %get3A_24 = arith.constant 0 : index
    %get3A_25 = vector.load %arg3[%get3A_23, %get3A_24] : memref<2000x128xf32, #tpu.memory_space<vmem>>, vector<2000x128xf32>
    %add3A_26 = arith.addf %dot_general3A_22, %get3A_25 : vector<2000x128xf32>
    %swap3A = arith.constant 0 : index
    %swap3A_27 = arith.constant 0 : index
    %swap3A_28 = vector.load %arg9[%swap3A, %swap3A_27] : memref<2000x128xf32, #tpu.memory_space<vmem>>, vector<2000x128xf32>
    tpu.vector_store %arg9[%swap3A, %swap3A_27], %add3A_26 {strides = array<i32>} : memref<2000x128xf32, #tpu.memory_space<vmem>>, vector<2000x128xf32>,
    %mul3A = arith.mulf %add3A_26, %add3A_26 : vector<2000x128xf32>
    %reduce_sum3A = arith.constant dense<0.000000e+00> : vector<2000xf32>
    %reduce_sum3A_29 = vector.multi_reduction <add>, %mul3A, %reduce_sum3A [1] : vector<2000x128xf32> to vector<2000xf32>
    %broadcast_in_dim3A = vector.shape_cast %reduce_sum3A_29 : vector<2000xf32> to vector<2000x1xf32>
    %sqrt3A = math.sqrt %broadcast_in_dim3A : vector<2000x1xf32>
    %max3A_30 = arith.constant 9.99999996E-13 : f32
    %max3A_31 = vector.broadcast %max3A_30 : f32 to vector<2000x1xf32>
    %max3A_32 = arith.maximumf %sqrt3A, %max3A_31 : vector<2000x1xf32>
    %div3A_33 = vector.broadcast %max3A_32 : vector<2000x1xf32> to vector<2000x128xf32>
    %div3A_34 = arith.divf %add3A_26, %div3A_33 : vector<2000x128xf32>
    %get3A_35 = arith.constant 0 : index
    %get3A_36 = arith.constant 0 : index
    %get3A_37 = vector.load %arg5[%get3A_35, %get3A_36] : memref<128x50xf32, #tpu.memory_space<vmem>>, vector<128x50xf32>
    %dot_general3A_38 = arith.constant dense<0.000000e+00> : vector<2000x50xf32>
    %dot_general3A_39 = tpu.matmul %div3A_34, %get3A_37, %dot_general3A_38 {dimension_numbers = #tpu.dot_dimension_numbers<[1], [0], [0], [1], [0, 0, 1, 1], [], []>, precision = #tpu.contract_precision<fp32>, transpose_lhs_hint = false} : vector<2000x128xf32>, vector<128x50xf32>, vector<2000x50xf32> -> vector<2000x50xf32>
    %mul3A_40 = arith.constant 1.000000e+01 : f32
    %mul3A_41 = vector.broadcast %mul3A_40 : f32 to vector<2000x50xf32>
    %mul3A_42 = arith.mulf %mul3A_41, %dot_general3A_39 : vector<2000x50xf32>
    %swap3A_43 = arith.constant 0 : index
    %swap3A_44 = arith.constant 0 : index
    %swap3A_45 = vector.load %arg7[%swap3A_43, %swap3A_44] : memref<2000x50xf32, #tpu.memory_space<vmem>>, vector<2000x50xf32>
    tpu.vector_store %arg7[%swap3A_43, %swap3A_44], %mul3A_42 {strides = array<i32>} : memref<2000x50xf32, #tpu.memory_space<vmem>>, vector<2000x50xf32>,
    %get3A_46 = arith.constant 0 : index
    %get3A_47 = arith.constant 0 : index
    %get3A_48 = vector.load %arg6[%get3A_46, %get3A_47] : memref<128x100xf32, #tpu.memory_space<vmem>>, vector<128x100xf32>
    %dot_general3A_49 = arith.constant dense<0.000000e+00> : vector<2000x100xf32>
    %dot_general3A_50 = tpu.matmul %div3A_34, %get3A_48, %dot_general3A_49 {dimension_numbers = #tpu.dot_dimension_numbers<[1], [0], [0], [1], [0, 0, 1, 1], [], []>, precision = #tpu.contract_precision<fp32>, transpose_lhs_hint = false} : vector<2000x128xf32>, vector<128x100xf32>, vector<2000x100xf32> -> vector<2000x100xf32>
    %mul3A_51 = arith.constant 1.000000e+01 : f32
    %mul3A_52 = vector.broadcast %mul3A_51 : f32 to vector<2000x100xf32>
    %mul3A_53 = arith.mulf %mul3A_52, %dot_general3A_50 : vector<2000x100xf32>
    %swap3A_54 = arith.constant 0 : index
    %swap3A_55 = arith.constant 0 : index
    %swap3A_56 = vector.load %arg8[%swap3A_54, %swap3A_55] : memref<2000x100xf32, #tpu.memory_space<vmem>>, vector<2000x100xf32>
    tpu.vector_store %arg8[%swap3A_54, %swap3A_55], %mul3A_53 {strides = array<i32>} : memref<2000x100xf32, #tpu.memory_space<vmem>>, vector<2000x100xf32>,
    return
  }
  func.func @transform_0(%arg0: i32) -> (i32, i32, i32) {
    %c0_i32 = arith.constant 0 : i32
    %c0_i32_0 = arith.constant 0 : i32
    %c0_i32_1 = arith.constant 0 : i32
    return %c0_i32, %arg0, %c0_i32_0 : i32, i32, i32
  }
  func.func @transform_1(%arg0: i32) -> (i32, i32) {
    %c0_i32 = arith.constant 0 : i32
    %c0_i32_0 = arith.constant 0 : i32
    return %arg0, %c0_i32 : i32, i32
  }
  func.func @transform_2(%arg0: i32) -> (i32, i32) {
    %c0_i32 = arith.constant 0 : i32
    %c0_i32_0 = arith.constant 0 : i32
    return %arg0, %c0_i32 : i32, i32
  }
  func.func @transform_3(%arg0: i32) -> (i32, i32) {
    %c0_i32 = arith.constant 0 : i32
    %c0_i32_0 = arith.constant 0 : i32
    %c0_i32_1 = arith.constant 0 : i32
    return %c0_i32, %c0_i32_0 : i32, i32
  }
  func.func @transform_4(%arg0: i32) -> (i32, i32) {
    %c0_i32 = arith.constant 0 : i32
    %c0_i32_0 = arith.constant 0 : i32
    %c0_i32_1 = arith.constant 0 : i32
    return %c0_i32, %c0_i32_0 : i32, i32
  }
  func.func @transform_5(%arg0: i32) -> (i32, i32) {
    %c0_i32 = arith.constant 0 : i32
    %c0_i32_0 = arith.constant 0 : i32
    %c0_i32_1 = arith.constant 0 : i32
    return %c0_i32, %c0_i32_0 : i32, i32
  }
  func.func @transform_6(%arg0: i32) -> (i32, i32) {
    %c0_i32 = arith.constant 0 : i32
    %c0_i32_0 = arith.constant 0 : i32
    return %arg0, %c0_i32 : i32, i32
  }
  func.func @transform_7(%arg0: i32) -> (i32, i32) {
    %c0_i32 = arith.constant 0 : i32
    %c0_i32_0 = arith.constant 0 : i32
    return %arg0, %c0_i32 : i32, i32
  }
  func.func @transform_8(%arg0: i32) -> (i32, i32) {
    %c0_i32 = arith.constant 0 : i32
    %c0_i32_0 = arith.constant 0 : i32
    return %arg0, %c0_i32 : i32, i32
  }
}

</mosaic_0001>

<sc_bundles>
// kernel: kernel.5.cloned.1.call-start
scs
__scs_entry_jumppad:
0x0: {  	(pc) =	sbr.rel $0x88, $3  }
0x1: {  	(tag) =	ssettag $0x0;
	lr =	simm.s32 $0x1  }
0x2: {  	[smem:$0x3F9A] =	sst lr;
	_ =	strace $0xD0000000  }
0x3: {  	_ = 	snop  }
0x4: {  	_ = 	snop  }
0x5: {  	_ = 	snop  }
0x6: {  	_ = 	snop  }
0x7: {  	_ = 	snop  }
__scs_overlays_trampoline_lowered:
0x8: {  	[smem:$0x3FA9] =	sst s0  }
0x9: {  	[smem:$0x3FAA] =	sst s1  }
0xa: {  	[smem:$0x3FAB] =	sst s2  }
0xb: {  	[smem:$0x3FAC] =	sst s3  }
0xc: {  	[smem:$0x3FAD] =	sst s4  }
0xd: {  	[smem:$0x3FAE] =	sst s5  }
0xe: {  	[smem:$0x3FAF] =	sst s6  }
0xf: {  	[smem:$0x3FB0] =	sst s7  }
0x10: {  	[smem:$0x3FB1] =	sst s8  }
0x11: {  	[smem:$0x3FB2] =	sst s9;
	s0 =	simm.s32 @!p0 $0x0  }
0x12: {  	s1 =	sld [smem:$0x3F98];
	s0 =	simm.s32 @p0 $0x1  }
0x13: {  	[smem:$0x3FB3] =	sst s0;
	s0 =	simm.s32 @!p1 $0x0  }
0x14: {  	s2 =	sld [smem:$0x3F97];
	s0 =	simm.s32 @p1 $0x1  }
0x15: {  	[smem:$0x3FB4] =	sst s0;
	s0 =	simm.s32 @!p2 $0x0  }
0x16: {  	s3 =	sld [smem:$0x3FDB];
	s0 =	simm.s32 @p2 $0x1  }
0x17: {  	s4 =	simm.s32 $0x1BF5;
	[smem:$0x3FB6] =	sst s0  }
0x18: {  	s0 =	sld [smem:$0x3F99];
	_ =	swait.ge [sflag:s4], $0x0  }
0x19: {  	s7 =	sld [smem:$0x3F9A]  }
0x1a: {  	s8 =	sadd.s32 $0xFFFFE003, lr  }
0x1b: {  	s9 =	sadd.s32 $0xFFFFFEF7, lr;
	s5 =	simm.s32 $0xFFFFFFFF;
	p2 =	slt.u32 s8, $0xFFFFF086  }
0x1c: {  	p1 =	slt.u32 s9, $0xF7A;
	s5 =	simm.s32 @!p2 $0x0  }
0x1d: {  	s5 =	simm.s32 @p1 $0x1;
	p0 =	seq.s32 s7, s2  }
0x1e: {  	s7 =	smul.u32 @!p0 $0xF7A, s2;
	p2 =	seq.s32 @!p0 s5, $0x0  }
0x1f: {  	s9 =	smul.u32 $0xF7A, s1;
	s8 =	simm.s32 @!p0 $0x1BF5;
	p2 =	por !p2, p0  }
0x20: {  	[sflag:s8] =	ssyncset.s32 @!p0 $0xFFFFF086;
	s6 =	sadd.s32 @!p0 s3, s7;
	s7 =	simm.s32 @!p0 $0x108  }
0x21: {  	s3 =	sadd.s32 s3, s9;
	s6 =	sadd.s32 @!p0 $0x88, s6;
	s7 =	simm.s32 @p2 $0x1082  }
0x22: {  	[simem:s7], [sflag:s8] =	dma.local @!p0 [hbm:s6], $0xF7A  }
0x23: {  	s9 =	sor.u32 $0xD0000000, s2;
	s6 =	simm.s32 $0x108;
	_ =	swait.ge @!p0 [sflag:s8], $0x0  }
0x24: {  	s3 =	sadd.s32 $0x88, s3;
	s6 =	simm.s32 @!p1 $0x1082;
	[sflag:s4] =	ssyncset.s32 $0xFFFFF086  }
0x25: {  	[simem:s6], [sflag:s4] =	dma.local [hbm:s3], $0xF7A  }
0x26: {  	[smem:$0x3F9A] =	sst s1;
	(tag) =	ssettag s2;
	_ =	strace s9  }
0x27: {  	s1 =	sld [smem:$0x3FAA]  }
0x28: {  	s2 =	sld [smem:$0x3FAB]  }
0x29: {  	s4 =	sld [smem:$0x3FAD]  }
0x2a: {  	p0 =	seq.s32 s5, $0x0;
	s5 =	sld [smem:$0x3FAE]  }
0x2b: {  	s6 =	sld [smem:$0x3FAF]  }
0x2c: {  	s7 =	sld [smem:$0x3FB0]  }
0x2d: {  	s3 =	simm.s32 $0x108;
	s8 =	sld [smem:$0x3FB1]  }
0x2e: {  	s3 =	simm.s32 @!p0 $0x1082;
	s9 =	sld [smem:$0x3FB2]  }
0x2f: {  	lr =	sadd.s32 s0, s3;
	s0 =	sld [smem:$0x3FA9]  }
0x30: {  	s3 =	sld [smem:$0x3FAC]  }
0x31: {  	[smem:$0x3FB5] =	sst s10  }
0x32: {  	s10 =	sld [smem:$0x3FB3];
	_ =	sdelay $0x3  }
0x33: {  	p0 =	seq.s32 s10, $0x1;
	s10 =	sld [smem:$0x3FB5];
	_ =	sdelay $0x3  }
0x34: {  	[smem:$0x3FB5] =	sst s10  }
0x35: {  	s10 =	sld [smem:$0x3FB4];
	_ =	sdelay $0x3  }
0x36: {  	p1 =	seq.s32 s10, $0x1;
	s10 =	sld [smem:$0x3FB5];
	_ =	sdelay $0x3  }
0x37: {  	[smem:$0x3FB5] =	sst s10  }
0x38: {  	s10 =	sld [smem:$0x3FB6]  }
0x39: {  	_ = 	snop;
	(pc) =	sbr.ind lr, $3  }
0x3a: {  	_ = 	snop  }
0x3b: {  	_ = 	snop  }
0x3c: {  	p2 =	seq.s32 s10, $0x1;
	s10 =	sld [smem:$0x3FB5]  }
0x3d: {  	_ =	shalt  }
0x3e: {  	_ =	shalt  }
0x3f: {  	_ =	shalt  }
0x40: {  	_ =	shalt  }
0x41: {  	_ =	shalt  }
0x42: {  	_ =	shalt  }
0x43: {  	_ =	shalt  }
0x44: {  	_ =	shalt  }
0x45: {  	_ =	shalt  }
0x46: {  	_ =	shalt  }
0x47: {  	_ =	shalt  }
0x48: {  	_ =	shalt  }
0x49: {  	_ =	shalt  }
0x4a: {  	_ =	shalt  }
0x4b: {  	_ =	shalt  }
0x4c: {  	_ =	shalt  }
0x4d: {  	_ =	shalt  }
0x4e: {  	_ =	shalt  }
0x4f: {  	_ =	shalt  }
0x50: {  	_ =	shalt  }
0x51: {  	_ =	shalt  }
0x52: {  	_ =	shalt  }
0x53: {  	_ =	shalt  }
0x54: {  	_ =	shalt  }
0x55: {  	_ =	shalt  }
0x56: {  	_ =	shalt  }
0x57: {  	_ =	shalt  }
0x58: {  	_ =	shalt  }
0x59: {  	_ =	shalt  }
0x5a: {  	_ =	shalt  }
0x5b: {  	_ =	shalt  }
0x5c: {  	_ =	shalt  }
0x5d: {  	_ =	shalt  }
0x5e: {  	_ =	shalt  }
0x5f: {  	_ =	shalt  }
0x60: {  	_ =	shalt  }
0x61: {  	_ =	shalt  }
0x62: {  	_ =	shalt  }
0x63: {  	_ =	shalt  }
0x64: {  	_ =	shalt  }
0x65: {  	_ =	shalt  }
0x66: {  	_ =	shalt  }
0x67: {  	_ =	shalt  }
0x68: {  	_ =	shalt  }
0x69: {  	_ =	shalt  }
0x6a: {  	_ =	shalt  }
0x6b: {  	_ =	shalt  }
0x6c: {  	_ =	shalt  }
0x6d: {  	_ =	shalt  }
0x6e: {  	_ =	shalt  }
0x6f: {  	_ =	shalt  }
0x70: {  	_ =	shalt  }
0x71: {  	_ =	shalt  }
0x72: {  	_ =	shalt  }
0x73: {  	_ =	shalt  }
0x74: {  	_ =	shalt  }
0x75: {  	_ =	shalt  }
0x76: {  	_ =	shalt  }
0x77: {  	_ =	shalt  }
0x78: {  	_ =	shalt  }
0x79: {  	_ =	shalt  }
0x7a: {  	_ =	shalt  }
0x7b: {  	_ =	shalt  }
0x7c: {  	_ =	shalt  }
0x7d: {  	_ =	shalt  }
0x7e: {  	_ =	shalt  }
0x7f: {  	_ =	shalt  }
0x80: {  	_ =	shalt  }
0x81: {  	_ =	shalt  }
0x82: {  	_ =	shalt  }
0x83: {  	_ =	shalt  }
0x84: {  	_ =	shalt  }
0x85: {  	_ =	shalt  }
0x86: {  	_ =	shalt  }
0x87: {  	_ =	shalt  }
.Lfunc_end0:
.L_simem_size_0:
called_computation_lowered:
.L_overlay_start_0:
0x88: {  	s2 =	sld [smem:$0x3FD9]  }
0x89: {  	s3 =	sld [smem:$0x3FFE];
	_ =	sdelay $0x1  }
0x8a: {  	s1 =	srdreg.scid  }
0x8b: {  	s0 =	sand.u32 $0x1, s1  }
0x8c: {  	s14 =	sshll.u32 s0, $0xA;
	s2 =	sadd.s32 s3, s2  }
0x8d: {  	s2 =	sadd.s32 s2, s14  }
0x8e: {  	[smem:$0x3FC1] =	sst s2  }
0x8f: {  	_ = 	snop  }
0x90: {  	s2 =	sld [smem:$0x3FD0];
	_ =	sdelay $0x2  }
0x91: {  	s4 =	simm.s32 $0xA;
	s5 =	simm.s32 $0x10;
	s15 =	sld [smem:$0x3FC9]  }
0x92: {  	[smem:s5], [sflag:s4] =	dma.local [hbm:s2], $0x1  }
0x93: {  	_ =	swait.eq [sflag:s4], $0x1  }
0x94: {  	s16 =	sld [smem:$0x10];
	[sflag:s4] =	ssyncset.done $0x0  }
0x95: {  	s17 =	sld [smem:$0x11];
	[sflag:s4] =	ssyncadd.s32 $0xFFFFFFFF  }
0x96: {  	s18 =	sld [smem:$0x12];
	(tm) =	ssettm $0x1  }
0x97: {  	s6 =	sld [smem:$0x3FFB];
	_ =	sdelay $0x3  }
0x98: {  	_ =	strace s6  }
0x99: {  	s6 =	sld [smem:$0x3FFC];
	_ =	sdelay $0x3  }
0x9a: {  	_ =	strace s6  }
0x9b: {  	s6 =	sld [smem:$0x3FFD];
	_ =	sdelay $0x3  }
0x9c: {  	_ =	strace s6  }
0x9d: {  	_ =	strace $0x8FFFFFFF  }
0x9e: {  	s19 =	sld [smem:$0x3FDB];
	_ =	sdelay $0x1  }
0x9f: {  	s7 =	simm.s32 $_scs_section_size  }
0xa0: {  	s8 =	simm.s32 $_size__tile_overlayer_lowered;
	s9 =	simm.s32 $_tile_overlayer_lowered  }
0xa1: {  	s22 =	simm.s32 $0x1BFF;
	s21 =	sshll.u32 s9, $0x1;
	s6 =	sadd.s32 s7, s19  }
0xa2: {  	s10 =	simm.s32 $0x0;
	s20 =	sshll.u32 s8, $0x1;
	s8 =	sadd.s32 s21, s6  }
0xa3: {  	[timem:s10], [sflag:s22] =	dma.local [hbm:s8], s20  }
0xa4: {  	_ =	swait.ge [sflag:s22], s20  }
0xa5: {  	s7 =	ssub.s32 $0x0, s20;
	[sflag:s22] =	ssyncset.done $0x0  }
0xa6: {  	[sflag:s22] =	ssyncadd.s32 s7;
	_ =	sdelay $0x1  }
0xa7: {  	s23 =	simm.s32 $0x1B8B  }
0xa8: {  	_ =	swait.ge [sflag:s23], $0x1  }
0xa9: {  	[sflag:s23] =	ssyncset.done $0x0  }
0xaa: {  	s25 =	simm.s32 $0x1B8E;
	s24 =	sld [smem:$0x3FFE];
	[sflag:s23] =	ssyncadd.s32 $0xFFFFFFFF  }
0xab: {  	s26 =	simm.s32 $execute0_lowered;
	[smem:$0x3FD2] =	sst s25  }
0xac: {  	s8 =	sshll.u32 s26, $0x1;
	_ =	strace $0x80000046;
	[dreg:$0x1] =	wrdreg $0xFFFFFFFF  }
0xad: {  	s28 =	simm.s32 $_size_execute0_lowered;
	s6 =	sadd.s32 s6, s8;
	[dreg:$0x0] =	wrdreg $0x0  }
0xae: {  	s8 =	sshll.u32 s28, $0x1;
	[dreg:$0x2] =	wrdreg s6  }
0xaf: {  	[dreg:$0x3] =	wrdreg s8  }
0xb0: {  	[dreg:$0x4] =	wrdreg $0xC0  }
0xb1: {  	_ =	task [dreg:s10], $0x5FFFF  }
0xb2: {  	[dreg:$0x1] =	wrdreg $0xFFFFFFFF  }
0xb3: {  	[dreg:$0x0] =	wrdreg $0x60  }
0xb4: {  	[dreg:$0x2] =	wrdreg s15  }
0xb5: {  	[dreg:$0x3] =	wrdreg s17  }
0xb6: {  	[dreg:$0x4] =	wrdreg s18  }
0xb7: {  	[dreg:$0x5] =	wrdreg s24  }
0xb8: {  	[dreg:$0x6] =	wrdreg s16  }
0xb9: {  	[dreg:$0x7] =	wrdreg $0xAC800  }
0xba: {  	[dreg:$0x8] =	wrdreg $0x1E5000  }
0xbb: {  	[dreg:$0x9] =	wrdreg $0x9  }
0xbc: {  	_ =	task.clear_ibuf [dreg:s10], $0xAFFFF;
	_ =	strace $0x90000046  }
0xbd: {  	s29 =	simm.s32 $0x9;
	_ =	strace $0x80000048  }
0xbe: {  	_ =	swait.ge [sflag:s29], $0x1  }
0xbf: {  	[sflag:s29] =	ssyncadd.s32 $0xFFFFFFFF  }
0xc0: {  	_ =	strace $0x90000048  }
0xc1: {  	_ =	sfence  }
0xc2: {  	s30 =	sld [smem:$0x0];
	_ =	sdelay $0x2  }
0xc3: {  	s31 =	sshll.u32 s1, $0xD;
	s1 =	sshrl.u32 s1, $0x2  }
0xc4: {  	s3 =	sand.u32 $0x4000, s31;
	s1 =	sadd.s32 s1, s30  }
0xc5: {  	s0 =	sor.u32 s3, s0;
	s1 =	sshll.u32 s1, $0x11  }
0xc6: {  	s0 =	sor.u32 s1, s0  }
0xc7: {  	s0 =	sadd.s32 $0x8F2B, s0  }
0xc8: {  	[sflag:s0] =	ssyncadd.remote.s32 $0x1  }
0xc9: {  	_ =	sfence.sel $0xFFFF  }
0xca: {  	[dreg:$0x0] =	wrdreg $0xFFFFFFFF;
	(pc) =	sbr.abs _section_cstart, $3  }
0xcb: {  	[dreg:$0x1] =	wrdreg $0xFFFFFFFF  }
0xcc: {  	_ =	task.clear_ibuf [dreg:s10], $0x2FFFF;
	_ =	strace $0x9FFFFFFF  }
0xcd: {  	(tm) =	ssettm $0x7FFFFFFF  }
tec
execute0_lowered:
.L_overlay_start_1:
0x0: {  	(tag) =	ssettag $0x1  }
0x1: {  	s1 =	rddreg [dreg:$0x0]  }
0x2: {  	s2 =	rddreg [dreg:$0x1];
	s0 =	srdreg.scid  }
0x3: {  	s22 =	stileid.u32;
	s4 =	rddreg [dreg:$0x3]  }
0x4: {  	s6 =	rddreg [dreg:$0x4];
	s3 =	simm.s32 $0x0;
	s11 =	smul.u32 $0x13C00, s22  }
0x5: {  	s5 =	sand.u32 $0x1, s0;
	s17 =	sshll.u32 s22, $0x1;
	s25 =	smul.u32 $0x500, s22  }
0x6: {  	[smem:$0x7FF] =	sst s3;
	s12 =	sadd.s32 $0x2400, s4;
	s15 =	smul.u32 $0x4E20, s22  }
0x7: {  	s4 =	sadd.s32 $0x1E00, s4;
	s0 =	sor.u32 s5, s17;
	s8 =	smul.u32 $0x138800, s5  }
0x8: {  	s7 =	ssub.s32 $0x2, s5;
	s17 =	sshll.u32 s5, $0x7;
	s0 =	smul.u32 $0x2710, s0  }
0x9: {  	s9 =	sshrl.u32 s7, $0x1;
	s16 =	sadd.s32 $0x10000, s11;
	s18 =	sadd.s32 s11, s8  }
0xa: {  	s26 =	sadd.s32 s8, s16;
	s10 =	sshrl.u32 s0, $0x3;
	s0 =	ssub.s32 s7, s9  }
0xb: {  	s9 =	sadd.s32 $0x4000, s11;
	s7 =	sshrl.u32 s18, $0x3;
	s18 =	smul.u32 $0x2710, s5  }
0xc: {  	s5 =	sshll.u32 s5, $0x4;
	s23 =	sadd.s32 s2, s10;
	s10 =	sadd.s32 $0x8000, s11  }
0xd: {  	s13 =	sadd.s32 s8, s9;
	s7 =	sadd.s32 s12, s7;
	s5 =	sadd.s32 s5, s6  }
0xe: {  	s14 =	sadd.s32 s8, s10;
	[dreg:$0x9] =	wrdreg s7;
	s19 =	sshrl.u32 s13, $0x3  }
0xf: {  	s15 =	sadd.s32 s18, s15;
	s20 =	sshrl.u32 s14, $0x3;
	s7 =	sadd.s32 s12, s19  }
0x10: {  	s14 =	sshrl.u32 s26, $0x3;
	s18 =	sadd.s32 $0x4E580, s15;
	s19 =	sadd.s32 $0x4E480, s15  }
0x11: {  	s26 =	sadd.s32 $0x4E300, s15;
	[dreg:$0xa] =	wrdreg s7;
	s21 =	sadd.s32 s12, s20  }
0x12: {  	s7 =	sadd.s32 $0xC000, s11;
	s11 =	sor.u32 s17, s25;
	s17 =	rddreg [dreg:$0x6]  }
0x13: {  	s14 =	sadd.s32 s12, s14;
	s20 =	sshrl.u32 s19, $0x3;
	[dreg:$0xb] =	wrdreg s21  }
0x14: {  	s19 =	sadd.s32 $0x4E500, s15;
	s24 =	sadd.s32 s8, s7;
	[dreg:$0xd] =	wrdreg s14  }
0x15: {  	s11 =	sshrl.u32 s11, $0x3;
	s8 =	sshrl.u32 s8, $0x3;
	s21 =	sadd.s32 $0x4E400, s15  }
0x16: {  	s13 =	sshrl.u32 s24, $0x3;
	s11 =	sadd.s32 s6, s11;
	s8 =	sadd.s32 s12, s8  }
0x17: {  	s24 =	sadd.s32 $0x4E380, s15;
	s6 =	sshrl.u32 s21, $0x3;
	s15 =	rddreg [dreg:$0x5]  }
0x18: {  	s13 =	sadd.s32 s12, s13;
	[dreg:$0xe] =	wrdreg s11;
	s25 =	sshrl.u32 s24, $0x3  }
0x19: {  	s11 =	sshrl.u32 s18, $0x3;
	[dreg:$0xc] =	wrdreg s13;
	s14 =	sadd.s32 s25, s2  }
0x1a: {  	s25 =	sadd.s32 s9, s15;
	_ =	strace $0x80000047;
	[dreg:$0xf] =	wrdreg s4  }
0x1b: {  	s18 =	sshrl.u32 s26, $0x3;
	s26 =	sadd.s32 s10, s15;
	[dreg:$0x12] =	wrdreg s25  }
0x1c: {  	s13 =	sadd.s32 s6, s2;
	s6 =	sadd.s32 $0x25080, s8;
	[dreg:$0x13] =	wrdreg s26  }
0x1d: {  	p0 =	seq.s32 s22, $0xF;
	s9 =	sadd.s32 $0x26080, s8;
	[dreg:$0x15] =	wrdreg s6  }
0x1e: {  	s0 =	smax.u32 s0, $0x1;
	s10 =	sadd.s32 $0x26880, s8;
	[dreg:$0x17] =	wrdreg s9  }
0x1f: {  	s21 =	smul.u32 $0xA00, s22;
	s12 =	sadd.s32 s20, s2;
	[dreg:$0x18] =	wrdreg s10  }
0x20: {  	s20 =	smul.u32 $0x4F000, s22;
	s22 =	sadd.s32 $0x9C40, s23;
	[smem:$0x7F6] =	sst s0  }
0x21: {  	s29 =	simm.s32 $0x2900;
	[smem:$0x7FA] =	sst s22  }
0x22: {  	s31 =	simm.s32 $0x3;
	s4 =	sadd.s32 s7, s15;
	[dreg:$0x8] =	wrdreg s23  }
0x23: {  	s28 =	simm.s32 $0x6;
	s7 =	sadd.s32 $0x25880, s8;
	[dreg:$0x14] =	wrdreg s4  }
0x24: {  	s19 =	sshrl.u32 s19, $0x3;
	s25 =	sadd.s32 $0x960, s5;
	[dreg:$0x16] =	wrdreg s7  }
0x25: {  	s24 =	sshrl.u32 s21, $0x2;
	s10 =	sadd.s32 $0x134400, s15;
	[dreg:$0x1a] =	wrdreg s25  }
0x26: {  	s19 =	sadd.s32 s19, s2;
	s24 =	sadd.s32 s24, s17;
	[smem:$0x7F7] =	sst s10  }
0x27: {  	s20 =	sshrl.u32 s20, $0x2;
	s9 =	sadd.s32 $0x12C400, s15;
	[dreg:$0x11] =	wrdreg s24  }
0x28: {  	s21 =	sadd.s32 s20, s15;
	s20 =	sadd.s32 $0x27080, s8;
	[smem:$0x7FD] =	sst s9  }
0x29: {  	s30 =	sadd.s32 $0x128400, s15;
	s7 =	sadd.s32 s16, s15;
	[dreg:$0x19] =	wrdreg s20  }
0x2a: {  	s11 =	sadd.s32 s11, s2;
	s8 =	sadd.s32 $0x130400, s15;
	[dreg:$0x1f] =	wrdreg s7  }
0x2b: {  	s18 =	sadd.s32 s18, s2;
	s16 =	sadd.s32 $0x138400, s15;
	[smem:$0x7F5] =	sst s8  }
0x2c: {  	s2 =	simm.s32 $0x1;
	s25 =	sadd.s32 $0x9C50, s23;
	[smem:$0x7F8] =	sst s16  }
0x2d: {  	s0 =	simm.s32 $0x2800;
	s22 =	simm.s32 $0x5;
	[smem:$0x7FB] =	sst s25  }
0x2e: {  	s26 =	sadd.s32 $0x4000, s21;
	s4 =	sadd.s32 $0x8000, s21;
	[dreg:$0x10] =	wrdreg s21  }
0x2f: {  	s5 =	sadd.s32 $0xC000, s21;
	s6 =	sadd.s32 $0x10000, s21;
	[dreg:$0x1b] =	wrdreg s26  }
0x30: {  	s20 =	sadd.s32 $0x2580, s17;
	s16 =	simm.s32 $0x2780;
	[dreg:$0x1c] =	wrdreg s4  }
.Ltmp0:
0x31: {  	s8 =	simm.s32 $0x6900;
	[dreg:$0x1d] =	wrdreg s5;
	(pc) =	sbr.rel .LBB2_1-.Ltmp0, $4  }
0x32: {  	s25 =	simm.s32 $0xA980;
	s7 =	simm.s32 $0x7;
	[dreg:$0x1e] =	wrdreg s6  }
0x33: {  	[smem:$0x7F9] =	sst s20;
	s26 =	sadd.s32 $0xA120, s23;
	s20 =	simm.s32 $0x8  }
0x34: {  	s5 =	simm.s32 $0x80;
	s6 =	simm.s32 $0x2;
	s4 =	simm.s32 $0x4  }
0x35: {  	v0 =	vimm.f32 $1.000000000e+00;
	s23 =	simm.s32 $0x0;
	[smem:$0x7FC] =	sst s26;
	s26 =	simm.s32 $0x2880  }
.LBB2_4:
0x36: {  	_ =	swait.ge [sflag:s7], $0x4000  }
0x37: {  	[sflag:s7] =	ssyncset.done $0x0  }
0x38: {  	[sflag:s7] =	ssyncadd.s32 $0xFFFFC000  }
0x39: {  	_ =	swait.ge [sflag:s7], $0x80  }
0x3a: {  	s9 =	sld [smem:$0x7FC]  }
0x3b: {  	[sflag:s7] =	ssyncset.done $0x0  }
0x3c: {  	s10 =	simm.s32 $0xA900;
	s24 =	simm.s32 $0x8;
	[sflag:s7] =	ssyncadd.s32 $0xFFFFFF80  }
0x3d: {  	[tilespmem:s10], [sflag:$0x8] =	stream.linear.gather [hbm4b:s9+s3], $0x10, $0x38;
	[tilespmem:$0x1E778] =	vst v63  }
0x3e: {  	_ =	swait.ge [sflag:s24], $0x10  }
0x3f: {  	[sflag:s24] =	ssyncset.done $0x0  }
0x40: {  	s20 =	simm.s32 $0x10;
	s21 =	simm.s32 $0x2700;
	[sflag:s24] =	ssyncadd.s32 $0xFFFFFFF0  }
0x41: {  	[tilespmem:s29], [sflag:$0x4] =	stream.indirect.gather [hbm4b:s1+s20], $0x80, s21, s20, $0xb8;
	[tilespmem:$0x1E778] =	vst v63  }
0x42: {  	_ =	swait.ge [sflag:s4], $0x800  }
0x43: {  	[sflag:s4] =	ssyncset.done $0x0  }
0x44: {  	[sflag:s4] =	ssyncadd.s32 $0xFFFFF800  }
0x45: {  	[spmem:s15] =	stream.indirect.scatter.add.f32 [tilespmem:s29], [sflag:$0x8], $0x80, s10, s20, $0xb8;
	[tilespmem:$0x1E778] =	vst v63  }
0x46: {  	_ =	swait.ge [sflag:s24], $0x800  }
0x47: {  	[sflag:s24] =	ssyncset.done $0x0  }
0x48: {  	[sflag:s24] =	ssyncadd.s32 $0xFFFFF800  }
0x49: {  	[spmem:s17] =	stream.indirect.scatter.add.f32 [tilespmem:s25], [sflag:$0x8], $0x1, s10, s20, $0xb8;
	[tilespmem:$0x1E778] =	vst v63  }
0x4a: {  	_ =	swait.ge [sflag:s24], $0x10  }
0x4b: {  	[sflag:s24] =	ssyncset.done $0x0  }
0x4c: {  	[sflag:s24] =	ssyncadd.s32 $0xFFFFFFF0  }
0x4d: {  	s10 =	simm.s32 @p0 $0x2900;
	s20 =	simm.s32 @p0 $0x8;
	[bflag:$0x0] =	sbarrier.arrive $0xFFFF  }
0x4e: {  	[tilespmem:s10], [sflag:$0x8] =	stream.linear.gather @p0 [spmem:s30], $0x4000, $0x38;
	[tilespmem:$0x1E778] =	vst v63  }
0x4f: {  	_ =	swait.ge @p0 [sflag:s20], $0x4000  }
0x50: {  	[sflag:s20] =	ssyncset.done @p0 $0x0  }
0x51: {  	s21 =	simm.s32 @p0 $0x0;
	s9 =	rddreg [dreg:$0x15];
	[sflag:s20] =	ssyncadd.s32 @p0 $0xFFFFC000  }
0x52: {  	[hbm4b:s9+s21] =	stream.linear.scatter @p0 [tilespmem:s10], [sflag:$0x8], $0x4000, $0x38;
	[tilespmem:$0x1E778] =	vst v63  }
0x53: {  	_ =	swait.ge @p0 [sflag:s20], $0x4000  }
0x54: {  	s9 =	sld [smem:$0x7FD]  }
0x55: {  	[sflag:s20] =	ssyncset.done @p0 $0x0  }
0x56: {  	[sflag:s20] =	ssyncadd.s32 @p0 $0xFFFFC000  }
0x57: {  	[tilespmem:s10], [sflag:$0x8] =	stream.linear.gather @p0 [spmem:s9], $0x4000, $0x38;
	[tilespmem:$0x1E778] =	vst v63  }
0x58: {  	_ =	swait.ge @p0 [sflag:s20], $0x4000  }
0x59: {  	[sflag:s20] =	ssyncset.done @p0 $0x0  }
0x5a: {  	s9 =	rddreg [dreg:$0x16];
	[sflag:s20] =	ssyncadd.s32 @p0 $0xFFFFC000  }
0x5b: {  	[hbm4b:s9+s21] =	stream.linear.scatter @p0 [tilespmem:s10], [sflag:$0x8], $0x4000, $0x38;
	[tilespmem:$0x1E778] =	vst v63  }
0x5c: {  	_ =	swait.ge @p0 [sflag:s20], $0x4000  }
0x5d: {  	s9 =	sld [smem:$0x7F5]  }
0x5e: {  	[sflag:s20] =	ssyncset.done @p0 $0x0  }
0x5f: {  	[sflag:s20] =	ssyncadd.s32 @p0 $0xFFFFC000  }
0x60: {  	[tilespmem:s10], [sflag:$0x8] =	stream.linear.gather @p0 [spmem:s9], $0x4000, $0x38;
	[tilespmem:$0x1E778] =	vst v63  }
0x61: {  	_ =	swait.ge @p0 [sflag:s20], $0x4000  }
0x62: {  	[sflag:s20] =	ssyncset.done @p0 $0x0  }
0x63: {  	s9 =	rddreg [dreg:$0x17];
	[sflag:s20] =	ssyncadd.s32 @p0 $0xFFFFC000  }
0x64: {  	[hbm4b:s9+s21] =	stream.linear.scatter @p0 [tilespmem:s10], [sflag:$0x8], $0x4000, $0x38;
	[tilespmem:$0x1E778] =	vst v63  }
0x65: {  	_ =	swait.ge @p0 [sflag:s20], $0x4000  }
0x66: {  	s9 =	sld [smem:$0x7F7]  }
0x67: {  	[sflag:s20] =	ssyncset.done @p0 $0x0  }
0x68: {  	[sflag:s20] =	ssyncadd.s32 @p0 $0xFFFFC000  }
0x69: {  	[tilespmem:s10], [sflag:$0x8] =	stream.linear.gather @p0 [spmem:s9], $0x4000, $0x38;
	[tilespmem:$0x1E778] =	vst v63  }
0x6a: {  	_ =	swait.ge @p0 [sflag:s20], $0x4000  }
0x6b: {  	[sflag:s20] =	ssyncset.done @p0 $0x0  }
0x6c: {  	s9 =	rddreg [dreg:$0x18];
	[sflag:s20] =	ssyncadd.s32 @p0 $0xFFFFC000  }
0x6d: {  	[hbm4b:s9+s21] =	stream.linear.scatter @p0 [tilespmem:s10], [sflag:$0x8], $0x4000, $0x38;
	[tilespmem:$0x1E778] =	vst v63  }
0x6e: {  	_ =	swait.ge @p0 [sflag:s20], $0x4000  }
0x6f: {  	s9 =	sld [smem:$0x7F8]  }
0x70: {  	[sflag:s20] =	ssyncset.done @p0 $0x0  }
0x71: {  	[sflag:s20] =	ssyncadd.s32 @p0 $0xFFFFC000  }
0x72: {  	[tilespmem:s10], [sflag:$0x8] =	stream.linear.gather @p0 [spmem:s9], $0x400, $0x38;
	[tilespmem:$0x1E778] =	vst v63  }
0x73: {  	_ =	swait.ge @p0 [sflag:s20], $0x400  }
0x74: {  	[sflag:s20] =	ssyncset.done @p0 $0x0  }
0x75: {  	s9 =	rddreg [dreg:$0x19];
	[sflag:s20] =	ssyncadd.s32 @p0 $0xFFFFFC00  }
0x76: {  	[hbm4b:s9+s21] =	stream.linear.scatter @p0 [tilespmem:s10], [sflag:$0x8], $0x400, $0x38;
	[tilespmem:$0x1E778] =	vst v63  }
0x77: {  	_ =	swait.ge @p0 [sflag:s20], $0x400  }
0x78: {  	s9 =	sld [smem:$0x7F9]  }
0x79: {  	[sflag:s20] =	ssyncset.done @p0 $0x0  }
0x7a: {  	s10 =	simm.s32 @p0 $0xAA00;
	[sflag:s20] =	ssyncadd.s32 @p0 $0xFFFFFC00  }
0x7b: {  	[tilespmem:s10], [sflag:$0x8] =	stream.linear.gather @p0 [spmem:s9], $0x200, $0x38;
	[tilespmem:$0x1E778] =	vst v63  }
0x7c: {  	_ =	swait.ge @p0 [sflag:s20], $0x200  }
0x7d: {  	s23 =	simm.s32 @p0 $0x100;
	[sflag:s20] =	ssyncset.done @p0 $0x0  }
0x7e: {  	s21 =	simm.s32 @p0 $0x80;
	s9 =	rddreg [dreg:$0x1a];
	[sflag:s20] =	ssyncadd.s32 @p0 $0xFFFFFE00  }
0x7f: {  	[hbm4b:s9+s21] =	stream.strided.scatter @p0 [tilespmem:s10], [sflag:$0x8], $0x200, s23, s21, $0x38;
	[tilespmem:$0x1E778] =	vst v63  }
0x80: {  	_ =	swait.ge @p0 [sflag:s20], $0x200  }
0x81: {  	s10 =	simm.s32 @!p0 $0x2900;
	[sflag:s20] =	ssyncset.done @p0 $0x0  }
0x82: {  	s9 =	rddreg [dreg:$0x10];
	[sflag:s20] =	ssyncadd.s32 @p0 $0xFFFFFE00;
	s20 =	simm.s32 @!p0 $0x8  }
0x83: {  	[tilespmem:s10], [sflag:$0x8] =	stream.linear.gather @!p0 [spmem:s9], $0x4000, $0x38;
	[tilespmem:$0x1E778] =	vst v63  }
0x84: {  	_ =	swait.ge @!p0 [sflag:s20], $0x4000  }
0x85: {  	[sflag:s20] =	ssyncset.done @!p0 $0x0  }
0x86: {  	s21 =	simm.s32 @!p0 $0x0;
	s23 =	rddreg [dreg:$0x9];
	[sflag:s20] =	ssyncadd.s32 @!p0 $0xFFFFC000  }
0x87: {  	[hbm4b:s23+s21] =	stream.linear.scatter @!p0 [tilespmem:s10], [sflag:$0x8], $0x4000, $0x38;
	[tilespmem:$0x1E778] =	vst v63  }
0x88: {  	_ =	swait.ge @!p0 [sflag:s20], $0x4000  }
0x89: {  	[sflag:s20] =	ssyncset.done @!p0 $0x0  }
0x8a: {  	s23 =	rddreg [dreg:$0x12];
	[sflag:s20] =	ssyncadd.s32 @!p0 $0xFFFFC000  }
0x8b: {  	[tilespmem:s10], [sflag:$0x8] =	stream.linear.gather @!p0 [spmem:s23], $0x4000, $0x38;
	[tilespmem:$0x1E778] =	vst v63  }
0x8c: {  	_ =	swait.ge @!p0 [sflag:s20], $0x4000  }
0x8d: {  	[sflag:s20] =	ssyncset.done @!p0 $0x0  }
0x8e: {  	s23 =	rddreg [dreg:$0xa];
	[sflag:s20] =	ssyncadd.s32 @!p0 $0xFFFFC000  }
0x8f: {  	[hbm4b:s23+s21] =	stream.linear.scatter @!p0 [tilespmem:s10], [sflag:$0x8], $0x4000, $0x38;
	[tilespmem:$0x1E778] =	vst v63  }
0x90: {  	_ =	swait.ge @!p0 [sflag:s20], $0x4000  }
0x91: {  	[sflag:s20] =	ssyncset.done @!p0 $0x0  }
0x92: {  	s23 =	rddreg [dreg:$0x13];
	[sflag:s20] =	ssyncadd.s32 @!p0 $0xFFFFC000  }
0x93: {  	[tilespmem:s10], [sflag:$0x8] =	stream.linear.gather @!p0 [spmem:s23], $0x4000, $0x38;
	[tilespmem:$0x1E778] =	vst v63  }
0x94: {  	_ =	swait.ge @!p0 [sflag:s20], $0x4000  }
0x95: {  	[sflag:s20] =	ssyncset.done @!p0 $0x0  }
0x96: {  	s23 =	rddreg [dreg:$0xb];
	[sflag:s20] =	ssyncadd.s32 @!p0 $0xFFFFC000  }
0x97: {  	[hbm4b:s23+s21] =	stream.linear.scatter @!p0 [tilespmem:s10], [sflag:$0x8], $0x4000, $0x38;
	[tilespmem:$0x1E778] =	vst v63  }
0x98: {  	_ =	swait.ge @!p0 [sflag:s20], $0x4000  }
0x99: {  	[sflag:s20] =	ssyncset.done @!p0 $0x0  }
0x9a: {  	s23 =	rddreg [dreg:$0x14];
	[sflag:s20] =	ssyncadd.s32 @!p0 $0xFFFFC000  }
0x9b: {  	[tilespmem:s10], [sflag:$0x8] =	stream.linear.gather @!p0 [spmem:s23], $0x4000, $0x38;
	[tilespmem:$0x1E778] =	vst v63  }
0x9c: {  	_ =	swait.ge @!p0 [sflag:s20], $0x4000  }
0x9d: {  	[sflag:s20] =	ssyncset.done @!p0 $0x0  }
0x9e: {  	s23 =	rddreg [dreg:$0xc];
	[sflag:s20] =	ssyncadd.s32 @!p0 $0xFFFFC000  }
0x9f: {  	[hbm4b:s23+s21] =	stream.linear.scatter @!p0 [tilespmem:s10], [sflag:$0x8], $0x4000, $0x38;
	[tilespmem:$0x1E778] =	vst v63  }
0xa0: {  	_ =	swait.ge @!p0 [sflag:s20], $0x4000  }
0xa1: {  	[sflag:s20] =	ssyncset.done @!p0 $0x0  }
0xa2: {  	s9 =	rddreg [dreg:$0x1f];
	[sflag:s20] =	ssyncadd.s32 @!p0 $0xFFFFC000  }
0xa3: {  	[tilespmem:s10], [sflag:$0x8] =	stream.linear.gather @!p0 [spmem:s9], $0x3C00, $0x38;
	[tilespmem:$0x1E778] =	vst v63  }
0xa4: {  	_ =	swait.ge @!p0 [sflag:s20], $0x3C00  }
0xa5: {  	[sflag:s20] =	ssyncset.done @!p0 $0x0  }
0xa6: {  	s23 =	rddreg [dreg:$0xd];
	[sflag:s20] =	ssyncadd.s32 @!p0 $0xFFFFC400  }
0xa7: {  	[hbm4b:s23+s21] =	stream.linear.scatter @!p0 [tilespmem:s10], [sflag:$0x8], $0x3C00, $0x38;
	[tilespmem:$0x1E778] =	vst v63  }
0xa8: {  	_ =	swait.ge @!p0 [sflag:s20], $0x3C00  }
0xa9: {  	s9 =	smov.u32 s30;
	[sflag:s20] =	ssyncset.done @!p0 $0x0  }
0xaa: {  	s10 =	simm.s32 @!p0 $0xAA00;
	s30 =	rddreg [dreg:$0x11];
	[sflag:s20] =	ssyncadd.s32 @!p0 $0xFFFFC400  }
0xab: {  	[tilespmem:s10], [sflag:$0x8] =	stream.linear.gather @!p0 [spmem:s30], $0x280, $0x38;
	[tilespmem:$0x1E778] =	vst v63  }
0xac: {  	_ =	swait.ge @!p0 [sflag:s20], $0x280  }
0xad: {  	s21 =	simm.s32 @!p0 $0x80;
	[sflag:s20] =	ssyncset.done @!p0 $0x0  }
0xae: {  	s23 =	simm.s32 @!p0 $0x100;
	s24 =	rddreg [dreg:$0xe];
	[sflag:s20] =	ssyncadd.s32 @!p0 $0xFFFFFD80  }
0xaf: {  	[hbm4b:s24+s21] =	stream.strided.scatter @!p0 [tilespmem:s10], [sflag:$0x8], $0x280, s23, s21, $0x38;
	[tilespmem:$0x1E778] =	vst v63  }
0xb0: {  	s24 =	smov.u32 s30;
	s30 =	smov.u32 s9;
	s9 =	sld [smem:$0x7FD]  }
0xb1: {  	s21 =	rddreg [dreg:$0x10];
	_ =	swait.ge @!p0 [sflag:s20], $0x280  }
0xb2: {  	s10 =	sld [smem:$0x7F4];
	_ =	sdelay $0x2  }
0xb3: {  	s23 =	sadd.s32 $0x1, s10;
	s10 =	sld [smem:$0x7F6];
	_ =	sdelay $0x2  }
0xb4: {  	p1 =	sne.s32 s23, s10  }
.Ltmp1:
0xb5: {  	_ = 	snop;
	(pc) =	sbr.rel @!p1 .LBB2_5-.Ltmp1, $3  }
0xb6: {  	_ =	sdelay $0x1  }
0xb7: {  	[sflag:s20] =	ssyncset.done @!p0 $0x0  }
0xb8: {  	[sflag:s20] =	ssyncadd.s32 @!p0 $0xFFFFFD80;
	s20 =	simm.s32 $0x8  }
.LBB2_1:
0xb9: {  	[smem:$0x7F4] =	sst s23  }
0xba: {  	s10 =	rddreg [dreg:$0x8]  }
0xbb: {  	[tilespmem:s3], [sflag:$0x3] =	stream.linear.gather [hbm4b:s10+s3], $0x2710, $0x38;
	[tilespmem:$0x1E778] =	vst v63  }
0xbc: {  	s23 =	rddreg [dreg:$0x2]  }
0xbd: {  	[tilespmem:s29], [sflag:$0x8] =	stream.linear.gather [hbm4b:s23+s3], $0x4000, $0x38;
	[tilespmem:$0x1E778] =	vst v63  }
0xbe: {  	_ =	swait.ge [sflag:s20], $0x4000  }
0xbf: {  	[sflag:s20] =	ssyncset.done $0x0  }
0xc0: {  	s23 =	simm.s32 $0xAA00;
	s10 =	rddreg [dreg:$0xf];
	[sflag:s20] =	ssyncadd.s32 $0xFFFFC000  }
0xc1: {  	[tilespmem:s23], [sflag:$0x8] =	stream.linear.gather [hbm4b:s10+s3], $0x280, $0x38;
	[tilespmem:$0x1E778] =	vst v63  }
0xc2: {  	_ =	swait.ge [sflag:s20], $0x280  }
0xc3: {  	[sflag:s20] =	ssyncset.done $0x0  }
0xc4: {  	s10 =	simm.s32 @p0 $0x2900;
	[sflag:s20] =	ssyncadd.s32 $0xFFFFFD80;
	s20 =	simm.s32 @p0 $0x8  }
0xc5: {  	[spmem:s30] =	stream.linear.scatter @p0 [tilespmem:s10], [sflag:$0x8], $0x4000, $0x38;
	[tilespmem:$0x1E778] =	vst v63  }
0xc6: {  	_ =	swait.ge @p0 [sflag:s20], $0x4000  }
0xc7: {  	[sflag:s20] =	ssyncset.done @p0 $0x0  }
0xc8: {  	[sflag:s20] =	ssyncadd.s32 @p0 $0xFFFFC000  }
0xc9: {  	[spmem:s9] =	stream.linear.scatter @p0 [tilespmem:s10], [sflag:$0x8], $0x4000, $0x38;
	[tilespmem:$0x1E778] =	vst v63  }
0xca: {  	_ =	swait.ge @p0 [sflag:s20], $0x4000  }
0xcb: {  	s9 =	sld [smem:$0x7F5]  }
0xcc: {  	[sflag:s20] =	ssyncset.done @p0 $0x0  }
0xcd: {  	[sflag:s20] =	ssyncadd.s32 @p0 $0xFFFFC000  }
0xce: {  	[spmem:s9] =	stream.linear.scatter @p0 [tilespmem:s10], [sflag:$0x8], $0x4000, $0x38;
	[tilespmem:$0x1E778] =	vst v63  }
0xcf: {  	_ =	swait.ge @p0 [sflag:s20], $0x4000  }
0xd0: {  	s9 =	sld [smem:$0x7F7]  }
0xd1: {  	[sflag:s20] =	ssyncset.done @p0 $0x0  }
0xd2: {  	[sflag:s20] =	ssyncadd.s32 @p0 $0xFFFFC000  }
0xd3: {  	[spmem:s9] =	stream.linear.scatter @p0 [tilespmem:s10], [sflag:$0x8], $0x4000, $0x38;
	[tilespmem:$0x1E778] =	vst v63  }
0xd4: {  	_ =	swait.ge @p0 [sflag:s20], $0x4000  }
0xd5: {  	s9 =	sld [smem:$0x7F8]  }
0xd6: {  	[sflag:s20] =	ssyncset.done @p0 $0x0  }
0xd7: {  	[sflag:s20] =	ssyncadd.s32 @p0 $0xFFFFC000  }
0xd8: {  	[spmem:s9] =	stream.linear.scatter @p0 [tilespmem:s10], [sflag:$0x8], $0x400, $0x38;
	[tilespmem:$0x1E778] =	vst v63  }
0xd9: {  	_ =	swait.ge @p0 [sflag:s20], $0x400  }
0xda: {  	s9 =	sld [smem:$0x7F9]  }
0xdb: {  	[sflag:s20] =	ssyncset.done @p0 $0x0  }
0xdc: {  	s10 =	simm.s32 @p0 $0xAA00;
	[sflag:s20] =	ssyncadd.s32 @p0 $0xFFFFFC00  }
0xdd: {  	[spmem:s9] =	stream.linear.scatter @p0 [tilespmem:s10], [sflag:$0x8], $0x200, $0x38;
	[tilespmem:$0x1E778] =	vst v63  }
0xde: {  	_ =	swait.ge @p0 [sflag:s20], $0x200  }
0xdf: {  	[sflag:s20] =	ssyncset.done @p0 $0x0  }
0xe0: {  	s10 =	simm.s32 @!p0 $0x2900;
	[sflag:s20] =	ssyncadd.s32 @p0 $0xFFFFFE00;
	s20 =	simm.s32 @!p0 $0x8  }
0xe1: {  	[spmem:s21] =	stream.linear.scatter @!p0 [tilespmem:s10], [sflag:$0x8], $0x4000, $0x38;
	[tilespmem:$0x1E778] =	vst v63  }
0xe2: {  	_ =	swait.ge @!p0 [sflag:s20], $0x4000  }
0xe3: {  	[sflag:s20] =	ssyncset.done @!p0 $0x0  }
0xe4: {  	s9 =	rddreg [dreg:$0x1b];
	[sflag:s20] =	ssyncadd.s32 @!p0 $0xFFFFC000  }
0xe5: {  	[spmem:s9] =	stream.linear.scatter @!p0 [tilespmem:s10], [sflag:$0x8], $0x4000, $0x38;
	[tilespmem:$0x1E778] =	vst v63  }
0xe6: {  	_ =	swait.ge @!p0 [sflag:s20], $0x4000  }
0xe7: {  	[sflag:s20] =	ssyncset.done @!p0 $0x0  }
0xe8: {  	s9 =	rddreg [dreg:$0x1c];
	[sflag:s20] =	ssyncadd.s32 @!p0 $0xFFFFC000  }
0xe9: {  	[spmem:s9] =	stream.linear.scatter @!p0 [tilespmem:s10], [sflag:$0x8], $0x4000, $0x38;
	[tilespmem:$0x1E778] =	vst v63  }
0xea: {  	_ =	swait.ge @!p0 [sflag:s20], $0x4000  }
0xeb: {  	[sflag:s20] =	ssyncset.done @!p0 $0x0  }
0xec: {  	s9 =	rddreg [dreg:$0x1d];
	[sflag:s20] =	ssyncadd.s32 @!p0 $0xFFFFC000  }
0xed: {  	[spmem:s9] =	stream.linear.scatter @!p0 [tilespmem:s10], [sflag:$0x8], $0x4000, $0x38;
	[tilespmem:$0x1E778] =	vst v63  }
0xee: {  	_ =	swait.ge @!p0 [sflag:s20], $0x4000  }
0xef: {  	[sflag:s20] =	ssyncset.done @!p0 $0x0  }
0xf0: {  	s9 =	rddreg [dreg:$0x1e];
	[sflag:s20] =	ssyncadd.s32 @!p0 $0xFFFFC000  }
0xf1: {  	[spmem:s9] =	stream.linear.scatter @!p0 [tilespmem:s10], [sflag:$0x8], $0x3C00, $0x38;
	[tilespmem:$0x1E778] =	vst v63  }
0xf2: {  	_ =	swait.ge @!p0 [sflag:s20], $0x3C00  }
0xf3: {  	[sflag:s20] =	ssyncset.done @!p0 $0x0  }
0xf4: {  	s10 =	simm.s32 @!p0 $0xAA00;
	[sflag:s20] =	ssyncadd.s32 @!p0 $0xFFFFC400  }
0xf5: {  	[spmem:s24] =	stream.linear.scatter @!p0 [tilespmem:s10], [sflag:$0x8], $0x280, $0x38;
	[tilespmem:$0x1E778] =	vst v63  }
0xf6: {  	_ =	swait.ge @!p0 [sflag:s20], $0x280  }
0xf7: {  	[sflag:s20] =	ssyncset.done @!p0 $0x0  }
0xf8: {  	[sflag:s20] =	ssyncadd.s32 @!p0 $0xFFFFFD80  }
0xf9: {  	[tilespmem:$0xA980] =	vst v0  }
0xfa: {  	[tilespmem:$0xA990] =	vst v0  }
0xfb: {  	[tilespmem:$0xA9A0] =	vst v0  }
0xfc: {  	[tilespmem:$0xA9B0] =	vst v0  }
0xfd: {  	[tilespmem:$0xA9C0] =	vst v0  }
0xfe: {  	[tilespmem:$0xA9D0] =	vst v0  }
0xff: {  	[tilespmem:$0xA9E0] =	vst v0  }
0x100: {  	[tilespmem:$0xA9F0] =	vst v0  }
0x101: {  	_ =	swait.ge [sflag:s31], $0x2710  }
0x102: {  	[sflag:s31] =	ssyncset.done $0x0  }
0x103: {  	[sflag:s31] =	ssyncadd.s32 $0xFFFFD8F0  }
0x104: {  	[bflag:$0x0] =	sbarrier.arrive $0xFFFF  }
0x105: {  	s23 =	sld [smem:$0x7FA];
	_ =	sdelay $0x1  }
0x106: {  	s24 =	sld [smem:$0x7FB]  }
0x107: {  	[tilespmem:s16], [sflag:$0x1] =	stream.linear.gather [hbm4b:s23+s3], $0x80, $0x38;
	[tilespmem:$0x1E778] =	vst v63  }
0x108: {  	_ = 	snop  }
0x109: {  	[tilespmem:s0], [sflag:$0x2] =	stream.linear.gather [hbm4b:s24+s3], $0x80, $0x38;
	[tilespmem:$0x1E778] =	vst v63  }
0x10a: {  	_ =	swait.ge [sflag:s2], $0x80  }
0x10b: {  	[sflag:s2] =	ssyncset.done $0x0  }
0x10c: {  	s10 =	simm.s32 $0x180;
	s20 =	simm.s32 $0x0;
	[sflag:s2] =	ssyncadd.s32 $0xFFFFFF80  }
0x10d: {  	[tilespmem:s29], [sflag:$0x4] =	stream.indirect.gather [hbm4b:s1+s5], $0x80, s3, s5, $0xb8;
	[tilespmem:$0x1E778] =	vst v63  }
.LBB2_2:
0x10e: {  	p1 =	seq.s32 s20, $0x0  }
0x10f: {  	s23 =	simm.s32 @!p1 $0x7  }
0x110: {  	_ =	swait.ge @!p1 [sflag:s23], $0x4000  }
0x111: {  	[sflag:s23] =	ssyncset.done @!p1 $0x0  }
0x112: {  	[sflag:s23] =	ssyncadd.s32 @!p1 $0xFFFFC000  }
0x113: {  	_ =	swait.ge @!p1 [sflag:s23], $0x80  }
0x114: {  	[sflag:s23] =	ssyncset.done @!p1 $0x0  }
0x115: {  	[sflag:s23] =	ssyncadd.s32 @!p1 $0xFFFFFF80  }
0x116: {  	_ =	swait.ge [sflag:s6], $0x80  }
0x117: {  	[sflag:s6] =	ssyncset.done $0x0  }
0x118: {  	s21 =	sadd.s32 $0xFFFFFF00, s10;
	[sflag:s6] =	ssyncadd.s32 $0xFFFFFF80  }
0x119: {  	[tilespmem:s8], [sflag:$0x5] =	stream.indirect.gather [hbm4b:s1+s5], $0x80, s21, s5, $0xb8;
	[tilespmem:$0x1E778] =	vst v63  }
0x11a: {  	_ =	swait.ge [sflag:s4], $0x4000  }
0x11b: {  	[sflag:s4] =	ssyncset.done $0x0  }
0x11c: {  	[sflag:s4] =	ssyncadd.s32 $0xFFFFC000  }
0x11d: {  	[spmem:s15] =	stream.indirect.scatter.add.f32 [tilespmem:s29], [sflag:$0x6], $0x80, s16, s5, $0xb8;
	[tilespmem:$0x1E778] =	vst v63  }
0x11e: {  	_ = 	snop  }
0x11f: {  	[spmem:s17] =	stream.indirect.scatter.add.f32 [tilespmem:s25], [sflag:$0x6], $0x1, s16, s5, $0xb8;
	[tilespmem:$0x1E778] =	vst v63  }
0x120: {  	s24 =	sadd.s32 s20, s18  }
0x121: {  	[tilespmem:s26], [sflag:$0x3] =	stream.linear.gather [hbm4b:s24+s3], $0x80, $0x38;
	[tilespmem:$0x1E778] =	vst v63  }
0x122: {  	_ =	swait.ge [sflag:s28], $0x4000  }
0x123: {  	[sflag:s28] =	ssyncset.done $0x0  }
0x124: {  	[sflag:s28] =	ssyncadd.s32 $0xFFFFC000  }
0x125: {  	_ =	swait.ge [sflag:s28], $0x80  }
0x126: {  	[sflag:s28] =	ssyncset.done $0x0  }
0x127: {  	[sflag:s28] =	ssyncadd.s32 $0xFFFFFF80  }
0x128: {  	_ =	swait.ge [sflag:s31], $0x80  }
0x129: {  	[sflag:s31] =	ssyncset.done $0x0  }
0x12a: {  	s9 =	sadd.s32 $0xFFFFFF80, s10;
	[sflag:s31] =	ssyncadd.s32 $0xFFFFFF80  }
0x12b: {  	[tilespmem:s29], [sflag:$0x4] =	stream.indirect.gather [hbm4b:s1+s5], $0x80, s9, s5, $0xb8;
	[tilespmem:$0x1E778] =	vst v63  }
0x12c: {  	_ =	swait.ge [sflag:s22], $0x4000  }
0x12d: {  	[sflag:s22] =	ssyncset.done $0x0  }
0x12e: {  	[sflag:s22] =	ssyncadd.s32 $0xFFFFC000  }
0x12f: {  	[spmem:s15] =	stream.indirect.scatter.add.f32 [tilespmem:s8], [sflag:$0x7], $0x80, s0, s5, $0xb8;
	[tilespmem:$0x1E778] =	vst v63  }
0x130: {  	_ = 	snop  }
0x131: {  	[spmem:s17] =	stream.indirect.scatter.add.f32 [tilespmem:s25], [sflag:$0x7], $0x1, s0, s5, $0xb8;
	[tilespmem:$0x1E778] =	vst v63  }
0x132: {  	s21 =	sadd.s32 s20, s14  }
0x133: {  	[tilespmem:s16], [sflag:$0x1] =	stream.linear.gather [hbm4b:s21+s3], $0x80, $0x38;
	[tilespmem:$0x1E778] =	vst v63  }
0x134: {  	_ =	swait.ge [sflag:s7], $0x4000  }
0x135: {  	[sflag:s7] =	ssyncset.done $0x0  }
0x136: {  	[sflag:s7] =	ssyncadd.s32 $0xFFFFC000  }
0x137: {  	_ =	swait.ge [sflag:s7], $0x80  }
0x138: {  	[sflag:s7] =	ssyncset.done $0x0  }
0x139: {  	[sflag:s7] =	ssyncadd.s32 $0xFFFFFF80  }
0x13a: {  	_ =	swait.ge [sflag:s2], $0x80  }
0x13b: {  	[sflag:s2] =	ssyncset.done $0x0  }
0x13c: {  	[sflag:s2] =	ssyncadd.s32 $0xFFFFFF80  }
0x13d: {  	[tilespmem:s8], [sflag:$0x5] =	stream.indirect.gather [hbm4b:s1+s5], $0x80, s10, s5, $0xb8;
	[tilespmem:$0x1E778] =	vst v63  }
0x13e: {  	_ =	swait.ge [sflag:s4], $0x4000  }
0x13f: {  	[sflag:s4] =	ssyncset.done $0x0  }
0x140: {  	[sflag:s4] =	ssyncadd.s32 $0xFFFFC000  }
0x141: {  	[spmem:s15] =	stream.indirect.scatter.add.f32 [tilespmem:s29], [sflag:$0x6], $0x80, s26, s5, $0xb8;
	[tilespmem:$0x1E778] =	vst v63  }
0x142: {  	_ = 	snop  }
0x143: {  	[spmem:s17] =	stream.indirect.scatter.add.f32 [tilespmem:s25], [sflag:$0x6], $0x1, s26, s5, $0xb8;
	[tilespmem:$0x1E778] =	vst v63  }
0x144: {  	s24 =	sadd.s32 s20, s13  }
0x145: {  	[tilespmem:s0], [sflag:$0x2] =	stream.linear.gather [hbm4b:s24+s3], $0x80, $0x38;
	[tilespmem:$0x1E778] =	vst v63  }
0x146: {  	_ =	swait.ge [sflag:s28], $0x4000  }
0x147: {  	[sflag:s28] =	ssyncset.done $0x0  }
0x148: {  	[sflag:s28] =	ssyncadd.s32 $0xFFFFC000  }
0x149: {  	_ =	swait.ge [sflag:s28], $0x80  }
0x14a: {  	[sflag:s28] =	ssyncset.done $0x0  }
0x14b: {  	[sflag:s28] =	ssyncadd.s32 $0xFFFFFF80  }
0x14c: {  	_ =	swait.ge [sflag:s6], $0x80  }
0x14d: {  	[sflag:s6] =	ssyncset.done $0x0  }
0x14e: {  	s9 =	sadd.s32 $0x80, s10;
	[sflag:s6] =	ssyncadd.s32 $0xFFFFFF80  }
0x14f: {  	[tilespmem:s29], [sflag:$0x4] =	stream.indirect.gather [hbm4b:s1+s5], $0x80, s9, s5, $0xb8;
	[tilespmem:$0x1E778] =	vst v63  }
0x150: {  	_ =	swait.ge [sflag:s22], $0x4000  }
0x151: {  	[sflag:s22] =	ssyncset.done $0x0  }
0x152: {  	[sflag:s22] =	ssyncadd.s32 $0xFFFFC000  }
0x153: {  	[spmem:s15] =	stream.indirect.scatter.add.f32 [tilespmem:s8], [sflag:$0x7], $0x80, s16, s5, $0xb8;
	[tilespmem:$0x1E778] =	vst v63  }
0x154: {  	_ = 	snop  }
0x155: {  	[spmem:s17] =	stream.indirect.scatter.add.f32 [tilespmem:s25], [sflag:$0x7], $0x1, s16, s5, $0xb8;
	[tilespmem:$0x1E778] =	vst v63  }
0x156: {  	s21 =	sadd.s32 s20, s12  }
0x157: {  	[tilespmem:s26], [sflag:$0x3] =	stream.linear.gather [hbm4b:s21+s3], $0x80, $0x38;
	[tilespmem:$0x1E778] =	vst v63  }
0x158: {  	_ =	swait.ge [sflag:s7], $0x4000  }
0x159: {  	[sflag:s7] =	ssyncset.done $0x0  }
0x15a: {  	[sflag:s7] =	ssyncadd.s32 $0xFFFFC000  }
0x15b: {  	_ =	swait.ge [sflag:s7], $0x80  }
0x15c: {  	[sflag:s7] =	ssyncset.done $0x0  }
0x15d: {  	[sflag:s7] =	ssyncadd.s32 $0xFFFFFF80  }
0x15e: {  	_ =	swait.ge [sflag:s31], $0x80  }
0x15f: {  	[sflag:s31] =	ssyncset.done $0x0  }
0x160: {  	s24 =	sadd.s32 $0x100, s10;
	[sflag:s31] =	ssyncadd.s32 $0xFFFFFF80  }
0x161: {  	[tilespmem:s8], [sflag:$0x5] =	stream.indirect.gather [hbm4b:s1+s5], $0x80, s24, s5, $0xb8;
	[tilespmem:$0x1E778] =	vst v63  }
0x162: {  	_ =	swait.ge [sflag:s4], $0x4000  }
0x163: {  	[sflag:s4] =	ssyncset.done $0x0  }
0x164: {  	p1 =	seq.s32 s20, $0x480;
	[sflag:s4] =	ssyncadd.s32 $0xFFFFC000  }
0x165: {  	[spmem:s15] =	stream.indirect.scatter.add.f32 [tilespmem:s29], [sflag:$0x6], $0x80, s0, s5, $0xb8;
	[tilespmem:$0x1E778] =	vst v63  }
0x166: {  	s23 =	simm.s32 @p1 $0x6  }
0x167: {  	[spmem:s17] =	stream.indirect.scatter.add.f32 [tilespmem:s25], [sflag:$0x6], $0x1, s0, s5, $0xb8;
	[tilespmem:$0x1E778] =	vst v63  }
0x168: {  	_ =	swait.ge @p1 [sflag:s23], $0x4000  }
0x169: {  	[sflag:s23] =	ssyncset.done @p1 $0x0  }
0x16a: {  	[sflag:s23] =	ssyncadd.s32 @p1 $0xFFFFC000  }
0x16b: {  	_ =	swait.ge @p1 [sflag:s23], $0x80  }
0x16c: {  	s21 =	simm.s32 @!p1 $0x2780;
	[sflag:s23] =	ssyncset.done @p1 $0x0  }
0x16d: {  	s24 =	simm.s32 @!p1 $0x0;
	[sflag:s23] =	ssyncadd.s32 @p1 $0xFFFFFF80;
	s23 =	sadd.s32 @!p1 s20, s19  }
0x16e: {  	[tilespmem:s21], [sflag:$0x1] =	stream.linear.gather @!p1 [hbm4b:s23+s24], $0x80, $0x38;
	[tilespmem:$0x1E778] =	vst v63  }
0x16f: {  	s21 =	simm.s32 @!p1 $0x6  }
0x170: {  	_ =	swait.ge @!p1 [sflag:s21], $0x4000  }
0x171: {  	[sflag:s21] =	ssyncset.done @!p1 $0x0  }
0x172: {  	[sflag:s21] =	ssyncadd.s32 @!p1 $0xFFFFC000  }
0x173: {  	_ =	swait.ge @!p1 [sflag:s21], $0x80  }
0x174: {  	[sflag:s21] =	ssyncset.done @!p1 $0x0  }
0x175: {  	[sflag:s21] =	ssyncadd.s32 @!p1 $0xFFFFFF80;
	s21 =	simm.s32 @!p1 $0x1  }
0x176: {  	_ =	swait.ge @!p1 [sflag:s21], $0x80  }
0x177: {  	s23 =	simm.s32 @!p1 $0x80;
	[sflag:s21] =	ssyncset.done @!p1 $0x0  }
0x178: {  	s24 =	simm.s32 @!p1 $0x2900;
	[sflag:s21] =	ssyncadd.s32 @!p1 $0xFFFFFF80;
	s21 =	sadd.s32 @!p1 $0x180, s10  }
0x179: {  	[tilespmem:s24], [sflag:$0x4] =	stream.indirect.gather @!p1 [hbm4b:s1+s23], $0x80, s21, s23, $0xb8;
	[tilespmem:$0x1E778] =	vst v63  }
0x17a: {  	_ =	swait.ge [sflag:s22], $0x4000  }
.Ltmp2:
0x17b: {  	[sflag:s22] =	ssyncset.done $0x0;
	(pc) =	sbr.rel @p1 .LBB2_4-.Ltmp2, $4  }
0x17c: {  	[sflag:s22] =	ssyncadd.s32 $0xFFFFC000  }
0x17d: {  	[spmem:s15] =	stream.indirect.scatter.add.f32 [tilespmem:s8], [sflag:$0x7], $0x80, s26, s5, $0xb8;
	[tilespmem:$0x1E778] =	vst v63  }
0x17e: {  	_ = 	snop  }
0x17f: {  	[spmem:s17] =	stream.indirect.scatter.add.f32 [tilespmem:s25], [sflag:$0x7], $0x1, s26, s5, $0xb8;
	[tilespmem:$0x1E778] =	vst v63  }
.Ltmp3:
0x180: {  	(pc) =	sbr.rel .LBB2_2-.Ltmp3, $3  }
0x181: {  	_ =	sdelay $0x1  }
0x182: {  	s21 =	sadd.s32 s20, s11;
	s20 =	sadd.s32 $0x60, s20;
	s10 =	sadd.s32 $0x300, s10  }
0x183: {  	[tilespmem:s0], [sflag:$0x2] =	stream.linear.gather [hbm4b:s21+s3], $0x80, $0x38;
	[tilespmem:$0x1E778] =	vst v63  }
.LBB2_5:
0x184: {  	_ =	sfence.sel $0x180000  }
0x185: {  	[bflag:$0x0] =	sbarrier.arrive $0xFFFF  }
0x186: {  	_ =	strace $0x90000047  }
0x187: {  	s0 =	stileid.u32;
	[bflag:$0x2] =	sbarrier.arrive $0xFFFF  }
0x188: {  	p0 =	sne.s32 s0, $0x0;
	s0 =	rddreg [dreg:$0x7]  }
0x189: {  	s0 =	sadd.s32 @!p0 $0x100000, s0  }
0x18a: {  	[sflag:s0] =	ssyncadd.tile.s32 @!p0 $0x1;
	_ =	shalt  }
.Lfunc_end2:
_tile_overlayer_lowered:
.L_overlay_start_2:
0x18b: {  	(tag) =	ssettag $0x2  }
0x18c: {  	s0 =	rddreg [dreg:$0x0];
	s2 =	stileid.u32  }
0x18d: {  	s1 =	rddreg [dreg:$0x1];
	p0 =	sne.s32 s2, $0x0  }
0x18e: {  	s3 =	rddreg [dreg:$0x2];
	[bflag:$0x3] =	sbarrier.arrive $0xFFFF;
	s2 =	simm.s32 @!p0 $0x1C08  }
0x18f: {  	[timem:s3], [sflag:s2] =	dma.local @!p0 [hbm:s0], s1  }
0x190: {  	s0 =	simm.s32 @!p0 $0x8  }
0x191: {  	_ =	swait.ge @!p0 [sflag:s0], s1  }
0x192: {  	s1 =	ssub.s32 @!p0 $0x0, s1;
	[sflag:s0] =	ssyncset.done @!p0 $0x0  }
0x193: {  	[sflag:s0] =	ssyncadd.s32 @!p0 s1  }
0x194: {  	[bflag:$0x3] =	sbarrier.arrive $0xFFFF  }
0x195: {  	_ =	shalt  }

</sc_bundles>
